<compile_context>
chip_gen: v7x
topology: tpu7x:2x2x1
jax: 0.10.2.dev20260603
libtpu: 0.0.44.dev20260713+nightly
codegen_flags: <defaults>
</compile_context>

<pallas_src>
import functools

import jax
import jax.numpy as jnp
from jax import lax
from jax.experimental import pallas as pl
from jax.experimental.pallas import tpu as pltpu
from jax.experimental.pallas import tpu_sc as plsc

_R_MIN = 1.0
_R_MAX = 5.0
_L = 16
_NW = 32


def _tree_sum(vs):
    vs = list(vs)
    while len(vs) > 1:
        nxt = [vs[i] + vs[i + 1] for i in range(0, len(vs) - 1, 2)]
        if len(vs) % 2:
            nxt.append(vs[-1])
        vs = nxt
    return vs[0]


def _fast_rsqrt(x):
    bits = lax.bitcast_convert_type(x, jnp.int32)
    seed = jnp.int32(0x5F3759DF) - lax.shift_right_logical(bits, 1)
    y = lax.bitcast_convert_type(seed, jnp.float32)
    for _ in range(3):
        y = y * (1.5 - 0.5 * x * y * y)
    return y


@functools.lru_cache(maxsize=None)
def _make_sc_kernel(b_per_w):
    mesh = plsc.VectorSubcoreMesh(core_axis_name="c", subcore_axis_name="s")
    num_cores = 2
    @functools.partial(
        pl.kernel,
        mesh=mesh,
        compiler_params=pltpu.CompilerParams(
            needs_layout_passes=False, use_tc_tiling_on_sc=True),
        out_type=(
            jax.ShapeDtypeStruct((_NW, b_per_w), jnp.float32),
            jax.ShapeDtypeStruct((_NW, _L), jnp.float32),
        ),
        scratch_types=[
            pltpu.VMEM((b_per_w + _L,), jnp.int32),
            pltpu.VMEM((b_per_w + _L,), jnp.int32),
            pltpu.VMEM((_L, _L, 128), jnp.float32),
            pltpu.VMEM((_L, _L, 128), jnp.float32),
            pltpu.VMEM((b_per_w + _L,), jnp.float32),
            pltpu.VMEM((b_per_w + _L,), jnp.float32),
            pltpu.VMEM((_L,), jnp.float32),
            pltpu.SemaphoreType.DMA,
            pltpu.SemaphoreType.DMA,
        ],
    )
    def mf_kernel(uw_hbm, iw_hbm, rat_hbm, u_hbm, it_hbm, dum_hbm, out_hbm,
                  err_hbm, uidx_v, iidx_v, ubuf, ibuf, rat_v,
                  out_v, err_v, usem, isem):
        wid = lax.axis_index("s") * num_cores + lax.axis_index("c")

        pltpu.sync_copy(u_hbm.at[wid], uidx_v.at[pl.ds(0, b_per_w)])
        pltpu.sync_copy(it_hbm.at[wid], iidx_v.at[pl.ds(0, b_per_w)])
        pltpu.sync_copy(rat_hbm.at[wid], rat_v.at[pl.ds(0, b_per_w)])

        lane = lax.iota(jnp.int32, _L)
        err_v[...] = jnp.zeros((_L,), jnp.float32)
        inv_l = 1.0 / _L
        inv_span = 1.0 / (_R_MAX - _R_MIN)

        half = _L // 2
        n_half = b_per_w // half
        max_off = b_per_w - half

        def enq_half(h, s):
            off = jnp.minimum(h * half, max_off)
            vu = uidx_v[pl.ds(off, _L)]
            vi = iidx_v[pl.ds(off, _L)]
            cu_vec = vu - (vu & 127)
            ci_vec = vi - (vi & 127)
            for j in range(half):
                c_u = pl.multiple_of(cu_vec[j], 128)
                pltpu.async_copy(
                    uw_hbm.at[:, pl.ds(c_u, 128)], ubuf.at[s * half + j], usem)
                c_i = pl.multiple_of(ci_vec[j], 128)
                pltpu.async_copy(
                    iw_hbm.at[:, pl.ds(c_i, 128)], ibuf.at[s * half + j], isem)

        def drain_half():
            pltpu.make_async_copy(dum_hbm, ubuf.at[pl.ds(0, half)], usem).wait()
            pltpu.make_async_copy(dum_hbm, ibuf.at[pl.ds(0, half)], isem).wait()

        def compute_half(k, s):
            e0 = k * _L + s * half
            slot = s * half + (lane & (half - 1))
            rr_u = uidx_v[pl.ds(e0, _L)] & 127
            rr_i = iidx_v[pl.ds(e0, _L)] & 127
            u = [plsc.load_gather(ubuf, [slot, (lane + f) & (_L - 1), rr_u])
                 for f in range(_L)]
            mu = _tree_sum(u) * inv_l
            u = [uf - mu for uf in u]
            snu = _tree_sum([uf * uf for uf in u])
            it = [plsc.load_gather(ibuf, [slot, (lane + f) & (_L - 1), rr_i])
                  for f in range(_L)]
            mi = _tree_sum(it) * inv_l
            it = [x - mi for x in it]
            sni = _tree_sum([x * x for x in it])
            dot = _tree_sum([u[f] * it[f] for f in range(_L)])
            rs_u = _fast_rsqrt(jnp.maximum(snu, 1e-24))
            rs_i = _fast_rsqrt(jnp.maximum(sni, 1e-24))
            mf = dot * rs_u * rs_i
            keep = lane < half
            old = out_v[pl.ds(e0, _L)]
            out_v[pl.ds(e0, _L)] = jnp.where(
                keep, mf * (_R_MAX - _R_MIN) + _R_MIN, old)
            d = mf - (rat_v[pl.ds(e0, _L)] - _R_MIN) * inv_span
            err_v[...] = err_v[...] + jnp.where(keep, d * d, 0.0)

        def pair(k, carry):
            enq_half(2 * k + 1, 1)
            drain_half()
            compute_half(k, 0)
            enq_half(2 * k + 2, 0)
            drain_half()
            compute_half(k, 1)
            return carry

        enq_half(0, 0)
        lax.fori_loop(0, n_half // 2, pair, 0)
        drain_half()

        pltpu.sync_copy(out_v.at[pl.ds(0, b_per_w)], out_hbm.at[wid])
        pltpu.sync_copy(err_v, err_hbm.at[wid])

    return mf_kernel


def kernel(user_weight, item_weight, rating, user, item):
    batch = user.shape[0]
    b_per_w = batch // _NW
    sc = _make_sc_kernel(b_per_w)
    uw_t = user_weight.T
    iw_t = item_weight.T
    u2 = user.astype(jnp.int32).reshape(_NW, b_per_w)
    i2 = item.astype(jnp.int32).reshape(_NW, b_per_w)
    r2 = rating.reshape(_NW, b_per_w)
    dummy = jnp.zeros((_L // 2, _L, 128), jnp.float32)
    preds, err = sc(uw_t, iw_t, r2, u2, i2, dummy)
    target_rating = preds.reshape(batch)
    loss = jnp.sum(err) * (1.0 / batch)
    return (loss, target_rating)

# --- scband reference (transcript-rebuilt; emitter-appended) ---
"""Pipeline reference for scband-mf-85426899517958 (READ-ONLY COPY).

The authoritative reference and input builder live on the scoring server;
editing this copy changes nothing except your own understanding.
"""

import jax, jax.numpy as jnp
import numpy as np

NUM_USERS = 1000000
NUM_ITEMS = 1000000
HIDDEN = 16
BATCH = 16384
R_MIN = 1.0
R_MAX = 5.0

def setup_inputs(seed: int = 0) -> dict:
    key = jax.random.key(seed)
    k1, k2, k3, k4, k5 = jax.random.split(key, 5)
    user = jax.random.randint(k1, (BATCH,), 0, NUM_USERS, dtype=jnp.int64 if jax.config.jax_enable_x64 else jnp.int32)
    item = jax.random.randint(k2, (BATCH,), 0, NUM_ITEMS, dtype=jnp.int64 if jax.config.jax_enable_x64 else jnp.int32)
    rating = jax.random.uniform(k3, (BATCH,), dtype=jnp.float32) * (R_MAX - R_MIN) + R_MIN
    user_weight = jax.random.normal(k4, (NUM_USERS, HIDDEN), dtype=jnp.float32) * 1e-4
    item_weight = jax.random.normal(k5, (NUM_ITEMS, HIDDEN), dtype=jnp.float32) * 1e-4
    return {"user_weight": user_weight, "item_weight": item_weight, "rating": rating, "user": user, "item": item}

def _l2_normalize(x, eps=1e-12):
    n = jnp.linalg.norm(x, axis=-1, keepdims=True)
    return x / jnp.maximum(n, eps)

def reference(user_weight, item_weight, rating, user, item):
    # explicit target mode: normalize rating to [0, 1]
    r = (rating - R_MIN) / (R_MAX - R_MIN)
    # embedding lookups (gather)
    ue = jnp.take(user_weight, user, axis=0)
    ie = jnp.take(item_weight, item, axis=0)
    # center then L2-normalize along feature dim (F.normalize semantics)
    ue = _l2_normalize(ue - ue.mean(axis=-1, keepdims=True))
    ie = _l2_normalize(ie - ie.mean(axis=-1, keepdims=True))
    # bmm(u.unsqueeze(1), i.unsqueeze(-1)).squeeze() == rowwise dot product
    mf = jnp.sum(ue * ie, axis=-1).reshape(-1)
    # loss_fn: MSE against normalized rating
    loss = jnp.mean((mf - r) ** 2)
    # denormalize predicted rating for explicit mode
    target_rating = mf * (R_MAX - R_MIN) + R_MIN
    return (loss, target_rating)

if __name__ == "__main__":
    import jax
    _d = setup_inputs()
    print(jax.jit(kernel)(*tuple(_d.values())))

</pallas_src>

<mosaic_0001>
#map = affine_map<(d0, d1) -> (0, 0)>
#map1 = affine_map<(d0, d1) -> (0, 0, 0)>
module attributes {stable_mosaic.version = 14 : i64} {
  func.func @mf_kernel(%arg0: i32, %arg1: i32, %arg2: memref<16x1000000xf32, #tpu.memory_space<hbm>>, %arg3: memref<16x1000000xf32, #tpu.memory_space<hbm>>, %arg4: memref<32x512xf32, #tpu.memory_space<hbm>>, %arg5: memref<32x512xi32, #tpu.memory_space<hbm>>, %arg6: memref<32x512xi32, #tpu.memory_space<hbm>>, %arg7: memref<8x16x128xf32, #tpu.memory_space<hbm>>, %arg8: memref<32x512xf32, #tpu.memory_space<hbm>>, %arg9: memref<32x16xf32, #tpu.memory_space<hbm>>, %arg10: memref<528xi32, #tpu.memory_space<vmem>>, %arg11: memref<528xi32, #tpu.memory_space<vmem>>, %arg12: memref<16x16x128xf32, #tpu.memory_space<vmem>>, %arg13: memref<16x16x128xf32, #tpu.memory_space<vmem>>, %arg14: memref<528xf32, #tpu.memory_space<vmem>>, %arg15: memref<528xf32, #tpu.memory_space<vmem>>, %arg16: memref<16xf32, #tpu.memory_space<vmem>>, %arg17: memref<!tpu.dma_semaphore, #tpu.memory_space<semaphore_mem>>, %arg18: memref<!tpu.dma_semaphore, #tpu.memory_space<semaphore_mem>>) attributes {dimension_semantics = [#tpu.dimension_semantics<core_parallel>, #tpu.dimension_semantics<subcore_parallel>], iteration_bounds = array<i64: 2, 16>, scalar_prefetch = 0 : i64, scratch_operands = 9 : i64, tpu.core_type = #tpu.core_type<sc_vector_subcore>, window_params = [{transform_indices = #map}, {transform_indices = #map}, {transform_indices = #map}, {transform_indices = #map}, {transform_indices = #map}, {transform_indices = #map1}, {transform_indices = #map}, {transform_indices = #map}]} {
    %mul3A = arith.constant 2 : i32
    %mul3A_0 = arith.muli %arg1, %mul3A : i32
    %add3A = arith.addi %mul3A_0, %arg0 : i32
    "tpu.region"() ({
      %run_scoped3A = tpu.sem_alloc : memref<!tpu.dma_semaphore, #tpu.memory_space<semaphore_mem>>
      %dma_start3A_286 = arith.constant 0 : i32
      %dma_start3A_287 = tpu.memref_slice %arg10[%dma_start3A_286] : memref<528xi32, #tpu.memory_space<vmem>> -> memref<512xi32, #tpu.memory_space<vmem>>
      %dma_start3A_288 = arith.constant 0 : i32
      %dma_start3A_289 = tpu.memref_slice %arg5[%add3A, %dma_start3A_288] : memref<32x512xi32, #tpu.memory_space<hbm>> -> memref<1x512xi32, #tpu.memory_space<hbm>>
      %dma_start3A_290 = tpu.memref_squeeze %dma_start3A_289 : memref<1x512xi32, #tpu.memory_space<hbm>> -> memref<512xi32, #tpu.memory_space<hbm>>
      %dma_start3A_291 = arith.constant 0 : i32
      %dma_start3A_292 = tpu.memref_slice %arg10[%dma_start3A_291] : memref<528xi32, #tpu.memory_space<vmem>> -> memref<512xi32, #tpu.memory_space<vmem>>
      %dma_start3A_293 = arith.constant 0 : i32
      %dma_start3A_294 = tpu.memref_slice %arg5[%add3A, %dma_start3A_293] : memref<32x512xi32, #tpu.memory_space<hbm>> -> memref<1x512xi32, #tpu.memory_space<hbm>>
      %dma_start3A_295 = tpu.memref_squeeze %dma_start3A_294 : memref<1x512xi32, #tpu.memory_space<hbm>> -> memref<512xi32, #tpu.memory_space<hbm>>
      tpu.enqueue_dma source(%dma_start3A_295 : memref<512xi32, #tpu.memory_space<hbm>>) target(%dma_start3A_292 : memref<512xi32, #tpu.memory_space<vmem>>) target_semaphore(%run_scoped3A : memref<!tpu.dma_semaphore, #tpu.memory_space<semaphore_mem>>)
      %dma_wait3A_296 = arith.constant 0 : i32
      %dma_wait3A_297 = tpu.memref_slice %arg10[%dma_wait3A_296] : memref<528xi32, #tpu.memory_space<vmem>> -> memref<512xi32, #tpu.memory_space<vmem>>
      %dma_wait3A_298 = arith.constant 0 : i32
      %dma_wait3A_299 = tpu.memref_slice %arg5[%add3A, %dma_wait3A_298] : memref<32x512xi32, #tpu.memory_space<hbm>> -> memref<1x512xi32, #tpu.memory_space<hbm>>
      %dma_wait3A_300 = tpu.memref_squeeze %dma_wait3A_299 : memref<1x512xi32, #tpu.memory_space<hbm>> -> memref<512xi32, #tpu.memory_space<hbm>>
      %dma_wait3A_301 = arith.constant 0 : i32
      %dma_wait3A_302 = tpu.memref_slice %arg10[%dma_wait3A_301] : memref<528xi32, #tpu.memory_space<vmem>> -> memref<512xi32, #tpu.memory_space<vmem>>
      %dma_wait3A_303 = arith.constant 0 : i32
      %dma_wait3A_304 = tpu.memref_slice %arg5[%add3A, %dma_wait3A_303] : memref<32x512xi32, #tpu.memory_space<hbm>> -> memref<1x512xi32, #tpu.memory_space<hbm>>
      %dma_wait3A_305 = tpu.memref_squeeze %dma_wait3A_304 : memref<1x512xi32, #tpu.memory_space<hbm>> -> memref<512xi32, #tpu.memory_space<hbm>>
      tpu.wait_dma2 semaphore(%run_scoped3A : memref<!tpu.dma_semaphore, #tpu.memory_space<semaphore_mem>>) src(%dma_wait3A_305 : memref<512xi32, #tpu.memory_space<hbm>>) dst(%dma_wait3A_302 : memref<512xi32, #tpu.memory_space<vmem>>)
      tpu.yield
    }) : () -> ()
    "tpu.region"() ({
      %run_scoped3A = tpu.sem_alloc : memref<!tpu.dma_semaphore, #tpu.memory_space<semaphore_mem>>
      %dma_start3A_286 = arith.constant 0 : i32
      %dma_start3A_287 = tpu.memref_slice %arg11[%dma_start3A_286] : memref<528xi32, #tpu.memory_space<vmem>> -> memref<512xi32, #tpu.memory_space<vmem>>
      %dma_start3A_288 = arith.constant 0 : i32
      %dma_start3A_289 = tpu.memref_slice %arg6[%add3A, %dma_start3A_288] : memref<32x512xi32, #tpu.memory_space<hbm>> -> memref<1x512xi32, #tpu.memory_space<hbm>>
      %dma_start3A_290 = tpu.memref_squeeze %dma_start3A_289 : memref<1x512xi32, #tpu.memory_space<hbm>> -> memref<512xi32, #tpu.memory_space<hbm>>
      %dma_start3A_291 = arith.constant 0 : i32
      %dma_start3A_292 = tpu.memref_slice %arg11[%dma_start3A_291] : memref<528xi32, #tpu.memory_space<vmem>> -> memref<512xi32, #tpu.memory_space<vmem>>
      %dma_start3A_293 = arith.constant 0 : i32
      %dma_start3A_294 = tpu.memref_slice %arg6[%add3A, %dma_start3A_293] : memref<32x512xi32, #tpu.memory_space<hbm>> -> memref<1x512xi32, #tpu.memory_space<hbm>>
      %dma_start3A_295 = tpu.memref_squeeze %dma_start3A_294 : memref<1x512xi32, #tpu.memory_space<hbm>> -> memref<512xi32, #tpu.memory_space<hbm>>
      tpu.enqueue_dma source(%dma_start3A_295 : memref<512xi32, #tpu.memory_space<hbm>>) target(%dma_start3A_292 : memref<512xi32, #tpu.memory_space<vmem>>) target_semaphore(%run_scoped3A : memref<!tpu.dma_semaphore, #tpu.memory_space<semaphore_mem>>)
      %dma_wait3A_296 = arith.constant 0 : i32
      %dma_wait3A_297 = tpu.memref_slice %arg11[%dma_wait3A_296] : memref<528xi32, #tpu.memory_space<vmem>> -> memref<512xi32, #tpu.memory_space<vmem>>
      %dma_wait3A_298 = arith.constant 0 : i32
      %dma_wait3A_299 = tpu.memref_slice %arg6[%add3A, %dma_wait3A_298] : memref<32x512xi32, #tpu.memory_space<hbm>> -> memref<1x512xi32, #tpu.memory_space<hbm>>
      %dma_wait3A_300 = tpu.memref_squeeze %dma_wait3A_299 : memref<1x512xi32, #tpu.memory_space<hbm>> -> memref<512xi32, #tpu.memory_space<hbm>>
      %dma_wait3A_301 = arith.constant 0 : i32
      %dma_wait3A_302 = tpu.memref_slice %arg11[%dma_wait3A_301] : memref<528xi32, #tpu.memory_space<vmem>> -> memref<512xi32, #tpu.memory_space<vmem>>
      %dma_wait3A_303 = arith.constant 0 : i32
      %dma_wait3A_304 = tpu.memref_slice %arg6[%add3A, %dma_wait3A_303] : memref<32x512xi32, #tpu.memory_space<hbm>> -> memref<1x512xi32, #tpu.memory_space<hbm>>
      %dma_wait3A_305 = tpu.memref_squeeze %dma_wait3A_304 : memref<1x512xi32, #tpu.memory_space<hbm>> -> memref<512xi32, #tpu.memory_space<hbm>>
      tpu.wait_dma2 semaphore(%run_scoped3A : memref<!tpu.dma_semaphore, #tpu.memory_space<semaphore_mem>>) src(%dma_wait3A_305 : memref<512xi32, #tpu.memory_space<hbm>>) dst(%dma_wait3A_302 : memref<512xi32, #tpu.memory_space<vmem>>)
      tpu.yield
    }) : () -> ()
    "tpu.region"() ({
      %run_scoped3A = tpu.sem_alloc : memref<!tpu.dma_semaphore, #tpu.memory_space<semaphore_mem>>
      %dma_start3A_286 = arith.constant 0 : i32
      %dma_start3A_287 = tpu.memref_slice %arg14[%dma_start3A_286] : memref<528xf32, #tpu.memory_space<vmem>> -> memref<512xf32, #tpu.memory_space<vmem>>
      %dma_start3A_288 = arith.constant 0 : i32
      %dma_start3A_289 = tpu.memref_slice %arg4[%add3A, %dma_start3A_288] : memref<32x512xf32, #tpu.memory_space<hbm>> -> memref<1x512xf32, #tpu.memory_space<hbm>>
      %dma_start3A_290 = tpu.memref_squeeze %dma_start3A_289 : memref<1x512xf32, #tpu.memory_space<hbm>> -> memref<512xf32, #tpu.memory_space<hbm>>
      %dma_start3A_291 = arith.constant 0 : i32
      %dma_start3A_292 = tpu.memref_slice %arg14[%dma_start3A_291] : memref<528xf32, #tpu.memory_space<vmem>> -> memref<512xf32, #tpu.memory_space<vmem>>
      %dma_start3A_293 = arith.constant 0 : i32
      %dma_start3A_294 = tpu.memref_slice %arg4[%add3A, %dma_start3A_293] : memref<32x512xf32, #tpu.memory_space<hbm>> -> memref<1x512xf32, #tpu.memory_space<hbm>>
      %dma_start3A_295 = tpu.memref_squeeze %dma_start3A_294 : memref<1x512xf32, #tpu.memory_space<hbm>> -> memref<512xf32, #tpu.memory_space<hbm>>
      tpu.enqueue_dma source(%dma_start3A_295 : memref<512xf32, #tpu.memory_space<hbm>>) target(%dma_start3A_292 : memref<512xf32, #tpu.memory_space<vmem>>) target_semaphore(%run_scoped3A : memref<!tpu.dma_semaphore, #tpu.memory_space<semaphore_mem>>)
      %dma_wait3A_296 = arith.constant 0 : i32
      %dma_wait3A_297 = tpu.memref_slice %arg14[%dma_wait3A_296] : memref<528xf32, #tpu.memory_space<vmem>> -> memref<512xf32, #tpu.memory_space<vmem>>
      %dma_wait3A_298 = arith.constant 0 : i32
      %dma_wait3A_299 = tpu.memref_slice %arg4[%add3A, %dma_wait3A_298] : memref<32x512xf32, #tpu.memory_space<hbm>> -> memref<1x512xf32, #tpu.memory_space<hbm>>
      %dma_wait3A_300 = tpu.memref_squeeze %dma_wait3A_299 : memref<1x512xf32, #tpu.memory_space<hbm>> -> memref<512xf32, #tpu.memory_space<hbm>>
      %dma_wait3A_301 = arith.constant 0 : i32
      %dma_wait3A_302 = tpu.memref_slice %arg14[%dma_wait3A_301] : memref<528xf32, #tpu.memory_space<vmem>> -> memref<512xf32, #tpu.memory_space<vmem>>
      %dma_wait3A_303 = arith.constant 0 : i32
      %dma_wait3A_304 = tpu.memref_slice %arg4[%add3A, %dma_wait3A_303] : memref<32x512xf32, #tpu.memory_space<hbm>> -> memref<1x512xf32, #tpu.memory_space<hbm>>
      %dma_wait3A_305 = tpu.memref_squeeze %dma_wait3A_304 : memref<1x512xf32, #tpu.memory_space<hbm>> -> memref<512xf32, #tpu.memory_space<hbm>>
      tpu.wait_dma2 semaphore(%run_scoped3A : memref<!tpu.dma_semaphore, #tpu.memory_space<semaphore_mem>>) src(%dma_wait3A_305 : memref<512xf32, #tpu.memory_space<hbm>>) dst(%dma_wait3A_302 : memref<512xf32, #tpu.memory_space<vmem>>)
      tpu.yield
    }) : () -> ()
    %iota3A = tpu.iota {dimensions = array<i32: 0>} : vector<16xi32>
    %broadcast_in_dim3A = arith.constant 0.000000e+00 : f32
    %broadcast_in_dim3A_1 = vector.broadcast %broadcast_in_dim3A : f32 to vector<16xf32>
    %swap3A = arith.constant 0 : index
    %swap3A_2 = tpu.vector_load %arg16[%swap3A] {strides = array<i32>} : memref<16xf32, #tpu.memory_space<vmem>>, vector<16xf32>,
    tpu.vector_store %arg16[%swap3A], %broadcast_in_dim3A_1 {strides = array<i32>} : memref<16xf32, #tpu.memory_space<vmem>>, vector<16xf32>,
    %min3A = arith.constant 0 : i32
    %min3A_3 = arith.constant 504 : i32
    %min3A_4 = arith.minsi %min3A, %min3A_3 : i32
    %get3A = arith.index_cast %min3A_4 : i32 to index
    %get3A_5 = tpu.vector_load %arg10[%get3A] {strides = array<i32>} : memref<528xi32, #tpu.memory_space<vmem>>, vector<16xi32>,
    %get3A_6 = arith.index_cast %min3A_4 : i32 to index
    %get3A_7 = tpu.vector_load %arg11[%get3A_6] {strides = array<i32>} : memref<528xi32, #tpu.memory_space<vmem>>, vector<16xi32>,
    %and3A = arith.constant 127 : i32
    %and3A_8 = vector.broadcast %and3A : i32 to vector<16xi32>
    %and3A_9 = arith.andi %get3A_5, %and3A_8 : vector<16xi32>
    %sub3A = arith.subi %get3A_5, %and3A_9 : vector<16xi32>
    %and3A_10 = arith.constant 127 : i32
    %and3A_11 = vector.broadcast %and3A_10 : i32 to vector<16xi32>
    %and3A_12 = arith.andi %get3A_7, %and3A_11 : vector<16xi32>
    %sub3A_13 = arith.subi %get3A_7, %and3A_12 : vector<16xi32>
    %slice3A = vector.extract_strided_slice %sub3A {offsets = [0], sizes = [1], strides = [1]} : vector<16xi32> to vector<1xi32>
    %squeeze3A = vector.extract %slice3A[0] : i32 from vector<1xi32>
    %multiple_of3A = tpu.assume_multiple %squeeze3A, 128 : i32
    %dma_start3A = arith.constant 0 : i32
    %dma_start3A_14 = arith.constant 0 : i32
    %dma_start3A_15 = arith.constant 0 : i32
    %dma_start3A_16 = tpu.memref_slice %arg12[%dma_start3A, %dma_start3A_14, %dma_start3A_15] : memref<16x16x128xf32, #tpu.memory_space<vmem>> -> memref<1x16x128xf32, #tpu.memory_space<vmem>>
    %dma_start3A_17 = tpu.memref_squeeze %dma_start3A_16 : memref<1x16x128xf32, #tpu.memory_space<vmem>> -> memref<16x128xf32, #tpu.memory_space<vmem>>
    %dma_start3A_18 = arith.constant 0 : i32
    %dma_start3A_19 = tpu.memref_slice %arg2[%dma_start3A_18, %multiple_of3A] : memref<16x1000000xf32, #tpu.memory_space<hbm>> -> memref<16x128xf32, #tpu.memory_space<hbm>>
    %dma_start3A_20 = arith.constant 0 : i32
    %dma_start3A_21 = arith.constant 0 : i32
    %dma_start3A_22 = tpu.memref_slice %arg12[%dma_start3A, %dma_start3A_20, %dma_start3A_21] : memref<16x16x128xf32, #tpu.memory_space<vmem>> -> memref<1x16x128xf32, #tpu.memory_space<vmem>>
    %dma_start3A_23 = tpu.memref_squeeze %dma_start3A_22 : memref<1x16x128xf32, #tpu.memory_space<vmem>> -> memref<16x128xf32, #tpu.memory_space<vmem>>
    %dma_start3A_24 = arith.constant 0 : i32
    %dma_start3A_25 = tpu.memref_slice %arg2[%dma_start3A_24, %multiple_of3A] : memref<16x1000000xf32, #tpu.memory_space<hbm>> -> memref<16x128xf32, #tpu.memory_space<hbm>>
    tpu.enqueue_dma source(%dma_start3A_25 : memref<16x128xf32, #tpu.memory_space<hbm>>) target(%dma_start3A_23 : memref<16x128xf32, #tpu.memory_space<vmem>>) target_semaphore(%arg17 : memref<!tpu.dma_semaphore, #tpu.memory_space<semaphore_mem>>)
    %slice3A_26 = vector.extract_strided_slice %sub3A_13 {offsets = [0], sizes = [1], strides = [1]} : vector<16xi32> to vector<1xi32>
    %squeeze3A_27 = vector.extract %slice3A_26[0] : i32 from vector<1xi32>
    %multiple_of3A_28 = tpu.assume_multiple %squeeze3A_27, 128 : i32
    %dma_start3A_29 = arith.constant 0 : i32
    %dma_start3A_30 = arith.constant 0 : i32
    %dma_start3A_31 = arith.constant 0 : i32
    %dma_start3A_32 = tpu.memref_slice %arg13[%dma_start3A_29, %dma_start3A_30, %dma_start3A_31] : memref<16x16x128xf32, #tpu.memory_space<vmem>> -> memref<1x16x128xf32, #tpu.memory_space<vmem>>
    %dma_start3A_33 = tpu.memref_squeeze %dma_start3A_32 : memref<1x16x128xf32, #tpu.memory_space<vmem>> -> memref<16x128xf32, #tpu.memory_space<vmem>>
    %dma_start3A_34 = arith.constant 0 : i32
    %dma_start3A_35 = tpu.memref_slice %arg3[%dma_start3A_34, %multiple_of3A_28] : memref<16x1000000xf32, #tpu.memory_space<hbm>> -> memref<16x128xf32, #tpu.memory_space<hbm>>
    %dma_start3A_36 = arith.constant 0 : i32
    %dma_start3A_37 = arith.constant 0 : i32
    %dma_start3A_38 = tpu.memref_slice %arg13[%dma_start3A_29, %dma_start3A_36, %dma_start3A_37] : memref<16x16x128xf32, #tpu.memory_space<vmem>> -> memref<1x16x128xf32, #tpu.memory_space<vmem>>
    %dma_start3A_39 = tpu.memref_squeeze %dma_start3A_38 : memref<1x16x128xf32, #tpu.memory_space<vmem>> -> memref<16x128xf32, #tpu.memory_space<vmem>>
    %dma_start3A_40 = arith.constant 0 : i32
    %dma_start3A_41 = tpu.memref_slice %arg3[%dma_start3A_40, %multiple_of3A_28] : memref<16x1000000xf32, #tpu.memory_space<hbm>> -> memref<16x128xf32, #tpu.memory_space<hbm>>
    tpu.enqueue_dma source(%dma_start3A_41 : memref<16x128xf32, #tpu.memory_space<hbm>>) target(%dma_start3A_39 : memref<16x128xf32, #tpu.memory_space<vmem>>) target_semaphore(%arg18 : memref<!tpu.dma_semaphore, #tpu.memory_space<semaphore_mem>>)
    %slice3A_42 = vector.extract_strided_slice %sub3A {offsets = [1], sizes = [1], strides = [1]} : vector<16xi32> to vector<1xi32>
    %squeeze3A_43 = vector.extract %slice3A_42[0] : i32 from vector<1xi32>
    %multiple_of3A_44 = tpu.assume_multiple %squeeze3A_43, 128 : i32
    %dma_start3A_45 = arith.constant 1 : i32
    %dma_start3A_46 = arith.constant 0 : i32
    %dma_start3A_47 = arith.constant 0 : i32
    %dma_start3A_48 = tpu.memref_slice %arg12[%dma_start3A_45, %dma_start3A_46, %dma_start3A_47] : memref<16x16x128xf32, #tpu.memory_space<vmem>> -> memref<1x16x128xf32, #tpu.memory_space<vmem>>
    %dma_start3A_49 = tpu.memref_squeeze %dma_start3A_48 : memref<1x16x128xf32, #tpu.memory_space<vmem>> -> memref<16x128xf32, #tpu.memory_space<vmem>>
    %dma_start3A_50 = arith.constant 0 : i32
    %dma_start3A_51 = tpu.memref_slice %arg2[%dma_start3A_50, %multiple_of3A_44] : memref<16x1000000xf32, #tpu.memory_space<hbm>> -> memref<16x128xf32, #tpu.memory_space<hbm>>
    %dma_start3A_52 = arith.constant 0 : i32
    %dma_start3A_53 = arith.constant 0 : i32
    %dma_start3A_54 = tpu.memref_slice %arg12[%dma_start3A_45, %dma_start3A_52, %dma_start3A_53] : memref<16x16x128xf32, #tpu.memory_space<vmem>> -> memref<1x16x128xf32, #tpu.memory_space<vmem>>
    %dma_start3A_55 = tpu.memref_squeeze %dma_start3A_54 : memref<1x16x128xf32, #tpu.memory_space<vmem>> -> memref<16x128xf32, #tpu.memory_space<vmem>>
    %dma_start3A_56 = arith.constant 0 : i32
    %dma_start3A_57 = tpu.memref_slice %arg2[%dma_start3A_56, %multiple_of3A_44] : memref<16x1000000xf32, #tpu.memory_space<hbm>> -> memref<16x128xf32, #tpu.memory_space<hbm>>
    tpu.enqueue_dma source(%dma_start3A_57 : memref<16x128xf32, #tpu.memory_space<hbm>>) target(%dma_start3A_55 : memref<16x128xf32, #tpu.memory_space<vmem>>) target_semaphore(%arg17 : memref<!tpu.dma_semaphore, #tpu.memory_space<semaphore_mem>>)
    %slice3A_58 = vector.extract_strided_slice %sub3A_13 {offsets = [1], sizes = [1], strides = [1]} : vector<16xi32> to vector<1xi32>
    %squeeze3A_59 = vector.extract %slice3A_58[0] : i32 from vector<1xi32>
    %multiple_of3A_60 = tpu.assume_multiple %squeeze3A_59, 128 : i32
    %dma_start3A_61 = arith.constant 1 : i32
    %dma_start3A_62 = arith.constant 0 : i32
    %dma_start3A_63 = arith.constant 0 : i32
    %dma_start3A_64 = tpu.memref_slice %arg13[%dma_start3A_61, %dma_start3A_62, %dma_start3A_63] : memref<16x16x128xf32, #tpu.memory_space<vmem>> -> memref<1x16x128xf32, #tpu.memory_space<vmem>>
    %dma_start3A_65 = tpu.memref_squeeze %dma_start3A_64 : memref<1x16x128xf32, #tpu.memory_space<vmem>> -> memref<16x128xf32, #tpu.memory_space<vmem>>
    %dma_start3A_66 = arith.constant 0 : i32
    %dma_start3A_67 = tpu.memref_slice %arg3[%dma_start3A_66, %multiple_of3A_60] : memref<16x1000000xf32, #tpu.memory_space<hbm>> -> memref<16x128xf32, #tpu.memory_space<hbm>>
    %dma_start3A_68 = arith.constant 0 : i32
    %dma_start3A_69 = arith.constant 0 : i32
    %dma_start3A_70 = tpu.memref_slice %arg13[%dma_start3A_61, %dma_start3A_68, %dma_start3A_69] : memref<16x16x128xf32, #tpu.memory_space<vmem>> -> memref<1x16x128xf32, #tpu.memory_space<vmem>>
    %dma_start3A_71 = tpu.memref_squeeze %dma_start3A_70 : memref<1x16x128xf32, #tpu.memory_space<vmem>> -> memref<16x128xf32, #tpu.memory_space<vmem>>
    %dma_start3A_72 = arith.constant 0 : i32
    %dma_start3A_73 = tpu.memref_slice %arg3[%dma_start3A_72, %multiple_of3A_60] : memref<16x1000000xf32, #tpu.memory_space<hbm>> -> memref<16x128xf32, #tpu.memory_space<hbm>>
    tpu.enqueue_dma source(%dma_start3A_73 : memref<16x128xf32, #tpu.memory_space<hbm>>) target(%dma_start3A_71 : memref<16x128xf32, #tpu.memory_space<vmem>>) target_semaphore(%arg18 : memref<!tpu.dma_semaphore, #tpu.memory_space<semaphore_mem>>)
    %slice3A_74 = vector.extract_strided_slice %sub3A {offsets = [2], sizes = [1], strides = [1]} : vector<16xi32> to vector<1xi32>
    %squeeze3A_75 = vector.extract %slice3A_74[0] : i32 from vector<1xi32>
    %multiple_of3A_76 = tpu.assume_multiple %squeeze3A_75, 128 : i32
    %dma_start3A_77 = arith.constant 2 : i32
    %dma_start3A_78 = arith.constant 0 : i32
    %dma_start3A_79 = arith.constant 0 : i32
    %dma_start3A_80 = tpu.memref_slice %arg12[%dma_start3A_77, %dma_start3A_78, %dma_start3A_79] : memref<16x16x128xf32, #tpu.memory_space<vmem>> -> memref<1x16x128xf32, #tpu.memory_space<vmem>>
    %dma_start3A_81 = tpu.memref_squeeze %dma_start3A_80 : memref<1x16x128xf32, #tpu.memory_space<vmem>> -> memref<16x128xf32, #tpu.memory_space<vmem>>
    %dma_start3A_82 = arith.constant 0 : i32
    %dma_start3A_83 = tpu.memref_slice %arg2[%dma_start3A_82, %multiple_of3A_76] : memref<16x1000000xf32, #tpu.memory_space<hbm>> -> memref<16x128xf32, #tpu.memory_space<hbm>>
    %dma_start3A_84 = arith.constant 0 : i32
    %dma_start3A_85 = arith.constant 0 : i32
    %dma_start3A_86 = tpu.memref_slice %arg12[%dma_start3A_77, %dma_start3A_84, %dma_start3A_85] : memref<16x16x128xf32, #tpu.memory_space<vmem>> -> memref<1x16x128xf32, #tpu.memory_space<vmem>>
    %dma_start3A_87 = tpu.memref_squeeze %dma_start3A_86 : memref<1x16x128xf32, #tpu.memory_space<vmem>> -> memref<16x128xf32, #tpu.memory_space<vmem>>
    %dma_start3A_88 = arith.constant 0 : i32
    %dma_start3A_89 = tpu.memref_slice %arg2[%dma_start3A_88, %multiple_of3A_76] : memref<16x1000000xf32, #tpu.memory_space<hbm>> -> memref<16x128xf32, #tpu.memory_space<hbm>>
    tpu.enqueue_dma source(%dma_start3A_89 : memref<16x128xf32, #tpu.memory_space<hbm>>) target(%dma_start3A_87 : memref<16x128xf32, #tpu.memory_space<vmem>>) target_semaphore(%arg17 : memref<!tpu.dma_semaphore, #tpu.memory_space<semaphore_mem>>)
    %slice3A_90 = vector.extract_strided_slice %sub3A_13 {offsets = [2], sizes = [1], strides = [1]} : vector<16xi32> to vector<1xi32>
    %squeeze3A_91 = vector.extract %slice3A_90[0] : i32 from vector<1xi32>
    %multiple_of3A_92 = tpu.assume_multiple %squeeze3A_91, 128 : i32
    %dma_start3A_93 = arith.constant 2 : i32
    %dma_start3A_94 = arith.constant 0 : i32
    %dma_start3A_95 = arith.constant 0 : i32
    %dma_start3A_96 = tpu.memref_slice %arg13[%dma_start3A_93, %dma_start3A_94, %dma_start3A_95] : memref<16x16x128xf32, #tpu.memory_space<vmem>> -> memref<1x16x128xf32, #tpu.memory_space<vmem>>
    %dma_start3A_97 = tpu.memref_squeeze %dma_start3A_96 : memref<1x16x128xf32, #tpu.memory_space<vmem>> -> memref<16x128xf32, #tpu.memory_space<vmem>>
    %dma_start3A_98 = arith.constant 0 : i32
    %dma_start3A_99 = tpu.memref_slice %arg3[%dma_start3A_98, %multiple_of3A_92] : memref<16x1000000xf32, #tpu.memory_space<hbm>> -> memref<16x128xf32, #tpu.memory_space<hbm>>
    %dma_start3A_100 = arith.constant 0 : i32
    %dma_start3A_101 = arith.constant 0 : i32
    %dma_start3A_102 = tpu.memref_slice %arg13[%dma_start3A_93, %dma_start3A_100, %dma_start3A_101] : memref<16x16x128xf32, #tpu.memory_space<vmem>> -> memref<1x16x128xf32, #tpu.memory_space<vmem>>
    %dma_start3A_103 = tpu.memref_squeeze %dma_start3A_102 : memref<1x16x128xf32, #tpu.memory_space<vmem>> -> memref<16x128xf32, #tpu.memory_space<vmem>>
    %dma_start3A_104 = arith.constant 0 : i32
    %dma_start3A_105 = tpu.memref_slice %arg3[%dma_start3A_104, %multiple_of3A_92] : memref<16x1000000xf32, #tpu.memory_space<hbm>> -> memref<16x128xf32, #tpu.memory_space<hbm>>
    tpu.enqueue_dma source(%dma_start3A_105 : memref<16x128xf32, #tpu.memory_space<hbm>>) target(%dma_start3A_103 : memref<16x128xf32, #tpu.memory_space<vmem>>) target_semaphore(%arg18 : memref<!tpu.dma_semaphore, #tpu.memory_space<semaphore_mem>>)
    %slice3A_106 = vector.extract_strided_slice %sub3A {offsets = [3], sizes = [1], strides = [1]} : vector<16xi32> to vector<1xi32>
    %squeeze3A_107 = vector.extract %slice3A_106[0] : i32 from vector<1xi32>
    %multiple_of3A_108 = tpu.assume_multiple %squeeze3A_107, 128 : i32
    %dma_start3A_109 = arith.constant 3 : i32
    %dma_start3A_110 = arith.constant 0 : i32
    %dma_start3A_111 = arith.constant 0 : i32
    %dma_start3A_112 = tpu.memref_slice %arg12[%dma_start3A_109, %dma_start3A_110, %dma_start3A_111] : memref<16x16x128xf32, #tpu.memory_space<vmem>> -> memref<1x16x128xf32, #tpu.memory_space<vmem>>
    %dma_start3A_113 = tpu.memref_squeeze %dma_start3A_112 : memref<1x16x128xf32, #tpu.memory_space<vmem>> -> memref<16x128xf32, #tpu.memory_space<vmem>>
    %dma_start3A_114 = arith.constant 0 : i32
    %dma_start3A_115 = tpu.memref_slice %arg2[%dma_start3A_114, %multiple_of3A_108] : memref<16x1000000xf32, #tpu.memory_space<hbm>> -> memref<16x128xf32, #tpu.memory_space<hbm>>
    %dma_start3A_116 = arith.constant 0 : i32
    %dma_start3A_117 = arith.constant 0 : i32
    %dma_start3A_118 = tpu.memref_slice %arg12[%dma_start3A_109, %dma_start3A_116, %dma_start3A_117] : memref<16x16x128xf32, #tpu.memory_space<vmem>> -> memref<1x16x128xf32, #tpu.memory_space<vmem>>
    %dma_start3A_119 = tpu.memref_squeeze %dma_start3A_118 : memref<1x16x128xf32, #tpu.memory_space<vmem>> -> memref<16x128xf32, #tpu.memory_space<vmem>>
    %dma_start3A_120 = arith.constant 0 : i32
    %dma_start3A_121 = tpu.memref_slice %arg2[%dma_start3A_120, %multiple_of3A_108] : memref<16x1000000xf32, #tpu.memory_space<hbm>> -> memref<16x128xf32, #tpu.memory_space<hbm>>
    tpu.enqueue_dma source(%dma_start3A_121 : memref<16x128xf32, #tpu.memory_space<hbm>>) target(%dma_start3A_119 : memref<16x128xf32, #tpu.memory_space<vmem>>) target_semaphore(%arg17 : memref<!tpu.dma_semaphore, #tpu.memory_space<semaphore_mem>>)
    %slice3A_122 = vector.extract_strided_slice %sub3A_13 {offsets = [3], sizes = [1], strides = [1]} : vector<16xi32> to vector<1xi32>
    %squeeze3A_123 = vector.extract %slice3A_122[0] : i32 from vector<1xi32>
    %multiple_of3A_124 = tpu.assume_multiple %squeeze3A_123, 128 : i32
    %dma_start3A_125 = arith.constant 3 : i32
    %dma_start3A_126 = arith.constant 0 : i32
    %dma_start3A_127 = arith.constant 0 : i32
    %dma_start3A_128 = tpu.memref_slice %arg13[%dma_start3A_125, %dma_start3A_126, %dma_start3A_127] : memref<16x16x128xf32, #tpu.memory_space<vmem>> -> memref<1x16x128xf32, #tpu.memory_space<vmem>>
    %dma_start3A_129 = tpu.memref_squeeze %dma_start3A_128 : memref<1x16x128xf32, #tpu.memory_space<vmem>> -> memref<16x128xf32, #tpu.memory_space<vmem>>
    %dma_start3A_130 = arith.constant 0 : i32
    %dma_start3A_131 = tpu.memref_slice %arg3[%dma_start3A_130, %multiple_of3A_124] : memref<16x1000000xf32, #tpu.memory_space<hbm>> -> memref<16x128xf32, #tpu.memory_space<hbm>>
    %dma_start3A_132 = arith.constant 0 : i32
    %dma_start3A_133 = arith.constant 0 : i32
    %dma_start3A_134 = tpu.memref_slice %arg13[%dma_start3A_125, %dma_start3A_132, %dma_start3A_133] : memref<16x16x128xf32, #tpu.memory_space<vmem>> -> memref<1x16x128xf32, #tpu.memory_space<vmem>>
    %dma_start3A_135 = tpu.memref_squeeze %dma_start3A_134 : memref<1x16x128xf32, #tpu.memory_space<vmem>> -> memref<16x128xf32, #tpu.memory_space<vmem>>
    %dma_start3A_136 = arith.constant 0 : i32
    %dma_start3A_137 = tpu.memref_slice %arg3[%dma_start3A_136, %multiple_of3A_124] : memref<16x1000000xf32, #tpu.memory_space<hbm>> -> memref<16x128xf32, #tpu.memory_space<hbm>>
    tpu.enqueue_dma source(%dma_start3A_137 : memref<16x128xf32, #tpu.memory_space<hbm>>) target(%dma_start3A_135 : memref<16x128xf32, #tpu.memory_space<vmem>>) target_semaphore(%arg18 : memref<!tpu.dma_semaphore, #tpu.memory_space<semaphore_mem>>)
    %slice3A_138 = vector.extract_strided_slice %sub3A {offsets = [4], sizes = [1], strides = [1]} : vector<16xi32> to vector<1xi32>
    %squeeze3A_139 = vector.extract %slice3A_138[0] : i32 from vector<1xi32>
    %multiple_of3A_140 = tpu.assume_multiple %squeeze3A_139, 128 : i32
    %dma_start3A_141 = arith.constant 4 : i32
    %dma_start3A_142 = arith.constant 0 : i32
    %dma_start3A_143 = arith.constant 0 : i32
    %dma_start3A_144 = tpu.memref_slice %arg12[%dma_start3A_141, %dma_start3A_142, %dma_start3A_143] : memref<16x16x128xf32, #tpu.memory_space<vmem>> -> memref<1x16x128xf32, #tpu.memory_space<vmem>>
    %dma_start3A_145 = tpu.memref_squeeze %dma_start3A_144 : memref<1x16x128xf32, #tpu.memory_space<vmem>> -> memref<16x128xf32, #tpu.memory_space<vmem>>
    %dma_start3A_146 = arith.constant 0 : i32
    %dma_start3A_147 = tpu.memref_slice %arg2[%dma_start3A_146, %multiple_of3A_140] : memref<16x1000000xf32, #tpu.memory_space<hbm>> -> memref<16x128xf32, #tpu.memory_space<hbm>>
    %dma_start3A_148 = arith.constant 0 : i32
    %dma_start3A_149 = arith.constant 0 : i32
    %dma_start3A_150 = tpu.memref_slice %arg12[%dma_start3A_141, %dma_start3A_148, %dma_start3A_149] : memref<16x16x128xf32, #tpu.memory_space<vmem>> -> memref<1x16x128xf32, #tpu.memory_space<vmem>>
    %dma_start3A_151 = tpu.memref_squeeze %dma_start3A_150 : memref<1x16x128xf32, #tpu.memory_space<vmem>> -> memref<16x128xf32, #tpu.memory_space<vmem>>
    %dma_start3A_152 = arith.constant 0 : i32
    %dma_start3A_153 = tpu.memref_slice %arg2[%dma_start3A_152, %multiple_of3A_140] : memref<16x1000000xf32, #tpu.memory_space<hbm>> -> memref<16x128xf32, #tpu.memory_space<hbm>>
    tpu.enqueue_dma source(%dma_start3A_153 : memref<16x128xf32, #tpu.memory_space<hbm>>) target(%dma_start3A_151 : memref<16x128xf32, #tpu.memory_space<vmem>>) target_semaphore(%arg17 : memref<!tpu.dma_semaphore, #tpu.memory_space<semaphore_mem>>)
    %slice3A_154 = vector.extract_strided_slice %sub3A_13 {offsets = [4], sizes = [1], strides = [1]} : vector<16xi32> to vector<1xi32>
    %squeeze3A_155 = vector.extract %slice3A_154[0] : i32 from vector<1xi32>
    %multiple_of3A_156 = tpu.assume_multiple %squeeze3A_155, 128 : i32
    %dma_start3A_157 = arith.constant 4 : i32
    %dma_start3A_158 = arith.constant 0 : i32
    %dma_start3A_159 = arith.constant 0 : i32
    %dma_start3A_160 = tpu.memref_slice %arg13[%dma_start3A_157, %dma_start3A_158, %dma_start3A_159] : memref<16x16x128xf32, #tpu.memory_space<vmem>> -> memref<1x16x128xf32, #tpu.memory_space<vmem>>
    %dma_start3A_161 = tpu.memref_squeeze %dma_start3A_160 : memref<1x16x128xf32, #tpu.memory_space<vmem>> -> memref<16x128xf32, #tpu.memory_space<vmem>>
    %dma_start3A_162 = arith.constant 0 : i32
    %dma_start3A_163 = tpu.memref_slice %arg3[%dma_start3A_162, %multiple_of3A_156] : memref<16x1000000xf32, #tpu.memory_space<hbm>> -> memref<16x128xf32, #tpu.memory_space<hbm>>
    %dma_start3A_164 = arith.constant 0 : i32
    %dma_start3A_165 = arith.constant 0 : i32
    %dma_start3A_166 = tpu.memref_slice %arg13[%dma_start3A_157, %dma_start3A_164, %dma_start3A_165] : memref<16x16x128xf32, #tpu.memory_space<vmem>> -> memref<1x16x128xf32, #tpu.memory_space<vmem>>
    %dma_start3A_167 = tpu.memref_squeeze %dma_start3A_166 : memref<1x16x128xf32, #tpu.memory_space<vmem>> -> memref<16x128xf32, #tpu.memory_space<vmem>>
    %dma_start3A_168 = arith.constant 0 : i32
    %dma_start3A_169 = tpu.memref_slice %arg3[%dma_start3A_168, %multiple_of3A_156] : memref<16x1000000xf32, #tpu.memory_space<hbm>> -> memref<16x128xf32, #tpu.memory_space<hbm>>
    tpu.enqueue_dma source(%dma_start3A_169 : memref<16x128xf32, #tpu.memory_space<hbm>>) target(%dma_start3A_167 : memref<16x128xf32, #tpu.memory_space<vmem>>) target_semaphore(%arg18 : memref<!tpu.dma_semaphore, #tpu.memory_space<semaphore_mem>>)
    %slice3A_170 = vector.extract_strided_slice %sub3A {offsets = [5], sizes = [1], strides = [1]} : vector<16xi32> to vector<1xi32>
    %squeeze3A_171 = vector.extract %slice3A_170[0] : i32 from vector<1xi32>
    %multiple_of3A_172 = tpu.assume_multiple %squeeze3A_171, 128 : i32
    %dma_start3A_173 = arith.constant 5 : i32
    %dma_start3A_174 = arith.constant 0 : i32
    %dma_start3A_175 = arith.constant 0 : i32
    %dma_start3A_176 = tpu.memref_slice %arg12[%dma_start3A_173, %dma_start3A_174, %dma_start3A_175] : memref<16x16x128xf32, #tpu.memory_space<vmem>> -> memref<1x16x128xf32, #tpu.memory_space<vmem>>
    %dma_start3A_177 = tpu.memref_squeeze %dma_start3A_176 : memref<1x16x128xf32, #tpu.memory_space<vmem>> -> memref<16x128xf32, #tpu.memory_space<vmem>>
    %dma_start3A_178 = arith.constant 0 : i32
    %dma_start3A_179 = tpu.memref_slice %arg2[%dma_start3A_178, %multiple_of3A_172] : memref<16x1000000xf32, #tpu.memory_space<hbm>> -> memref<16x128xf32, #tpu.memory_space<hbm>>
    %dma_start3A_180 = arith.constant 0 : i32
    %dma_start3A_181 = arith.constant 0 : i32
    %dma_start3A_182 = tpu.memref_slice %arg12[%dma_start3A_173, %dma_start3A_180, %dma_start3A_181] : memref<16x16x128xf32, #tpu.memory_space<vmem>> -> memref<1x16x128xf32, #tpu.memory_space<vmem>>
    %dma_start3A_183 = tpu.memref_squeeze %dma_start3A_182 : memref<1x16x128xf32, #tpu.memory_space<vmem>> -> memref<16x128xf32, #tpu.memory_space<vmem>>
    %dma_start3A_184 = arith.constant 0 : i32
    %dma_start3A_185 = tpu.memref_slice %arg2[%dma_start3A_184, %multiple_of3A_172] : memref<16x1000000xf32, #tpu.memory_space<hbm>> -> memref<16x128xf32, #tpu.memory_space<hbm>>
    tpu.enqueue_dma source(%dma_start3A_185 : memref<16x128xf32, #tpu.memory_space<hbm>>) target(%dma_start3A_183 : memref<16x128xf32, #tpu.memory_space<vmem>>) target_semaphore(%arg17 : memref<!tpu.dma_semaphore, #tpu.memory_space<semaphore_mem>>)
    %slice3A_186 = vector.extract_strided_slice %sub3A_13 {offsets = [5], sizes = [1], strides = [1]} : vector<16xi32> to vector<1xi32>
    %squeeze3A_187 = vector.extract %slice3A_186[0] : i32 from vector<1xi32>
    %multiple_of3A_188 = tpu.assume_multiple %squeeze3A_187, 128 : i32
    %dma_start3A_189 = arith.constant 5 : i32
    %dma_start3A_190 = arith.constant 0 : i32
    %dma_start3A_191 = arith.constant 0 : i32
    %dma_start3A_192 = tpu.memref_slice %arg13[%dma_start3A_189, %dma_start3A_190, %dma_start3A_191] : memref<16x16x128xf32, #tpu.memory_space<vmem>> -> memref<1x16x128xf32, #tpu.memory_space<vmem>>
    %dma_start3A_193 = tpu.memref_squeeze %dma_start3A_192 : memref<1x16x128xf32, #tpu.memory_space<vmem>> -> memref<16x128xf32, #tpu.memory_space<vmem>>
    %dma_start3A_194 = arith.constant 0 : i32
    %dma_start3A_195 = tpu.memref_slice %arg3[%dma_start3A_194, %multiple_of3A_188] : memref<16x1000000xf32, #tpu.memory_space<hbm>> -> memref<16x128xf32, #tpu.memory_space<hbm>>
    %dma_start3A_196 = arith.constant 0 : i32
    %dma_start3A_197 = arith.constant 0 : i32
    %dma_start3A_198 = tpu.memref_slice %arg13[%dma_start3A_189, %dma_start3A_196, %dma_start3A_197] : memref<16x16x128xf32, #tpu.memory_space<vmem>> -> memref<1x16x128xf32, #tpu.memory_space<vmem>>
    %dma_start3A_199 = tpu.memref_squeeze %dma_start3A_198 : memref<1x16x128xf32, #tpu.memory_space<vmem>> -> memref<16x128xf32, #tpu.memory_space<vmem>>
    %dma_start3A_200 = arith.constant 0 : i32
    %dma_start3A_201 = tpu.memref_slice %arg3[%dma_start3A_200, %multiple_of3A_188] : memref<16x1000000xf32, #tpu.memory_space<hbm>> -> memref<16x128xf32, #tpu.memory_space<hbm>>
    tpu.enqueue_dma source(%dma_start3A_201 : memref<16x128xf32, #tpu.memory_space<hbm>>) target(%dma_start3A_199 : memref<16x128xf32, #tpu.memory_space<vmem>>) target_semaphore(%arg18 : memref<!tpu.dma_semaphore, #tpu.memory_space<semaphore_mem>>)
    %slice3A_202 = vector.extract_strided_slice %sub3A {offsets = [6], sizes = [1], strides = [1]} : vector<16xi32> to vector<1xi32>
    %squeeze3A_203 = vector.extract %slice3A_202[0] : i32 from vector<1xi32>
    %multiple_of3A_204 = tpu.assume_multiple %squeeze3A_203, 128 : i32
    %dma_start3A_205 = arith.constant 6 : i32
    %dma_start3A_206 = arith.constant 0 : i32
    %dma_start3A_207 = arith.constant 0 : i32
    %dma_start3A_208 = tpu.memref_slice %arg12[%dma_start3A_205, %dma_start3A_206, %dma_start3A_207] : memref<16x16x128xf32, #tpu.memory_space<vmem>> -> memref<1x16x128xf32, #tpu.memory_space<vmem>>
    %dma_start3A_209 = tpu.memref_squeeze %dma_start3A_208 : memref<1x16x128xf32, #tpu.memory_space<vmem>> -> memref<16x128xf32, #tpu.memory_space<vmem>>
    %dma_start3A_210 = arith.constant 0 : i32
    %dma_start3A_211 = tpu.memref_slice %arg2[%dma_start3A_210, %multiple_of3A_204] : memref<16x1000000xf32, #tpu.memory_space<hbm>> -> memref<16x128xf32, #tpu.memory_space<hbm>>
    %dma_start3A_212 = arith.constant 0 : i32
    %dma_start3A_213 = arith.constant 0 : i32
    %dma_start3A_214 = tpu.memref_slice %arg12[%dma_start3A_205, %dma_start3A_212, %dma_start3A_213] : memref<16x16x128xf32, #tpu.memory_space<vmem>> -> memref<1x16x128xf32, #tpu.memory_space<vmem>>
    %dma_start3A_215 = tpu.memref_squeeze %dma_start3A_214 : memref<1x16x128xf32, #tpu.memory_space<vmem>> -> memref<16x128xf32, #tpu.memory_space<vmem>>
    %dma_start3A_216 = arith.constant 0 : i32
    %dma_start3A_217 = tpu.memref_slice %arg2[%dma_start3A_216, %multiple_of3A_204] : memref<16x1000000xf32, #tpu.memory_space<hbm>> -> memref<16x128xf32, #tpu.memory_space<hbm>>
    tpu.enqueue_dma source(%dma_start3A_217 : memref<16x128xf32, #tpu.memory_space<hbm>>) target(%dma_start3A_215 : memref<16x128xf32, #tpu.memory_space<vmem>>) target_semaphore(%arg17 : memref<!tpu.dma_semaphore, #tpu.memory_space<semaphore_mem>>)
    %slice3A_218 = vector.extract_strided_slice %sub3A_13 {offsets = [6], sizes = [1], strides = [1]} : vector<16xi32> to vector<1xi32>
    %squeeze3A_219 = vector.extract %slice3A_218[0] : i32 from vector<1xi32>
    %multiple_of3A_220 = tpu.assume_multiple %squeeze3A_219, 128 : i32
    %dma_start3A_221 = arith.constant 6 : i32
    %dma_start3A_222 = arith.constant 0 : i32
    %dma_start3A_223 = arith.constant 0 : i32
    %dma_start3A_224 = tpu.memref_slice %arg13[%dma_start3A_221, %dma_start3A_222, %dma_start3A_223] : memref<16x16x128xf32, #tpu.memory_space<vmem>> -> memref<1x16x128xf32, #tpu.memory_space<vmem>>
    %dma_start3A_225 = tpu.memref_squeeze %dma_start3A_224 : memref<1x16x128xf32, #tpu.memory_space<vmem>> -> memref<16x128xf32, #tpu.memory_space<vmem>>
    %dma_start3A_226 = arith.constant 0 : i32
    %dma_start3A_227 = tpu.memref_slice %arg3[%dma_start3A_226, %multiple_of3A_220] : memref<16x1000000xf32, #tpu.memory_space<hbm>> -> memref<16x128xf32, #tpu.memory_space<hbm>>
    %dma_start3A_228 = arith.constant 0 : i32
    %dma_start3A_229 = arith.constant 0 : i32
    %dma_start3A_230 = tpu.memref_slice %arg13[%dma_start3A_221, %dma_start3A_228, %dma_start3A_229] : memref<16x16x128xf32, #tpu.memory_space<vmem>> -> memref<1x16x128xf32, #tpu.memory_space<vmem>>
    %dma_start3A_231 = tpu.memref_squeeze %dma_start3A_230 : memref<1x16x128xf32, #tpu.memory_space<vmem>> -> memref<16x128xf32, #tpu.memory_space<vmem>>
    %dma_start3A_232 = arith.constant 0 : i32
    %dma_start3A_233 = tpu.memref_slice %arg3[%dma_start3A_232, %multiple_of3A_220] : memref<16x1000000xf32, #tpu.memory_space<hbm>> -> memref<16x128xf32, #tpu.memory_space<hbm>>
    tpu.enqueue_dma source(%dma_start3A_233 : memref<16x128xf32, #tpu.memory_space<hbm>>) target(%dma_start3A_231 : memref<16x128xf32, #tpu.memory_space<vmem>>) target_semaphore(%arg18 : memref<!tpu.dma_semaphore, #tpu.memory_space<semaphore_mem>>)
    %slice3A_234 = vector.extract_strided_slice %sub3A {offsets = [7], sizes = [1], strides = [1]} : vector<16xi32> to vector<1xi32>
    %squeeze3A_235 = vector.extract %slice3A_234[0] : i32 from vector<1xi32>
    %multiple_of3A_236 = tpu.assume_multiple %squeeze3A_235, 128 : i32
    %dma_start3A_237 = arith.constant 7 : i32
    %dma_start3A_238 = arith.constant 0 : i32
    %dma_start3A_239 = arith.constant 0 : i32
    %dma_start3A_240 = tpu.memref_slice %arg12[%dma_start3A_237, %dma_start3A_238, %dma_start3A_239] : memref<16x16x128xf32, #tpu.memory_space<vmem>> -> memref<1x16x128xf32, #tpu.memory_space<vmem>>
    %dma_start3A_241 = tpu.memref_squeeze %dma_start3A_240 : memref<1x16x128xf32, #tpu.memory_space<vmem>> -> memref<16x128xf32, #tpu.memory_space<vmem>>
    %dma_start3A_242 = arith.constant 0 : i32
    %dma_start3A_243 = tpu.memref_slice %arg2[%dma_start3A_242, %multiple_of3A_236] : memref<16x1000000xf32, #tpu.memory_space<hbm>> -> memref<16x128xf32, #tpu.memory_space<hbm>>
    %dma_start3A_244 = arith.constant 0 : i32
    %dma_start3A_245 = arith.constant 0 : i32
    %dma_start3A_246 = tpu.memref_slice %arg12[%dma_start3A_237, %dma_start3A_244, %dma_start3A_245] : memref<16x16x128xf32, #tpu.memory_space<vmem>> -> memref<1x16x128xf32, #tpu.memory_space<vmem>>
    %dma_start3A_247 = tpu.memref_squeeze %dma_start3A_246 : memref<1x16x128xf32, #tpu.memory_space<vmem>> -> memref<16x128xf32, #tpu.memory_space<vmem>>
    %dma_start3A_248 = arith.constant 0 : i32
    %dma_start3A_249 = tpu.memref_slice %arg2[%dma_start3A_248, %multiple_of3A_236] : memref<16x1000000xf32, #tpu.memory_space<hbm>> -> memref<16x128xf32, #tpu.memory_space<hbm>>
    tpu.enqueue_dma source(%dma_start3A_249 : memref<16x128xf32, #tpu.memory_space<hbm>>) target(%dma_start3A_247 : memref<16x128xf32, #tpu.memory_space<vmem>>) target_semaphore(%arg17 : memref<!tpu.dma_semaphore, #tpu.memory_space<semaphore_mem>>)
    %slice3A_250 = vector.extract_strided_slice %sub3A_13 {offsets = [7], sizes = [1], strides = [1]} : vector<16xi32> to vector<1xi32>
    %squeeze3A_251 = vector.extract %slice3A_250[0] : i32 from vector<1xi32>
    %multiple_of3A_252 = tpu.assume_multiple %squeeze3A_251, 128 : i32
    %dma_start3A_253 = arith.constant 7 : i32
    %dma_start3A_254 = arith.constant 0 : i32
    %dma_start3A_255 = arith.constant 0 : i32
    %dma_start3A_256 = tpu.memref_slice %arg13[%dma_start3A_253, %dma_start3A_254, %dma_start3A_255] : memref<16x16x128xf32, #tpu.memory_space<vmem>> -> memref<1x16x128xf32, #tpu.memory_space<vmem>>
    %dma_start3A_257 = tpu.memref_squeeze %dma_start3A_256 : memref<1x16x128xf32, #tpu.memory_space<vmem>> -> memref<16x128xf32, #tpu.memory_space<vmem>>
    %dma_start3A_258 = arith.constant 0 : i32
    %dma_start3A_259 = tpu.memref_slice %arg3[%dma_start3A_258, %multiple_of3A_252] : memref<16x1000000xf32, #tpu.memory_space<hbm>> -> memref<16x128xf32, #tpu.memory_space<hbm>>
    %dma_start3A_260 = arith.constant 0 : i32
    %dma_start3A_261 = arith.constant 0 : i32
    %dma_start3A_262 = tpu.memref_slice %arg13[%dma_start3A_253, %dma_start3A_260, %dma_start3A_261] : memref<16x16x128xf32, #tpu.memory_space<vmem>> -> memref<1x16x128xf32, #tpu.memory_space<vmem>>
    %dma_start3A_263 = tpu.memref_squeeze %dma_start3A_262 : memref<1x16x128xf32, #tpu.memory_space<vmem>> -> memref<16x128xf32, #tpu.memory_space<vmem>>
    %dma_start3A_264 = arith.constant 0 : i32
    %dma_start3A_265 = tpu.memref_slice %arg3[%dma_start3A_264, %multiple_of3A_252] : memref<16x1000000xf32, #tpu.memory_space<hbm>> -> memref<16x128xf32, #tpu.memory_space<hbm>>
    tpu.enqueue_dma source(%dma_start3A_265 : memref<16x128xf32, #tpu.memory_space<hbm>>) target(%dma_start3A_263 : memref<16x128xf32, #tpu.memory_space<vmem>>) target_semaphore(%arg18 : memref<!tpu.dma_semaphore, #tpu.memory_space<semaphore_mem>>)
    %scan3A = arith.constant 0 : i32
    %scan3A_266 = arith.constant 0 : i32
    %scan3A_267 = arith.constant 32 : i32
    %scan3A_268 = arith.addi %scan3A_266, %scan3A_267 : i32
    %scan3A_269 = arith.constant 1 : i32
    scf.for %scan3A_286 = %scan3A_266 to %scan3A_268 step %scan3A_269  : i32 {
      %mul3A_287 = arith.constant 2 : i32
      %mul3A_288 = arith.muli %mul3A_287, %scan3A_286 : i32
      %add3A_289 = arith.constant 1 : i32
      %add3A_290 = arith.addi %mul3A_288, %add3A_289 : i32
      %mul3A_291 = arith.constant 8 : i32
      %mul3A_292 = arith.muli %add3A_290, %mul3A_291 : i32
      %min3A_293 = arith.constant 504 : i32
      %min3A_294 = arith.minsi %mul3A_292, %min3A_293 : i32
      %get3A_295 = arith.index_cast %min3A_294 : i32 to index
      %get3A_296 = tpu.vector_load %arg10[%get3A_295] {strides = array<i32>} : memref<528xi32, #tpu.memory_space<vmem>>, vector<16xi32>,
      %get3A_297 = arith.index_cast %min3A_294 : i32 to index
      %get3A_298 = tpu.vector_load %arg11[%get3A_297] {strides = array<i32>} : memref<528xi32, #tpu.memory_space<vmem>>, vector<16xi32>,
      %and3A_299 = arith.constant 127 : i32
      %and3A_300 = vector.broadcast %and3A_299 : i32 to vector<16xi32>
      %and3A_301 = arith.andi %get3A_296, %and3A_300 : vector<16xi32>
      %sub3A_302 = arith.subi %get3A_296, %and3A_301 : vector<16xi32>
      %and3A_303 = arith.constant 127 : i32
      %and3A_304 = vector.broadcast %and3A_303 : i32 to vector<16xi32>
      %and3A_305 = arith.andi %get3A_298, %and3A_304 : vector<16xi32>
      %sub3A_306 = arith.subi %get3A_298, %and3A_305 : vector<16xi32>
      %slice3A_307 = vector.extract_strided_slice %sub3A_302 {offsets = [0], sizes = [1], strides = [1]} : vector<16xi32> to vector<1xi32>
      %squeeze3A_308 = vector.extract %slice3A_307[0] : i32 from vector<1xi32>
      %multiple_of3A_309 = tpu.assume_multiple %squeeze3A_308, 128 : i32
      %dma_start3A_310 = arith.constant 8 : i32
      %dma_start3A_311 = arith.constant 0 : i32
      %dma_start3A_312 = arith.constant 0 : i32
      %dma_start3A_313 = tpu.memref_slice %arg12[%dma_start3A_310, %dma_start3A_311, %dma_start3A_312] : memref<16x16x128xf32, #tpu.memory_space<vmem>> -> memref<1x16x128xf32, #tpu.memory_space<vmem>>
      %dma_start3A_314 = tpu.memref_squeeze %dma_start3A_313 : memref<1x16x128xf32, #tpu.memory_space<vmem>> -> memref<16x128xf32, #tpu.memory_space<vmem>>
      %dma_start3A_315 = arith.constant 0 : i32
      %dma_start3A_316 = tpu.memref_slice %arg2[%dma_start3A_315, %multiple_of3A_309] : memref<16x1000000xf32, #tpu.memory_space<hbm>> -> memref<16x128xf32, #tpu.memory_space<hbm>>
      %dma_start3A_317 = arith.constant 0 : i32
      %dma_start3A_318 = arith.constant 0 : i32
      %dma_start3A_319 = tpu.memref_slice %arg12[%dma_start3A_310, %dma_start3A_317, %dma_start3A_318] : memref<16x16x128xf32, #tpu.memory_space<vmem>> -> memref<1x16x128xf32, #tpu.memory_space<vmem>>
      %dma_start3A_320 = tpu.memref_squeeze %dma_start3A_319 : memref<1x16x128xf32, #tpu.memory_space<vmem>> -> memref<16x128xf32, #tpu.memory_space<vmem>>
      %dma_start3A_321 = arith.constant 0 : i32
      %dma_start3A_322 = tpu.memref_slice %arg2[%dma_start3A_321, %multiple_of3A_309] : memref<16x1000000xf32, #tpu.memory_space<hbm>> -> memref<16x128xf32, #tpu.memory_space<hbm>>
      tpu.enqueue_dma source(%dma_start3A_322 : memref<16x128xf32, #tpu.memory_space<hbm>>) target(%dma_start3A_320 : memref<16x128xf32, #tpu.memory_space<vmem>>) target_semaphore(%arg17 : memref<!tpu.dma_semaphore, #tpu.memory_space<semaphore_mem>>)
      %slice3A_323 = vector.extract_strided_slice %sub3A_306 {offsets = [0], sizes = [1], strides = [1]} : vector<16xi32> to vector<1xi32>
      %squeeze3A_324 = vector.extract %slice3A_323[0] : i32 from vector<1xi32>
      %multiple_of3A_325 = tpu.assume_multiple %squeeze3A_324, 128 : i32
      %dma_start3A_326 = arith.constant 8 : i32
      %dma_start3A_327 = arith.constant 0 : i32
      %dma_start3A_328 = arith.constant 0 : i32
      %dma_start3A_329 = tpu.memref_slice %arg13[%dma_start3A_326, %dma_start3A_327, %dma_start3A_328] : memref<16x16x128xf32, #tpu.memory_space<vmem>> -> memref<1x16x128xf32, #tpu.memory_space<vmem>>
      %dma_start3A_330 = tpu.memref_squeeze %dma_start3A_329 : memref<1x16x128xf32, #tpu.memory_space<vmem>> -> memref<16x128xf32, #tpu.memory_space<vmem>>
      %dma_start3A_331 = arith.constant 0 : i32
      %dma_start3A_332 = tpu.memref_slice %arg3[%dma_start3A_331, %multiple_of3A_325] : memref<16x1000000xf32, #tpu.memory_space<hbm>> -> memref<16x128xf32, #tpu.memory_space<hbm>>
      %dma_start3A_333 = arith.constant 0 : i32
      %dma_start3A_334 = arith.constant 0 : i32
      %dma_start3A_335 = tpu.memref_slice %arg13[%dma_start3A_326, %dma_start3A_333, %dma_start3A_334] : memref<16x16x128xf32, #tpu.memory_space<vmem>> -> memref<1x16x128xf32, #tpu.memory_space<vmem>>
      %dma_start3A_336 = tpu.memref_squeeze %dma_start3A_335 : memref<1x16x128xf32, #tpu.memory_space<vmem>> -> memref<16x128xf32, #tpu.memory_space<vmem>>
      %dma_start3A_337 = arith.constant 0 : i32
      %dma_start3A_338 = tpu.memref_slice %arg3[%dma_start3A_337, %multiple_of3A_325] : memref<16x1000000xf32, #tpu.memory_space<hbm>> -> memref<16x128xf32, #tpu.memory_space<hbm>>
      tpu.enqueue_dma source(%dma_start3A_338 : memref<16x128xf32, #tpu.memory_space<hbm>>) target(%dma_start3A_336 : memref<16x128xf32, #tpu.memory_space<vmem>>) target_semaphore(%arg18 : memref<!tpu.dma_semaphore, #tpu.memory_space<semaphore_mem>>)
      %slice3A_339 = vector.extract_strided_slice %sub3A_302 {offsets = [1], sizes = [1], strides = [1]} : vector<16xi32> to vector<1xi32>
      %squeeze3A_340 = vector.extract %slice3A_339[0] : i32 from vector<1xi32>
      %multiple_of3A_341 = tpu.assume_multiple %squeeze3A_340, 128 : i32
      %dma_start3A_342 = arith.constant 9 : i32
      %dma_start3A_343 = arith.constant 0 : i32
      %dma_start3A_344 = arith.constant 0 : i32
      %dma_start3A_345 = tpu.memref_slice %arg12[%dma_start3A_342, %dma_start3A_343, %dma_start3A_344] : memref<16x16x128xf32, #tpu.memory_space<vmem>> -> memref<1x16x128xf32, #tpu.memory_space<vmem>>
      %dma_start3A_346 = tpu.memref_squeeze %dma_start3A_345 : memref<1x16x128xf32, #tpu.memory_space<vmem>> -> memref<16x128xf32, #tpu.memory_space<vmem>>
      %dma_start3A_347 = arith.constant 0 : i32
      %dma_start3A_348 = tpu.memref_slice %arg2[%dma_start3A_347, %multiple_of3A_341] : memref<16x1000000xf32, #tpu.memory_space<hbm>> -> memref<16x128xf32, #tpu.memory_space<hbm>>
      %dma_start3A_349 = arith.constant 0 : i32
      %dma_start3A_350 = arith.constant 0 : i32
      %dma_start3A_351 = tpu.memref_slice %arg12[%dma_start3A_342, %dma_start3A_349, %dma_start3A_350] : memref<16x16x128xf32, #tpu.memory_space<vmem>> -> memref<1x16x128xf32, #tpu.memory_space<vmem>>
      %dma_start3A_352 = tpu.memref_squeeze %dma_start3A_351 : memref<1x16x128xf32, #tpu.memory_space<vmem>> -> memref<16x128xf32, #tpu.memory_space<vmem>>
      %dma_start3A_353 = arith.constant 0 : i32
      %dma_start3A_354 = tpu.memref_slice %arg2[%dma_start3A_353, %multiple_of3A_341] : memref<16x1000000xf32, #tpu.memory_space<hbm>> -> memref<16x128xf32, #tpu.memory_space<hbm>>
      tpu.enqueue_dma source(%dma_start3A_354 : memref<16x128xf32, #tpu.memory_space<hbm>>) target(%dma_start3A_352 : memref<16x128xf32, #tpu.memory_space<vmem>>) target_semaphore(%arg17 : memref<!tpu.dma_semaphore, #tpu.memory_space<semaphore_mem>>)
      %slice3A_355 = vector.extract_strided_slice %sub3A_306 {offsets = [1], sizes = [1], strides = [1]} : vector<16xi32> to vector<1xi32>
      %squeeze3A_356 = vector.extract %slice3A_355[0] : i32 from vector<1xi32>
      %multiple_of3A_357 = tpu.assume_multiple %squeeze3A_356, 128 : i32
      %dma_start3A_358 = arith.constant 9 : i32
      %dma_start3A_359 = arith.constant 0 : i32
      %dma_start3A_360 = arith.constant 0 : i32
      %dma_start3A_361 = tpu.memref_slice %arg13[%dma_start3A_358, %dma_start3A_359, %dma_start3A_360] : memref<16x16x128xf32, #tpu.memory_space<vmem>> -> memref<1x16x128xf32, #tpu.memory_space<vmem>>
      %dma_start3A_362 = tpu.memref_squeeze %dma_start3A_361 : memref<1x16x128xf32, #tpu.memory_space<vmem>> -> memref<16x128xf32, #tpu.memory_space<vmem>>
      %dma_start3A_363 = arith.constant 0 : i32
      %dma_start3A_364 = tpu.memref_slice %arg3[%dma_start3A_363, %multiple_of3A_357] : memref<16x1000000xf32, #tpu.memory_space<hbm>> -> memref<16x128xf32, #tpu.memory_space<hbm>>
      %dma_start3A_365 = arith.constant 0 : i32
      %dma_start3A_366 = arith.constant 0 : i32
      %dma_start3A_367 = tpu.memref_slice %arg13[%dma_start3A_358, %dma_start3A_365, %dma_start3A_366] : memref<16x16x128xf32, #tpu.memory_space<vmem>> -> memref<1x16x128xf32, #tpu.memory_space<vmem>>
      %dma_start3A_368 = tpu.memref_squeeze %dma_start3A_367 : memref<1x16x128xf32, #tpu.memory_space<vmem>> -> memref<16x128xf32, #tpu.memory_space<vmem>>
      %dma_start3A_369 = arith.constant 0 : i32
      %dma_start3A_370 = tpu.memref_slice %arg3[%dma_start3A_369, %multiple_of3A_357] : memref<16x1000000xf32, #tpu.memory_space<hbm>> -> memref<16x128xf32, #tpu.memory_space<hbm>>
      tpu.enqueue_dma source(%dma_start3A_370 : memref<16x128xf32, #tpu.memory_space<hbm>>) target(%dma_start3A_368 : memref<16x128xf32, #tpu.memory_space<vmem>>) target_semaphore(%arg18 : memref<!tpu.dma_semaphore, #tpu.memory_space<semaphore_mem>>)
      %slice3A_371 = vector.extract_strided_slice %sub3A_302 {offsets = [2], sizes = [1], strides = [1]} : vector<16xi32> to vector<1xi32>
      %squeeze3A_372 = vector.extract %slice3A_371[0] : i32 from vector<1xi32>
      %multiple_of3A_373 = tpu.assume_multiple %squeeze3A_372, 128 : i32
      %dma_start3A_374 = arith.constant 10 : i32
      %dma_start3A_375 = arith.constant 0 : i32
      %dma_start3A_376 = arith.constant 0 : i32
      %dma_start3A_377 = tpu.memref_slice %arg12[%dma_start3A_374, %dma_start3A_375, %dma_start3A_376] : memref<16x16x128xf32, #tpu.memory_space<vmem>> -> memref<1x16x128xf32, #tpu.memory_space<vmem>>
      %dma_start3A_378 = tpu.memref_squeeze %dma_start3A_377 : memref<1x16x128xf32, #tpu.memory_space<vmem>> -> memref<16x128xf32, #tpu.memory_space<vmem>>
      %dma_start3A_379 = arith.constant 0 : i32
      %dma_start3A_380 = tpu.memref_slice %arg2[%dma_start3A_379, %multiple_of3A_373] : memref<16x1000000xf32, #tpu.memory_space<hbm>> -> memref<16x128xf32, #tpu.memory_space<hbm>>
      %dma_start3A_381 = arith.constant 0 : i32
      %dma_start3A_382 = arith.constant 0 : i32
      %dma_start3A_383 = tpu.memref_slice %arg12[%dma_start3A_374, %dma_start3A_381, %dma_start3A_382] : memref<16x16x128xf32, #tpu.memory_space<vmem>> -> memref<1x16x128xf32, #tpu.memory_space<vmem>>
      %dma_start3A_384 = tpu.memref_squeeze %dma_start3A_383 : memref<1x16x128xf32, #tpu.memory_space<vmem>> -> memref<16x128xf32, #tpu.memory_space<vmem>>
      %dma_start3A_385 = arith.constant 0 : i32
      %dma_start3A_386 = tpu.memref_slice %arg2[%dma_start3A_385, %multiple_of3A_373] : memref<16x1000000xf32, #tpu.memory_space<hbm>> -> memref<16x128xf32, #tpu.memory_space<hbm>>
      tpu.enqueue_dma source(%dma_start3A_386 : memref<16x128xf32, #tpu.memory_space<hbm>>) target(%dma_start3A_384 : memref<16x128xf32, #tpu.memory_space<vmem>>) target_semaphore(%arg17 : memref<!tpu.dma_semaphore, #tpu.memory_space<semaphore_mem>>)
      %slice3A_387 = vector.extract_strided_slice %sub3A_306 {offsets = [2], sizes = [1], strides = [1]} : vector<16xi32> to vector<1xi32>
      %squeeze3A_388 = vector.extract %slice3A_387[0] : i32 from vector<1xi32>
      %multiple_of3A_389 = tpu.assume_multiple %squeeze3A_388, 128 : i32
      %dma_start3A_390 = arith.constant 10 : i32
      %dma_start3A_391 = arith.constant 0 : i32
      %dma_start3A_392 = arith.constant 0 : i32
      %dma_start3A_393 = tpu.memref_slice %arg13[%dma_start3A_390, %dma_start3A_391, %dma_start3A_392] : memref<16x16x128xf32, #tpu.memory_space<vmem>> -> memref<1x16x128xf32, #tpu.memory_space<vmem>>
      %dma_start3A_394 = tpu.memref_squeeze %dma_start3A_393 : memref<1x16x128xf32, #tpu.memory_space<vmem>> -> memref<16x128xf32, #tpu.memory_space<vmem>>
      %dma_start3A_395 = arith.constant 0 : i32
      %dma_start3A_396 = tpu.memref_slice %arg3[%dma_start3A_395, %multiple_of3A_389] : memref<16x1000000xf32, #tpu.memory_space<hbm>> -> memref<16x128xf32, #tpu.memory_space<hbm>>
      %dma_start3A_397 = arith.constant 0 : i32
      %dma_start3A_398 = arith.constant 0 : i32
      %dma_start3A_399 = tpu.memref_slice %arg13[%dma_start3A_390, %dma_start3A_397, %dma_start3A_398] : memref<16x16x128xf32, #tpu.memory_space<vmem>> -> memref<1x16x128xf32, #tpu.memory_space<vmem>>
      %dma_start3A_400 = tpu.memref_squeeze %dma_start3A_399 : memref<1x16x128xf32, #tpu.memory_space<vmem>> -> memref<16x128xf32, #tpu.memory_space<vmem>>
      %dma_start3A_401 = arith.constant 0 : i32
      %dma_start3A_402 = tpu.memref_slice %arg3[%dma_start3A_401, %multiple_of3A_389] : memref<16x1000000xf32, #tpu.memory_space<hbm>> -> memref<16x128xf32, #tpu.memory_space<hbm>>
      tpu.enqueue_dma source(%dma_start3A_402 : memref<16x128xf32, #tpu.memory_space<hbm>>) target(%dma_start3A_400 : memref<16x128xf32, #tpu.memory_space<vmem>>) target_semaphore(%arg18 : memref<!tpu.dma_semaphore, #tpu.memory_space<semaphore_mem>>)
      %slice3A_403 = vector.extract_strided_slice %sub3A_302 {offsets = [3], sizes = [1], strides = [1]} : vector<16xi32> to vector<1xi32>
      %squeeze3A_404 = vector.extract %slice3A_403[0] : i32 from vector<1xi32>
      %multiple_of3A_405 = tpu.assume_multiple %squeeze3A_404, 128 : i32
      %dma_start3A_406 = arith.constant 11 : i32
      %dma_start3A_407 = arith.constant 0 : i32
      %dma_start3A_408 = arith.constant 0 : i32
      %dma_start3A_409 = tpu.memref_slice %arg12[%dma_start3A_406, %dma_start3A_407, %dma_start3A_408] : memref<16x16x128xf32, #tpu.memory_space<vmem>> -> memref<1x16x128xf32, #tpu.memory_space<vmem>>
      %dma_start3A_410 = tpu.memref_squeeze %dma_start3A_409 : memref<1x16x128xf32, #tpu.memory_space<vmem>> -> memref<16x128xf32, #tpu.memory_space<vmem>>
      %dma_start3A_411 = arith.constant 0 : i32
      %dma_start3A_412 = tpu.memref_slice %arg2[%dma_start3A_411, %multiple_of3A_405] : memref<16x1000000xf32, #tpu.memory_space<hbm>> -> memref<16x128xf32, #tpu.memory_space<hbm>>
      %dma_start3A_413 = arith.constant 0 : i32
      %dma_start3A_414 = arith.constant 0 : i32
      %dma_start3A_415 = tpu.memref_slice %arg12[%dma_start3A_406, %dma_start3A_413, %dma_start3A_414] : memref<16x16x128xf32, #tpu.memory_space<vmem>> -> memref<1x16x128xf32, #tpu.memory_space<vmem>>
      %dma_start3A_416 = tpu.memref_squeeze %dma_start3A_415 : memref<1x16x128xf32, #tpu.memory_space<vmem>> -> memref<16x128xf32, #tpu.memory_space<vmem>>
      %dma_start3A_417 = arith.constant 0 : i32
      %dma_start3A_418 = tpu.memref_slice %arg2[%dma_start3A_417, %multiple_of3A_405] : memref<16x1000000xf32, #tpu.memory_space<hbm>> -> memref<16x128xf32, #tpu.memory_space<hbm>>
      tpu.enqueue_dma source(%dma_start3A_418 : memref<16x128xf32, #tpu.memory_space<hbm>>) target(%dma_start3A_416 : memref<16x128xf32, #tpu.memory_space<vmem>>) target_semaphore(%arg17 : memref<!tpu.dma_semaphore, #tpu.memory_space<semaphore_mem>>)
      %slice3A_419 = vector.extract_strided_slice %sub3A_306 {offsets = [3], sizes = [1], strides = [1]} : vector<16xi32> to vector<1xi32>
      %squeeze3A_420 = vector.extract %slice3A_419[0] : i32 from vector<1xi32>
      %multiple_of3A_421 = tpu.assume_multiple %squeeze3A_420, 128 : i32
      %dma_start3A_422 = arith.constant 11 : i32
      %dma_start3A_423 = arith.constant 0 : i32
      %dma_start3A_424 = arith.constant 0 : i32
      %dma_start3A_425 = tpu.memref_slice %arg13[%dma_start3A_422, %dma_start3A_423, %dma_start3A_424] : memref<16x16x128xf32, #tpu.memory_space<vmem>> -> memref<1x16x128xf32, #tpu.memory_space<vmem>>
      %dma_start3A_426 = tpu.memref_squeeze %dma_start3A_425 : memref<1x16x128xf32, #tpu.memory_space<vmem>> -> memref<16x128xf32, #tpu.memory_space<vmem>>
      %dma_start3A_427 = arith.constant 0 : i32
      %dma_start3A_428 = tpu.memref_slice %arg3[%dma_start3A_427, %multiple_of3A_421] : memref<16x1000000xf32, #tpu.memory_space<hbm>> -> memref<16x128xf32, #tpu.memory_space<hbm>>
      %dma_start3A_429 = arith.constant 0 : i32
      %dma_start3A_430 = arith.constant 0 : i32
      %dma_start3A_431 = tpu.memref_slice %arg13[%dma_start3A_422, %dma_start3A_429, %dma_start3A_430] : memref<16x16x128xf32, #tpu.memory_space<vmem>> -> memref<1x16x128xf32, #tpu.memory_space<vmem>>
      %dma_start3A_432 = tpu.memref_squeeze %dma_start3A_431 : memref<1x16x128xf32, #tpu.memory_space<vmem>> -> memref<16x128xf32, #tpu.memory_space<vmem>>
      %dma_start3A_433 = arith.constant 0 : i32
      %dma_start3A_434 = tpu.memref_slice %arg3[%dma_start3A_433, %multiple_of3A_421] : memref<16x1000000xf32, #tpu.memory_space<hbm>> -> memref<16x128xf32, #tpu.memory_space<hbm>>
      tpu.enqueue_dma source(%dma_start3A_434 : memref<16x128xf32, #tpu.memory_space<hbm>>) target(%dma_start3A_432 : memref<16x128xf32, #tpu.memory_space<vmem>>) target_semaphore(%arg18 : memref<!tpu.dma_semaphore, #tpu.memory_space<semaphore_mem>>)
      %slice3A_435 = vector.extract_strided_slice %sub3A_302 {offsets = [4], sizes = [1], strides = [1]} : vector<16xi32> to vector<1xi32>
      %squeeze3A_436 = vector.extract %slice3A_435[0] : i32 from vector<1xi32>
      %multiple_of3A_437 = tpu.assume_multiple %squeeze3A_436, 128 : i32
      %dma_start3A_438 = arith.constant 12 : i32
      %dma_start3A_439 = arith.constant 0 : i32
      %dma_start3A_440 = arith.constant 0 : i32
      %dma_start3A_441 = tpu.memref_slice %arg12[%dma_start3A_438, %dma_start3A_439, %dma_start3A_440] : memref<16x16x128xf32, #tpu.memory_space<vmem>> -> memref<1x16x128xf32, #tpu.memory_space<vmem>>
      %dma_start3A_442 = tpu.memref_squeeze %dma_start3A_441 : memref<1x16x128xf32, #tpu.memory_space<vmem>> -> memref<16x128xf32, #tpu.memory_space<vmem>>
      %dma_start3A_443 = arith.constant 0 : i32
      %dma_start3A_444 = tpu.memref_slice %arg2[%dma_start3A_443, %multiple_of3A_437] : memref<16x1000000xf32, #tpu.memory_space<hbm>> -> memref<16x128xf32, #tpu.memory_space<hbm>>
      %dma_start3A_445 = arith.constant 0 : i32
      %dma_start3A_446 = arith.constant 0 : i32
      %dma_start3A_447 = tpu.memref_slice %arg12[%dma_start3A_438, %dma_start3A_445, %dma_start3A_446] : memref<16x16x128xf32, #tpu.memory_space<vmem>> -> memref<1x16x128xf32, #tpu.memory_space<vmem>>
      %dma_start3A_448 = tpu.memref_squeeze %dma_start3A_447 : memref<1x16x128xf32, #tpu.memory_space<vmem>> -> memref<16x128xf32, #tpu.memory_space<vmem>>
      %dma_start3A_449 = arith.constant 0 : i32
      %dma_start3A_450 = tpu.memref_slice %arg2[%dma_start3A_449, %multiple_of3A_437] : memref<16x1000000xf32, #tpu.memory_space<hbm>> -> memref<16x128xf32, #tpu.memory_space<hbm>>
      tpu.enqueue_dma source(%dma_start3A_450 : memref<16x128xf32, #tpu.memory_space<hbm>>) target(%dma_start3A_448 : memref<16x128xf32, #tpu.memory_space<vmem>>) target_semaphore(%arg17 : memref<!tpu.dma_semaphore, #tpu.memory_space<semaphore_mem>>)
      %slice3A_451 = vector.extract_strided_slice %sub3A_306 {offsets = [4], sizes = [1], strides = [1]} : vector<16xi32> to vector<1xi32>
      %squeeze3A_452 = vector.extract %slice3A_451[0] : i32 from vector<1xi32>
      %multiple_of3A_453 = tpu.assume_multiple %squeeze3A_452, 128 : i32
      %dma_start3A_454 = arith.constant 12 : i32
      %dma_start3A_455 = arith.constant 0 : i32
      %dma_start3A_456 = arith.constant 0 : i32
      %dma_start3A_457 = tpu.memref_slice %arg13[%dma_start3A_454, %dma_start3A_455, %dma_start3A_456] : memref<16x16x128xf32, #tpu.memory_space<vmem>> -> memref<1x16x128xf32, #tpu.memory_space<vmem>>
      %dma_start3A_458 = tpu.memref_squeeze %dma_start3A_457 : memref<1x16x128xf32, #tpu.memory_space<vmem>> -> memref<16x128xf32, #tpu.memory_space<vmem>>
      %dma_start3A_459 = arith.constant 0 : i32
      %dma_start3A_460 = tpu.memref_slice %arg3[%dma_start3A_459, %multiple_of3A_453] : memref<16x1000000xf32, #tpu.memory_space<hbm>> -> memref<16x128xf32, #tpu.memory_space<hbm>>
      %dma_start3A_461 = arith.constant 0 : i32
      %dma_start3A_462 = arith.constant 0 : i32
      %dma_start3A_463 = tpu.memref_slice %arg13[%dma_start3A_454, %dma_start3A_461, %dma_start3A_462] : memref<16x16x128xf32, #tpu.memory_space<vmem>> -> memref<1x16x128xf32, #tpu.memory_space<vmem>>
      %dma_start3A_464 = tpu.memref_squeeze %dma_start3A_463 : memref<1x16x128xf32, #tpu.memory_space<vmem>> -> memref<16x128xf32, #tpu.memory_space<vmem>>
      %dma_start3A_465 = arith.constant 0 : i32
      %dma_start3A_466 = tpu.memref_slice %arg3[%dma_start3A_465, %multiple_of3A_453] : memref<16x1000000xf32, #tpu.memory_space<hbm>> -> memref<16x128xf32, #tpu.memory_space<hbm>>
      tpu.enqueue_dma source(%dma_start3A_466 : memref<16x128xf32, #tpu.memory_space<hbm>>) target(%dma_start3A_464 : memref<16x128xf32, #tpu.memory_space<vmem>>) target_semaphore(%arg18 : memref<!tpu.dma_semaphore, #tpu.memory_space<semaphore_mem>>)
      %slice3A_467 = vector.extract_strided_slice %sub3A_302 {offsets = [5], sizes = [1], strides = [1]} : vector<16xi32> to vector<1xi32>
      %squeeze3A_468 = vector.extract %slice3A_467[0] : i32 from vector<1xi32>
      %multiple_of3A_469 = tpu.assume_multiple %squeeze3A_468, 128 : i32
      %dma_start3A_470 = arith.constant 13 : i32
      %dma_start3A_471 = arith.constant 0 : i32
      %dma_start3A_472 = arith.constant 0 : i32
      %dma_start3A_473 = tpu.memref_slice %arg12[%dma_start3A_470, %dma_start3A_471, %dma_start3A_472] : memref<16x16x128xf32, #tpu.memory_space<vmem>> -> memref<1x16x128xf32, #tpu.memory_space<vmem>>
      %dma_start3A_474 = tpu.memref_squeeze %dma_start3A_473 : memref<1x16x128xf32, #tpu.memory_space<vmem>> -> memref<16x128xf32, #tpu.memory_space<vmem>>
      %dma_start3A_475 = arith.constant 0 : i32
      %dma_start3A_476 = tpu.memref_slice %arg2[%dma_start3A_475, %multiple_of3A_469] : memref<16x1000000xf32, #tpu.memory_space<hbm>> -> memref<16x128xf32, #tpu.memory_space<hbm>>
      %dma_start3A_477 = arith.constant 0 : i32
      %dma_start3A_478 = arith.constant 0 : i32
      %dma_start3A_479 = tpu.memref_slice %arg12[%dma_start3A_470, %dma_start3A_477, %dma_start3A_478] : memref<16x16x128xf32, #tpu.memory_space<vmem>> -> memref<1x16x128xf32, #tpu.memory_space<vmem>>
      %dma_start3A_480 = tpu.memref_squeeze %dma_start3A_479 : memref<1x16x128xf32, #tpu.memory_space<vmem>> -> memref<16x128xf32, #tpu.memory_space<vmem>>
      %dma_start3A_481 = arith.constant 0 : i32
      %dma_start3A_482 = tpu.memref_slice %arg2[%dma_start3A_481, %multiple_of3A_469] : memref<16x1000000xf32, #tpu.memory_space<hbm>> -> memref<16x128xf32, #tpu.memory_space<hbm>>
      tpu.enqueue_dma source(%dma_start3A_482 : memref<16x128xf32, #tpu.memory_space<hbm>>) target(%dma_start3A_480 : memref<16x128xf32, #tpu.memory_space<vmem>>) target_semaphore(%arg17 : memref<!tpu.dma_semaphore, #tpu.memory_space<semaphore_mem>>)
      %slice3A_483 = vector.extract_strided_slice %sub3A_306 {offsets = [5], sizes = [1], strides = [1]} : vector<16xi32> to vector<1xi32>
      %squeeze3A_484 = vector.extract %slice3A_483[0] : i32 from vector<1xi32>
      %multiple_of3A_485 = tpu.assume_multiple %squeeze3A_484, 128 : i32
      %dma_start3A_486 = arith.constant 13 : i32
      %dma_start3A_487 = arith.constant 0 : i32
      %dma_start3A_488 = arith.constant 0 : i32
      %dma_start3A_489 = tpu.memref_slice %arg13[%dma_start3A_486, %dma_start3A_487, %dma_start3A_488] : memref<16x16x128xf32, #tpu.memory_space<vmem>> -> memref<1x16x128xf32, #tpu.memory_space<vmem>>
      %dma_start3A_490 = tpu.memref_squeeze %dma_start3A_489 : memref<1x16x128xf32, #tpu.memory_space<vmem>> -> memref<16x128xf32, #tpu.memory_space<vmem>>
      %dma_start3A_491 = arith.constant 0 : i32
      %dma_start3A_492 = tpu.memref_slice %arg3[%dma_start3A_491, %multiple_of3A_485] : memref<16x1000000xf32, #tpu.memory_space<hbm>> -> memref<16x128xf32, #tpu.memory_space<hbm>>
      %dma_start3A_493 = arith.constant 0 : i32
      %dma_start3A_494 = arith.constant 0 : i32
      %dma_start3A_495 = tpu.memref_slice %arg13[%dma_start3A_486, %dma_start3A_493, %dma_start3A_494] : memref<16x16x128xf32, #tpu.memory_space<vmem>> -> memref<1x16x128xf32, #tpu.memory_space<vmem>>
      %dma_start3A_496 = tpu.memref_squeeze %dma_start3A_495 : memref<1x16x128xf32, #tpu.memory_space<vmem>> -> memref<16x128xf32, #tpu.memory_space<vmem>>
      %dma_start3A_497 = arith.constant 0 : i32
      %dma_start3A_498 = tpu.memref_slice %arg3[%dma_start3A_497, %multiple_of3A_485] : memref<16x1000000xf32, #tpu.memory_space<hbm>> -> memref<16x128xf32, #tpu.memory_space<hbm>>
      tpu.enqueue_dma source(%dma_start3A_498 : memref<16x128xf32, #tpu.memory_space<hbm>>) target(%dma_start3A_496 : memref<16x128xf32, #tpu.memory_space<vmem>>) target_semaphore(%arg18 : memref<!tpu.dma_semaphore, #tpu.memory_space<semaphore_mem>>)
      %slice3A_499 = vector.extract_strided_slice %sub3A_302 {offsets = [6], sizes = [1], strides = [1]} : vector<16xi32> to vector<1xi32>
      %squeeze3A_500 = vector.extract %slice3A_499[0] : i32 from vector<1xi32>
      %multiple_of3A_501 = tpu.assume_multiple %squeeze3A_500, 128 : i32
      %dma_start3A_502 = arith.constant 14 : i32
      %dma_start3A_503 = arith.constant 0 : i32
      %dma_start3A_504 = arith.constant 0 : i32
      %dma_start3A_505 = tpu.memref_slice %arg12[%dma_start3A_502, %dma_start3A_503, %dma_start3A_504] : memref<16x16x128xf32, #tpu.memory_space<vmem>> -> memref<1x16x128xf32, #tpu.memory_space<vmem>>
      %dma_start3A_506 = tpu.memref_squeeze %dma_start3A_505 : memref<1x16x128xf32, #tpu.memory_space<vmem>> -> memref<16x128xf32, #tpu.memory_space<vmem>>
      %dma_start3A_507 = arith.constant 0 : i32
      %dma_start3A_508 = tpu.memref_slice %arg2[%dma_start3A_507, %multiple_of3A_501] : memref<16x1000000xf32, #tpu.memory_space<hbm>> -> memref<16x128xf32, #tpu.memory_space<hbm>>
      %dma_start3A_509 = arith.constant 0 : i32
      %dma_start3A_510 = arith.constant 0 : i32
      %dma_start3A_511 = tpu.memref_slice %arg12[%dma_start3A_502, %dma_start3A_509, %dma_start3A_510] : memref<16x16x128xf32, #tpu.memory_space<vmem>> -> memref<1x16x128xf32, #tpu.memory_space<vmem>>
      %dma_start3A_512 = tpu.memref_squeeze %dma_start3A_511 : memref<1x16x128xf32, #tpu.memory_space<vmem>> -> memref<16x128xf32, #tpu.memory_space<vmem>>
      %dma_start3A_513 = arith.constant 0 : i32
      %dma_start3A_514 = tpu.memref_slice %arg2[%dma_start3A_513, %multiple_of3A_501] : memref<16x1000000xf32, #tpu.memory_space<hbm>> -> memref<16x128xf32, #tpu.memory_space<hbm>>
      tpu.enqueue_dma source(%dma_start3A_514 : memref<16x128xf32, #tpu.memory_space<hbm>>) target(%dma_start3A_512 : memref<16x128xf32, #tpu.memory_space<vmem>>) target_semaphore(%arg17 : memref<!tpu.dma_semaphore, #tpu.memory_space<semaphore_mem>>)
      %slice3A_515 = vector.extract_strided_slice %sub3A_306 {offsets = [6], sizes = [1], strides = [1]} : vector<16xi32> to vector<1xi32>
      %squeeze3A_516 = vector.extract %slice3A_515[0] : i32 from vector<1xi32>
      %multiple_of3A_517 = tpu.assume_multiple %squeeze3A_516, 128 : i32
      %dma_start3A_518 = arith.constant 14 : i32
      %dma_start3A_519 = arith.constant 0 : i32
      %dma_start3A_520 = arith.constant 0 : i32
      %dma_start3A_521 = tpu.memref_slice %arg13[%dma_start3A_518, %dma_start3A_519, %dma_start3A_520] : memref<16x16x128xf32, #tpu.memory_space<vmem>> -> memref<1x16x128xf32, #tpu.memory_space<vmem>>
      %dma_start3A_522 = tpu.memref_squeeze %dma_start3A_521 : memref<1x16x128xf32, #tpu.memory_space<vmem>> -> memref<16x128xf32, #tpu.memory_space<vmem>>
      %dma_start3A_523 = arith.constant 0 : i32
      %dma_start3A_524 = tpu.memref_slice %arg3[%dma_start3A_523, %multiple_of3A_517] : memref<16x1000000xf32, #tpu.memory_space<hbm>> -> memref<16x128xf32, #tpu.memory_space<hbm>>
      %dma_start3A_525 = arith.constant 0 : i32
      %dma_start3A_526 = arith.constant 0 : i32
      %dma_start3A_527 = tpu.memref_slice %arg13[%dma_start3A_518, %dma_start3A_525, %dma_start3A_526] : memref<16x16x128xf32, #tpu.memory_space<vmem>> -> memref<1x16x128xf32, #tpu.memory_space<vmem>>
      %dma_start3A_528 = tpu.memref_squeeze %dma_start3A_527 : memref<1x16x128xf32, #tpu.memory_space<vmem>> -> memref<16x128xf32, #tpu.memory_space<vmem>>
      %dma_start3A_529 = arith.constant 0 : i32
      %dma_start3A_530 = tpu.memref_slice %arg3[%dma_start3A_529, %multiple_of3A_517] : memref<16x1000000xf32, #tpu.memory_space<hbm>> -> memref<16x128xf32, #tpu.memory_space<hbm>>
      tpu.enqueue_dma source(%dma_start3A_530 : memref<16x128xf32, #tpu.memory_space<hbm>>) target(%dma_start3A_528 : memref<16x128xf32, #tpu.memory_space<vmem>>) target_semaphore(%arg18 : memref<!tpu.dma_semaphore, #tpu.memory_space<semaphore_mem>>)
      %slice3A_531 = vector.extract_strided_slice %sub3A_302 {offsets = [7], sizes = [1], strides = [1]} : vector<16xi32> to vector<1xi32>
      %squeeze3A_532 = vector.extract %slice3A_531[0] : i32 from vector<1xi32>
      %multiple_of3A_533 = tpu.assume_multiple %squeeze3A_532, 128 : i32
      %dma_start3A_534 = arith.constant 15 : i32
      %dma_start3A_535 = arith.constant 0 : i32
      %dma_start3A_536 = arith.constant 0 : i32
      %dma_start3A_537 = tpu.memref_slice %arg12[%dma_start3A_534, %dma_start3A_535, %dma_start3A_536] : memref<16x16x128xf32, #tpu.memory_space<vmem>> -> memref<1x16x128xf32, #tpu.memory_space<vmem>>
      %dma_start3A_538 = tpu.memref_squeeze %dma_start3A_537 : memref<1x16x128xf32, #tpu.memory_space<vmem>> -> memref<16x128xf32, #tpu.memory_space<vmem>>
      %dma_start3A_539 = arith.constant 0 : i32
      %dma_start3A_540 = tpu.memref_slice %arg2[%dma_start3A_539, %multiple_of3A_533] : memref<16x1000000xf32, #tpu.memory_space<hbm>> -> memref<16x128xf32, #tpu.memory_space<hbm>>
      %dma_start3A_541 = arith.constant 0 : i32
      %dma_start3A_542 = arith.constant 0 : i32
      %dma_start3A_543 = tpu.memref_slice %arg12[%dma_start3A_534, %dma_start3A_541, %dma_start3A_542] : memref<16x16x128xf32, #tpu.memory_space<vmem>> -> memref<1x16x128xf32, #tpu.memory_space<vmem>>
      %dma_start3A_544 = tpu.memref_squeeze %dma_start3A_543 : memref<1x16x128xf32, #tpu.memory_space<vmem>> -> memref<16x128xf32, #tpu.memory_space<vmem>>
      %dma_start3A_545 = arith.constant 0 : i32
      %dma_start3A_546 = tpu.memref_slice %arg2[%dma_start3A_545, %multiple_of3A_533] : memref<16x1000000xf32, #tpu.memory_space<hbm>> -> memref<16x128xf32, #tpu.memory_space<hbm>>
      tpu.enqueue_dma source(%dma_start3A_546 : memref<16x128xf32, #tpu.memory_space<hbm>>) target(%dma_start3A_544 : memref<16x128xf32, #tpu.memory_space<vmem>>) target_semaphore(%arg17 : memref<!tpu.dma_semaphore, #tpu.memory_space<semaphore_mem>>)
      %slice3A_547 = vector.extract_strided_slice %sub3A_306 {offsets = [7], sizes = [1], strides = [1]} : vector<16xi32> to vector<1xi32>
      %squeeze3A_548 = vector.extract %slice3A_547[0] : i32 from vector<1xi32>
      %multiple_of3A_549 = tpu.assume_multiple %squeeze3A_548, 128 : i32
      %dma_start3A_550 = arith.constant 15 : i32
      %dma_start3A_551 = arith.constant 0 : i32
      %dma_start3A_552 = arith.constant 0 : i32
      %dma_start3A_553 = tpu.memref_slice %arg13[%dma_start3A_550, %dma_start3A_551, %dma_start3A_552] : memref<16x16x128xf32, #tpu.memory_space<vmem>> -> memref<1x16x128xf32, #tpu.memory_space<vmem>>
      %dma_start3A_554 = tpu.memref_squeeze %dma_start3A_553 : memref<1x16x128xf32, #tpu.memory_space<vmem>> -> memref<16x128xf32, #tpu.memory_space<vmem>>
      %dma_start3A_555 = arith.constant 0 : i32
      %dma_start3A_556 = tpu.memref_slice %arg3[%dma_start3A_555, %multiple_of3A_549] : memref<16x1000000xf32, #tpu.memory_space<hbm>> -> memref<16x128xf32, #tpu.memory_space<hbm>>
      %dma_start3A_557 = arith.constant 0 : i32
      %dma_start3A_558 = arith.constant 0 : i32
      %dma_start3A_559 = tpu.memref_slice %arg13[%dma_start3A_550, %dma_start3A_557, %dma_start3A_558] : memref<16x16x128xf32, #tpu.memory_space<vmem>> -> memref<1x16x128xf32, #tpu.memory_space<vmem>>
      %dma_start3A_560 = tpu.memref_squeeze %dma_start3A_559 : memref<1x16x128xf32, #tpu.memory_space<vmem>> -> memref<16x128xf32, #tpu.memory_space<vmem>>
      %dma_start3A_561 = arith.constant 0 : i32
      %dma_start3A_562 = tpu.memref_slice %arg3[%dma_start3A_561, %multiple_of3A_549] : memref<16x1000000xf32, #tpu.memory_space<hbm>> -> memref<16x128xf32, #tpu.memory_space<hbm>>
      tpu.enqueue_dma source(%dma_start3A_562 : memref<16x128xf32, #tpu.memory_space<hbm>>) target(%dma_start3A_560 : memref<16x128xf32, #tpu.memory_space<vmem>>) target_semaphore(%arg18 : memref<!tpu.dma_semaphore, #tpu.memory_space<semaphore_mem>>)
      %dma_wait3A_563 = arith.constant 0 : i32
      %dma_wait3A_564 = arith.constant 0 : i32
      %dma_wait3A_565 = arith.constant 0 : i32
      %dma_wait3A_566 = tpu.memref_slice %arg12[%dma_wait3A_563, %dma_wait3A_564, %dma_wait3A_565] : memref<16x16x128xf32, #tpu.memory_space<vmem>> -> memref<8x16x128xf32, #tpu.memory_space<vmem>>
      %dma_wait3A_567 = arith.constant 0 : i32
      %dma_wait3A_568 = arith.constant 0 : i32
      %dma_wait3A_569 = arith.constant 0 : i32
      %dma_wait3A_570 = tpu.memref_slice %arg12[%dma_wait3A_567, %dma_wait3A_568, %dma_wait3A_569] : memref<16x16x128xf32, #tpu.memory_space<vmem>> -> memref<8x16x128xf32, #tpu.memory_space<vmem>>
      tpu.wait_dma2 semaphore(%arg17 : memref<!tpu.dma_semaphore, #tpu.memory_space<semaphore_mem>>) src(%arg7 : memref<8x16x128xf32, #tpu.memory_space<hbm>>) dst(%dma_wait3A_570 : memref<8x16x128xf32, #tpu.memory_space<vmem>>)
      %dma_wait3A_571 = arith.constant 0 : i32
      %dma_wait3A_572 = arith.constant 0 : i32
      %dma_wait3A_573 = arith.constant 0 : i32
      %dma_wait3A_574 = tpu.memref_slice %arg13[%dma_wait3A_571, %dma_wait3A_572, %dma_wait3A_573] : memref<16x16x128xf32, #tpu.memory_space<vmem>> -> memref<8x16x128xf32, #tpu.memory_space<vmem>>
      %dma_wait3A_575 = arith.constant 0 : i32
      %dma_wait3A_576 = arith.constant 0 : i32
      %dma_wait3A_577 = arith.constant 0 : i32
      %dma_wait3A_578 = tpu.memref_slice %arg13[%dma_wait3A_575, %dma_wait3A_576, %dma_wait3A_577] : memref<16x16x128xf32, #tpu.memory_space<vmem>> -> memref<8x16x128xf32, #tpu.memory_space<vmem>>
      tpu.wait_dma2 semaphore(%arg18 : memref<!tpu.dma_semaphore, #tpu.memory_space<semaphore_mem>>) src(%arg7 : memref<8x16x128xf32, #tpu.memory_space<hbm>>) dst(%dma_wait3A_578 : memref<8x16x128xf32, #tpu.memory_space<vmem>>)
      %mul3A_579 = arith.constant 16 : i32
      %mul3A_580 = arith.muli %scan3A_286, %mul3A_579 : i32
      %add3A_581 = arith.constant 0 : i32
      %add3A_582 = arith.addi %mul3A_580, %add3A_581 : i32
      %and3A_583 = arith.constant 7 : i32
      %and3A_584 = vector.broadcast %and3A_583 : i32 to vector<16xi32>
      %and3A_585 = arith.andi %iota3A, %and3A_584 : vector<16xi32>
      %add3A_586 = arith.constant 0 : i32
      %add3A_587 = vector.broadcast %add3A_586 : i32 to vector<16xi32>
      %add3A_588 = arith.addi %add3A_587, %and3A_585 : vector<16xi32>
      %get3A_589 = arith.index_cast %add3A_582 : i32 to index
      %get3A_590 = tpu.vector_load %arg10[%get3A_589] {strides = array<i32>} : memref<528xi32, #tpu.memory_space<vmem>>, vector<16xi32>,
      %and3A_591 = arith.constant 127 : i32
      %and3A_592 = vector.broadcast %and3A_591 : i32 to vector<16xi32>
      %and3A_593 = arith.andi %get3A_590, %and3A_592 : vector<16xi32>
      %get3A_594 = arith.index_cast %add3A_582 : i32 to index
      %get3A_595 = tpu.vector_load %arg11[%get3A_594] {strides = array<i32>} : memref<528xi32, #tpu.memory_space<vmem>>, vector<16xi32>,
      %and3A_596 = arith.constant 127 : i32
      %and3A_597 = vector.broadcast %and3A_596 : i32 to vector<16xi32>
      %and3A_598 = arith.andi %get3A_595, %and3A_597 : vector<16xi32>
      %add3A_599 = arith.constant 0 : i32
      %add3A_600 = vector.broadcast %add3A_599 : i32 to vector<16xi32>
      %add3A_601 = arith.addi %iota3A, %add3A_600 : vector<16xi32>
      %and3A_602 = arith.constant 15 : i32
      %and3A_603 = vector.broadcast %and3A_602 : i32 to vector<16xi32>
      %and3A_604 = arith.andi %add3A_601, %and3A_603 : vector<16xi32>
      %gather3A = tpu.vector_load_idx %arg12[%add3A_588, %and3A_604, %and3A_593] : memref<16x16x128xf32, #tpu.memory_space<vmem>>[vector<16xi32>, vector<16xi32>, vector<16xi32>], vector<16xf32>,
      %add3A_605 = arith.constant 1 : i32
      %add3A_606 = vector.broadcast %add3A_605 : i32 to vector<16xi32>
      %add3A_607 = arith.addi %iota3A, %add3A_606 : vector<16xi32>
      %and3A_608 = arith.constant 15 : i32
      %and3A_609 = vector.broadcast %and3A_608 : i32 to vector<16xi32>
      %and3A_610 = arith.andi %add3A_607, %and3A_609 : vector<16xi32>
      %gather3A_611 = tpu.vector_load_idx %arg12[%add3A_588, %and3A_610, %and3A_593] : memref<16x16x128xf32, #tpu.memory_space<vmem>>[vector<16xi32>, vector<16xi32>, vector<16xi32>], vector<16xf32>,
      %add3A_612 = arith.constant 2 : i32
      %add3A_613 = vector.broadcast %add3A_612 : i32 to vector<16xi32>
      %add3A_614 = arith.addi %iota3A, %add3A_613 : vector<16xi32>
      %and3A_615 = arith.constant 15 : i32
      %and3A_616 = vector.broadcast %and3A_615 : i32 to vector<16xi32>
      %and3A_617 = arith.andi %add3A_614, %and3A_616 : vector<16xi32>
      %gather3A_618 = tpu.vector_load_idx %arg12[%add3A_588, %and3A_617, %and3A_593] : memref<16x16x128xf32, #tpu.memory_space<vmem>>[vector<16xi32>, vector<16xi32>, vector<16xi32>], vector<16xf32>,
      %add3A_619 = arith.constant 3 : i32
      %add3A_620 = vector.broadcast %add3A_619 : i32 to vector<16xi32>
      %add3A_621 = arith.addi %iota3A, %add3A_620 : vector<16xi32>
      %and3A_622 = arith.constant 15 : i32
      %and3A_623 = vector.broadcast %and3A_622 : i32 to vector<16xi32>
      %and3A_624 = arith.andi %add3A_621, %and3A_623 : vector<16xi32>
      %gather3A_625 = tpu.vector_load_idx %arg12[%add3A_588, %and3A_624, %and3A_593] : memref<16x16x128xf32, #tpu.memory_space<vmem>>[vector<16xi32>, vector<16xi32>, vector<16xi32>], vector<16xf32>,
      %add3A_626 = arith.constant 4 : i32
      %add3A_627 = vector.broadcast %add3A_626 : i32 to vector<16xi32>
      %add3A_628 = arith.addi %iota3A, %add3A_627 : vector<16xi32>
      %and3A_629 = arith.constant 15 : i32
      %and3A_630 = vector.broadcast %and3A_629 : i32 to vector<16xi32>
      %and3A_631 = arith.andi %add3A_628, %and3A_630 : vector<16xi32>
      %gather3A_632 = tpu.vector_load_idx %arg12[%add3A_588, %and3A_631, %and3A_593] : memref<16x16x128xf32, #tpu.memory_space<vmem>>[vector<16xi32>, vector<16xi32>, vector<16xi32>], vector<16xf32>,
      %add3A_633 = arith.constant 5 : i32
      %add3A_634 = vector.broadcast %add3A_633 : i32 to vector<16xi32>
      %add3A_635 = arith.addi %iota3A, %add3A_634 : vector<16xi32>
      %and3A_636 = arith.constant 15 : i32
      %and3A_637 = vector.broadcast %and3A_636 : i32 to vector<16xi32>
      %and3A_638 = arith.andi %add3A_635, %and3A_637 : vector<16xi32>
      %gather3A_639 = tpu.vector_load_idx %arg12[%add3A_588, %and3A_638, %and3A_593] : memref<16x16x128xf32, #tpu.memory_space<vmem>>[vector<16xi32>, vector<16xi32>, vector<16xi32>], vector<16xf32>,
      %add3A_640 = arith.constant 6 : i32
      %add3A_641 = vector.broadcast %add3A_640 : i32 to vector<16xi32>
      %add3A_642 = arith.addi %iota3A, %add3A_641 : vector<16xi32>
      %and3A_643 = arith.constant 15 : i32
      %and3A_644 = vector.broadcast %and3A_643 : i32 to vector<16xi32>
      %and3A_645 = arith.andi %add3A_642, %and3A_644 : vector<16xi32>
      %gather3A_646 = tpu.vector_load_idx %arg12[%add3A_588, %and3A_645, %and3A_593] : memref<16x16x128xf32, #tpu.memory_space<vmem>>[vector<16xi32>, vector<16xi32>, vector<16xi32>], vector<16xf32>,
      %add3A_647 = arith.constant 7 : i32
      %add3A_648 = vector.broadcast %add3A_647 : i32 to vector<16xi32>
      %add3A_649 = arith.addi %iota3A, %add3A_648 : vector<16xi32>
      %and3A_650 = arith.constant 15 : i32
      %and3A_651 = vector.broadcast %and3A_650 : i32 to vector<16xi32>
      %and3A_652 = arith.andi %add3A_649, %and3A_651 : vector<16xi32>
      %gather3A_653 = tpu.vector_load_idx %arg12[%add3A_588, %and3A_652, %and3A_593] : memref<16x16x128xf32, #tpu.memory_space<vmem>>[vector<16xi32>, vector<16xi32>, vector<16xi32>], vector<16xf32>,
      %add3A_654 = arith.constant 8 : i32
      %add3A_655 = vector.broadcast %add3A_654 : i32 to vector<16xi32>
      %add3A_656 = arith.addi %iota3A, %add3A_655 : vector<16xi32>
      %and3A_657 = arith.constant 15 : i32
      %and3A_658 = vector.broadcast %and3A_657 : i32 to vector<16xi32>
      %and3A_659 = arith.andi %add3A_656, %and3A_658 : vector<16xi32>
      %gather3A_660 = tpu.vector_load_idx %arg12[%add3A_588, %and3A_659, %and3A_593] : memref<16x16x128xf32, #tpu.memory_space<vmem>>[vector<16xi32>, vector<16xi32>, vector<16xi32>], vector<16xf32>,
      %add3A_661 = arith.constant 9 : i32
      %add3A_662 = vector.broadcast %add3A_661 : i32 to vector<16xi32>
      %add3A_663 = arith.addi %iota3A, %add3A_662 : vector<16xi32>
      %and3A_664 = arith.constant 15 : i32
      %and3A_665 = vector.broadcast %and3A_664 : i32 to vector<16xi32>
      %and3A_666 = arith.andi %add3A_663, %and3A_665 : vector<16xi32>
      %gather3A_667 = tpu.vector_load_idx %arg12[%add3A_588, %and3A_666, %and3A_593] : memref<16x16x128xf32, #tpu.memory_space<vmem>>[vector<16xi32>, vector<16xi32>, vector<16xi32>], vector<16xf32>,
      %add3A_668 = arith.constant 10 : i32
      %add3A_669 = vector.broadcast %add3A_668 : i32 to vector<16xi32>
      %add3A_670 = arith.addi %iota3A, %add3A_669 : vector<16xi32>
      %and3A_671 = arith.constant 15 : i32
      %and3A_672 = vector.broadcast %and3A_671 : i32 to vector<16xi32>
      %and3A_673 = arith.andi %add3A_670, %and3A_672 : vector<16xi32>
      %gather3A_674 = tpu.vector_load_idx %arg12[%add3A_588, %and3A_673, %and3A_593] : memref<16x16x128xf32, #tpu.memory_space<vmem>>[vector<16xi32>, vector<16xi32>, vector<16xi32>], vector<16xf32>,
      %add3A_675 = arith.constant 11 : i32
      %add3A_676 = vector.broadcast %add3A_675 : i32 to vector<16xi32>
      %add3A_677 = arith.addi %iota3A, %add3A_676 : vector<16xi32>
      %and3A_678 = arith.constant 15 : i32
      %and3A_679 = vector.broadcast %and3A_678 : i32 to vector<16xi32>
      %and3A_680 = arith.andi %add3A_677, %and3A_679 : vector<16xi32>
      %gather3A_681 = tpu.vector_load_idx %arg12[%add3A_588, %and3A_680, %and3A_593] : memref<16x16x128xf32, #tpu.memory_space<vmem>>[vector<16xi32>, vector<16xi32>, vector<16xi32>], vector<16xf32>,
      %add3A_682 = arith.constant 12 : i32
      %add3A_683 = vector.broadcast %add3A_682 : i32 to vector<16xi32>
      %add3A_684 = arith.addi %iota3A, %add3A_683 : vector<16xi32>
      %and3A_685 = arith.constant 15 : i32
      %and3A_686 = vector.broadcast %and3A_685 : i32 to vector<16xi32>
      %and3A_687 = arith.andi %add3A_684, %and3A_686 : vector<16xi32>
      %gather3A_688 = tpu.vector_load_idx %arg12[%add3A_588, %and3A_687, %and3A_593] : memref<16x16x128xf32, #tpu.memory_space<vmem>>[vector<16xi32>, vector<16xi32>, vector<16xi32>], vector<16xf32>,
      %add3A_689 = arith.constant 13 : i32
      %add3A_690 = vector.broadcast %add3A_689 : i32 to vector<16xi32>
      %add3A_691 = arith.addi %iota3A, %add3A_690 : vector<16xi32>
      %and3A_692 = arith.constant 15 : i32
      %and3A_693 = vector.broadcast %and3A_692 : i32 to vector<16xi32>
      %and3A_694 = arith.andi %add3A_691, %and3A_693 : vector<16xi32>
      %gather3A_695 = tpu.vector_load_idx %arg12[%add3A_588, %and3A_694, %and3A_593] : memref<16x16x128xf32, #tpu.memory_space<vmem>>[vector<16xi32>, vector<16xi32>, vector<16xi32>], vector<16xf32>,
      %add3A_696 = arith.constant 14 : i32
      %add3A_697 = vector.broadcast %add3A_696 : i32 to vector<16xi32>
      %add3A_698 = arith.addi %iota3A, %add3A_697 : vector<16xi32>
      %and3A_699 = arith.constant 15 : i32
      %and3A_700 = vector.broadcast %and3A_699 : i32 to vector<16xi32>
      %and3A_701 = arith.andi %add3A_698, %and3A_700 : vector<16xi32>
      %gather3A_702 = tpu.vector_load_idx %arg12[%add3A_588, %and3A_701, %and3A_593] : memref<16x16x128xf32, #tpu.memory_space<vmem>>[vector<16xi32>, vector<16xi32>, vector<16xi32>], vector<16xf32>,
      %add3A_703 = arith.constant 15 : i32
      %add3A_704 = vector.broadcast %add3A_703 : i32 to vector<16xi32>
      %add3A_705 = arith.addi %iota3A, %add3A_704 : vector<16xi32>
      %and3A_706 = arith.constant 15 : i32
      %and3A_707 = vector.broadcast %and3A_706 : i32 to vector<16xi32>
      %and3A_708 = arith.andi %add3A_705, %and3A_707 : vector<16xi32>
      %gather3A_709 = tpu.vector_load_idx %arg12[%add3A_588, %and3A_708, %and3A_593] : memref<16x16x128xf32, #tpu.memory_space<vmem>>[vector<16xi32>, vector<16xi32>, vector<16xi32>], vector<16xf32>,
      %add3A_710 = arith.addf %gather3A, %gather3A_611 : vector<16xf32>
      %add3A_711 = arith.addf %gather3A_618, %gather3A_625 : vector<16xf32>
      %add3A_712 = arith.addf %gather3A_632, %gather3A_639 : vector<16xf32>
      %add3A_713 = arith.addf %gather3A_646, %gather3A_653 : vector<16xf32>
      %add3A_714 = arith.addf %gather3A_660, %gather3A_667 : vector<16xf32>
      %add3A_715 = arith.addf %gather3A_674, %gather3A_681 : vector<16xf32>
      %add3A_716 = arith.addf %gather3A_688, %gather3A_695 : vector<16xf32>
      %add3A_717 = arith.addf %gather3A_702, %gather3A_709 : vector<16xf32>
      %add3A_718 = arith.addf %add3A_710, %add3A_711 : vector<16xf32>
      %add3A_719 = arith.addf %add3A_712, %add3A_713 : vector<16xf32>
      %add3A_720 = arith.addf %add3A_714, %add3A_715 : vector<16xf32>
      %add3A_721 = arith.addf %add3A_716, %add3A_717 : vector<16xf32>
      %add3A_722 = arith.addf %add3A_718, %add3A_719 : vector<16xf32>
      %add3A_723 = arith.addf %add3A_720, %add3A_721 : vector<16xf32>
      %add3A_724 = arith.addf %add3A_722, %add3A_723 : vector<16xf32>
      %mul3A_725 = arith.constant 6.250000e-02 : f32
      %mul3A_726 = vector.broadcast %mul3A_725 : f32 to vector<16xf32>
      %mul3A_727 = arith.mulf %add3A_724, %mul3A_726 : vector<16xf32>
      %sub3A_728 = arith.subf %gather3A, %mul3A_727 : vector<16xf32>
      %sub3A_729 = arith.subf %gather3A_611, %mul3A_727 : vector<16xf32>
      %sub3A_730 = arith.subf %gather3A_618, %mul3A_727 : vector<16xf32>
      %sub3A_731 = arith.subf %gather3A_625, %mul3A_727 : vector<16xf32>
      %sub3A_732 = arith.subf %gather3A_632, %mul3A_727 : vector<16xf32>
      %sub3A_733 = arith.subf %gather3A_639, %mul3A_727 : vector<16xf32>
      %sub3A_734 = arith.subf %gather3A_646, %mul3A_727 : vector<16xf32>
      %sub3A_735 = arith.subf %gather3A_653, %mul3A_727 : vector<16xf32>
      %sub3A_736 = arith.subf %gather3A_660, %mul3A_727 : vector<16xf32>
      %sub3A_737 = arith.subf %gather3A_667, %mul3A_727 : vector<16xf32>
      %sub3A_738 = arith.subf %gather3A_674, %mul3A_727 : vector<16xf32>
      %sub3A_739 = arith.subf %gather3A_681, %mul3A_727 : vector<16xf32>
      %sub3A_740 = arith.subf %gather3A_688, %mul3A_727 : vector<16xf32>
      %sub3A_741 = arith.subf %gather3A_695, %mul3A_727 : vector<16xf32>
      %sub3A_742 = arith.subf %gather3A_702, %mul3A_727 : vector<16xf32>
      %sub3A_743 = arith.subf %gather3A_709, %mul3A_727 : vector<16xf32>
      %mul3A_744 = arith.mulf %sub3A_728, %sub3A_728 : vector<16xf32>
      %mul3A_745 = arith.mulf %sub3A_729, %sub3A_729 : vector<16xf32>
      %mul3A_746 = arith.mulf %sub3A_730, %sub3A_730 : vector<16xf32>
      %mul3A_747 = arith.mulf %sub3A_731, %sub3A_731 : vector<16xf32>
      %mul3A_748 = arith.mulf %sub3A_732, %sub3A_732 : vector<16xf32>
      %mul3A_749 = arith.mulf %sub3A_733, %sub3A_733 : vector<16xf32>
      %mul3A_750 = arith.mulf %sub3A_734, %sub3A_734 : vector<16xf32>
      %mul3A_751 = arith.mulf %sub3A_735, %sub3A_735 : vector<16xf32>
      %mul3A_752 = arith.mulf %sub3A_736, %sub3A_736 : vector<16xf32>
      %mul3A_753 = arith.mulf %sub3A_737, %sub3A_737 : vector<16xf32>
      %mul3A_754 = arith.mulf %sub3A_738, %sub3A_738 : vector<16xf32>
      %mul3A_755 = arith.mulf %sub3A_739, %sub3A_739 : vector<16xf32>
      %mul3A_756 = arith.mulf %sub3A_740, %sub3A_740 : vector<16xf32>
      %mul3A_757 = arith.mulf %sub3A_741, %sub3A_741 : vector<16xf32>
      %mul3A_758 = arith.mulf %sub3A_742, %sub3A_742 : vector<16xf32>
      %mul3A_759 = arith.mulf %sub3A_743, %sub3A_743 : vector<16xf32>
      %add3A_760 = arith.addf %mul3A_744, %mul3A_745 : vector<16xf32>
      %add3A_761 = arith.addf %mul3A_746, %mul3A_747 : vector<16xf32>
      %add3A_762 = arith.addf %mul3A_748, %mul3A_749 : vector<16xf32>
      %add3A_763 = arith.addf %mul3A_750, %mul3A_751 : vector<16xf32>
      %add3A_764 = arith.addf %mul3A_752, %mul3A_753 : vector<16xf32>
      %add3A_765 = arith.addf %mul3A_754, %mul3A_755 : vector<16xf32>
      %add3A_766 = arith.addf %mul3A_756, %mul3A_757 : vector<16xf32>
      %add3A_767 = arith.addf %mul3A_758, %mul3A_759 : vector<16xf32>
      %add3A_768 = arith.addf %add3A_760, %add3A_761 : vector<16xf32>
      %add3A_769 = arith.addf %add3A_762, %add3A_763 : vector<16xf32>
      %add3A_770 = arith.addf %add3A_764, %add3A_765 : vector<16xf32>
      %add3A_771 = arith.addf %add3A_766, %add3A_767 : vector<16xf32>
      %add3A_772 = arith.addf %add3A_768, %add3A_769 : vector<16xf32>
      %add3A_773 = arith.addf %add3A_770, %add3A_771 : vector<16xf32>
      %add3A_774 = arith.addf %add3A_772, %add3A_773 : vector<16xf32>
      %add3A_775 = arith.constant 0 : i32
      %add3A_776 = vector.broadcast %add3A_775 : i32 to vector<16xi32>
      %add3A_777 = arith.addi %iota3A, %add3A_776 : vector<16xi32>
      %and3A_778 = arith.constant 15 : i32
      %and3A_779 = vector.broadcast %and3A_778 : i32 to vector<16xi32>
      %and3A_780 = arith.andi %add3A_777, %and3A_779 : vector<16xi32>
      %gather3A_781 = tpu.vector_load_idx %arg13[%add3A_588, %and3A_780, %and3A_598] : memref<16x16x128xf32, #tpu.memory_space<vmem>>[vector<16xi32>, vector<16xi32>, vector<16xi32>], vector<16xf32>,
      %add3A_782 = arith.constant 1 : i32
      %add3A_783 = vector.broadcast %add3A_782 : i32 to vector<16xi32>
      %add3A_784 = arith.addi %iota3A, %add3A_783 : vector<16xi32>
      %and3A_785 = arith.constant 15 : i32
      %and3A_786 = vector.broadcast %and3A_785 : i32 to vector<16xi32>
      %and3A_787 = arith.andi %add3A_784, %and3A_786 : vector<16xi32>
      %gather3A_788 = tpu.vector_load_idx %arg13[%add3A_588, %and3A_787, %and3A_598] : memref<16x16x128xf32, #tpu.memory_space<vmem>>[vector<16xi32>, vector<16xi32>, vector<16xi32>], vector<16xf32>,
      %add3A_789 = arith.constant 2 : i32
      %add3A_790 = vector.broadcast %add3A_789 : i32 to vector<16xi32>
      %add3A_791 = arith.addi %iota3A, %add3A_790 : vector<16xi32>
      %and3A_792 = arith.constant 15 : i32
      %and3A_793 = vector.broadcast %and3A_792 : i32 to vector<16xi32>
      %and3A_794 = arith.andi %add3A_791, %and3A_793 : vector<16xi32>
      %gather3A_795 = tpu.vector_load_idx %arg13[%add3A_588, %and3A_794, %and3A_598] : memref<16x16x128xf32, #tpu.memory_space<vmem>>[vector<16xi32>, vector<16xi32>, vector<16xi32>], vector<16xf32>,
      %add3A_796 = arith.constant 3 : i32
      %add3A_797 = vector.broadcast %add3A_796 : i32 to vector<16xi32>
      %add3A_798 = arith.addi %iota3A, %add3A_797 : vector<16xi32>
      %and3A_799 = arith.constant 15 : i32
      %and3A_800 = vector.broadcast %and3A_799 : i32 to vector<16xi32>
      %and3A_801 = arith.andi %add3A_798, %and3A_800 : vector<16xi32>
      %gather3A_802 = tpu.vector_load_idx %arg13[%add3A_588, %and3A_801, %and3A_598] : memref<16x16x128xf32, #tpu.memory_space<vmem>>[vector<16xi32>, vector<16xi32>, vector<16xi32>], vector<16xf32>,
      %add3A_803 = arith.constant 4 : i32
      %add3A_804 = vector.broadcast %add3A_803 : i32 to vector<16xi32>
      %add3A_805 = arith.addi %iota3A, %add3A_804 : vector<16xi32>
      %and3A_806 = arith.constant 15 : i32
      %and3A_807 = vector.broadcast %and3A_806 : i32 to vector<16xi32>
      %and3A_808 = arith.andi %add3A_805, %and3A_807 : vector<16xi32>
      %gather3A_809 = tpu.vector_load_idx %arg13[%add3A_588, %and3A_808, %and3A_598] : memref<16x16x128xf32, #tpu.memory_space<vmem>>[vector<16xi32>, vector<16xi32>, vector<16xi32>], vector<16xf32>,
      %add3A_810 = arith.constant 5 : i32
      %add3A_811 = vector.broadcast %add3A_810 : i32 to vector<16xi32>
      %add3A_812 = arith.addi %iota3A, %add3A_811 : vector<16xi32>
      %and3A_813 = arith.constant 15 : i32
      %and3A_814 = vector.broadcast %and3A_813 : i32 to vector<16xi32>
      %and3A_815 = arith.andi %add3A_812, %and3A_814 : vector<16xi32>
      %gather3A_816 = tpu.vector_load_idx %arg13[%add3A_588, %and3A_815, %and3A_598] : memref<16x16x128xf32, #tpu.memory_space<vmem>>[vector<16xi32>, vector<16xi32>, vector<16xi32>], vector<16xf32>,
      %add3A_817 = arith.constant 6 : i32
      %add3A_818 = vector.broadcast %add3A_817 : i32 to vector<16xi32>
      %add3A_819 = arith.addi %iota3A, %add3A_818 : vector<16xi32>
      %and3A_820 = arith.constant 15 : i32
      %and3A_821 = vector.broadcast %and3A_820 : i32 to vector<16xi32>
      %and3A_822 = arith.andi %add3A_819, %and3A_821 : vector<16xi32>
      %gather3A_823 = tpu.vector_load_idx %arg13[%add3A_588, %and3A_822, %and3A_598] : memref<16x16x128xf32, #tpu.memory_space<vmem>>[vector<16xi32>, vector<16xi32>, vector<16xi32>], vector<16xf32>,
      %add3A_824 = arith.constant 7 : i32
      %add3A_825 = vector.broadcast %add3A_824 : i32 to vector<16xi32>
      %add3A_826 = arith.addi %iota3A, %add3A_825 : vector<16xi32>
      %and3A_827 = arith.constant 15 : i32
      %and3A_828 = vector.broadcast %and3A_827 : i32 to vector<16xi32>
      %and3A_829 = arith.andi %add3A_826, %and3A_828 : vector<16xi32>
      %gather3A_830 = tpu.vector_load_idx %arg13[%add3A_588, %and3A_829, %and3A_598] : memref<16x16x128xf32, #tpu.memory_space<vmem>>[vector<16xi32>, vector<16xi32>, vector<16xi32>], vector<16xf32>,
      %add3A_831 = arith.constant 8 : i32
      %add3A_832 = vector.broadcast %add3A_831 : i32 to vector<16xi32>
      %add3A_833 = arith.addi %iota3A, %add3A_832 : vector<16xi32>
      %and3A_834 = arith.constant 15 : i32
      %and3A_835 = vector.broadcast %and3A_834 : i32 to vector<16xi32>
      %and3A_836 = arith.andi %add3A_833, %and3A_835 : vector<16xi32>
      %gather3A_837 = tpu.vector_load_idx %arg13[%add3A_588, %and3A_836, %and3A_598] : memref<16x16x128xf32, #tpu.memory_space<vmem>>[vector<16xi32>, vector<16xi32>, vector<16xi32>], vector<16xf32>,
      %add3A_838 = arith.constant 9 : i32
      %add3A_839 = vector.broadcast %add3A_838 : i32 to vector<16xi32>
      %add3A_840 = arith.addi %iota3A, %add3A_839 : vector<16xi32>
      %and3A_841 = arith.constant 15 : i32
      %and3A_842 = vector.broadcast %and3A_841 : i32 to vector<16xi32>
      %and3A_843 = arith.andi %add3A_840, %and3A_842 : vector<16xi32>
      %gather3A_844 = tpu.vector_load_idx %arg13[%add3A_588, %and3A_843, %and3A_598] : memref<16x16x128xf32, #tpu.memory_space<vmem>>[vector<16xi32>, vector<16xi32>, vector<16xi32>], vector<16xf32>,
      %add3A_845 = arith.constant 10 : i32
      %add3A_846 = vector.broadcast %add3A_845 : i32 to vector<16xi32>
      %add3A_847 = arith.addi %iota3A, %add3A_846 : vector<16xi32>
      %and3A_848 = arith.constant 15 : i32
      %and3A_849 = vector.broadcast %and3A_848 : i32 to vector<16xi32>
      %and3A_850 = arith.andi %add3A_847, %and3A_849 : vector<16xi32>
      %gather3A_851 = tpu.vector_load_idx %arg13[%add3A_588, %and3A_850, %and3A_598] : memref<16x16x128xf32, #tpu.memory_space<vmem>>[vector<16xi32>, vector<16xi32>, vector<16xi32>], vector<16xf32>,
      %add3A_852 = arith.constant 11 : i32
      %add3A_853 = vector.broadcast %add3A_852 : i32 to vector<16xi32>
      %add3A_854 = arith.addi %iota3A, %add3A_853 : vector<16xi32>
      %and3A_855 = arith.constant 15 : i32
      %and3A_856 = vector.broadcast %and3A_855 : i32 to vector<16xi32>
      %and3A_857 = arith.andi %add3A_854, %and3A_856 : vector<16xi32>
      %gather3A_858 = tpu.vector_load_idx %arg13[%add3A_588, %and3A_857, %and3A_598] : memref<16x16x128xf32, #tpu.memory_space<vmem>>[vector<16xi32>, vector<16xi32>, vector<16xi32>], vector<16xf32>,
      %add3A_859 = arith.constant 12 : i32
      %add3A_860 = vector.broadcast %add3A_859 : i32 to vector<16xi32>
      %add3A_861 = arith.addi %iota3A, %add3A_860 : vector<16xi32>
      %and3A_862 = arith.constant 15 : i32
      %and3A_863 = vector.broadcast %and3A_862 : i32 to vector<16xi32>
      %and3A_864 = arith.andi %add3A_861, %and3A_863 : vector<16xi32>
      %gather3A_865 = tpu.vector_load_idx %arg13[%add3A_588, %and3A_864, %and3A_598] : memref<16x16x128xf32, #tpu.memory_space<vmem>>[vector<16xi32>, vector<16xi32>, vector<16xi32>], vector<16xf32>,
      %add3A_866 = arith.constant 13 : i32
      %add3A_867 = vector.broadcast %add3A_866 : i32 to vector<16xi32>
      %add3A_868 = arith.addi %iota3A, %add3A_867 : vector<16xi32>
      %and3A_869 = arith.constant 15 : i32
      %and3A_870 = vector.broadcast %and3A_869 : i32 to vector<16xi32>
      %and3A_871 = arith.andi %add3A_868, %and3A_870 : vector<16xi32>
      %gather3A_872 = tpu.vector_load_idx %arg13[%add3A_588, %and3A_871, %and3A_598] : memref<16x16x128xf32, #tpu.memory_space<vmem>>[vector<16xi32>, vector<16xi32>, vector<16xi32>], vector<16xf32>,
      %add3A_873 = arith.constant 14 : i32
      %add3A_874 = vector.broadcast %add3A_873 : i32 to vector<16xi32>
      %add3A_875 = arith.addi %iota3A, %add3A_874 : vector<16xi32>
      %and3A_876 = arith.constant 15 : i32
      %and3A_877 = vector.broadcast %and3A_876 : i32 to vector<16xi32>
      %and3A_878 = arith.andi %add3A_875, %and3A_877 : vector<16xi32>
      %gather3A_879 = tpu.vector_load_idx %arg13[%add3A_588, %and3A_878, %and3A_598] : memref<16x16x128xf32, #tpu.memory_space<vmem>>[vector<16xi32>, vector<16xi32>, vector<16xi32>], vector<16xf32>,
      %add3A_880 = arith.constant 15 : i32
      %add3A_881 = vector.broadcast %add3A_880 : i32 to vector<16xi32>
      %add3A_882 = arith.addi %iota3A, %add3A_881 : vector<16xi32>
      %and3A_883 = arith.constant 15 : i32
      %and3A_884 = vector.broadcast %and3A_883 : i32 to vector<16xi32>
      %and3A_885 = arith.andi %add3A_882, %and3A_884 : vector<16xi32>
      %gather3A_886 = tpu.vector_load_idx %arg13[%add3A_588, %and3A_885, %and3A_598] : memref<16x16x128xf32, #tpu.memory_space<vmem>>[vector<16xi32>, vector<16xi32>, vector<16xi32>], vector<16xf32>,
      %add3A_887 = arith.addf %gather3A_781, %gather3A_788 : vector<16xf32>
      %add3A_888 = arith.addf %gather3A_795, %gather3A_802 : vector<16xf32>
      %add3A_889 = arith.addf %gather3A_809, %gather3A_816 : vector<16xf32>
      %add3A_890 = arith.addf %gather3A_823, %gather3A_830 : vector<16xf32>
      %add3A_891 = arith.addf %gather3A_837, %gather3A_844 : vector<16xf32>
      %add3A_892 = arith.addf %gather3A_851, %gather3A_858 : vector<16xf32>
      %add3A_893 = arith.addf %gather3A_865, %gather3A_872 : vector<16xf32>
      %add3A_894 = arith.addf %gather3A_879, %gather3A_886 : vector<16xf32>
      %add3A_895 = arith.addf %add3A_887, %add3A_888 : vector<16xf32>
      %add3A_896 = arith.addf %add3A_889, %add3A_890 : vector<16xf32>
      %add3A_897 = arith.addf %add3A_891, %add3A_892 : vector<16xf32>
      %add3A_898 = arith.addf %add3A_893, %add3A_894 : vector<16xf32>
      %add3A_899 = arith.addf %add3A_895, %add3A_896 : vector<16xf32>
      %add3A_900 = arith.addf %add3A_897, %add3A_898 : vector<16xf32>
      %add3A_901 = arith.addf %add3A_899, %add3A_900 : vector<16xf32>
      %mul3A_902 = arith.constant 6.250000e-02 : f32
      %mul3A_903 = vector.broadcast %mul3A_902 : f32 to vector<16xf32>
      %mul3A_904 = arith.mulf %add3A_901, %mul3A_903 : vector<16xf32>
      %sub3A_905 = arith.subf %gather3A_781, %mul3A_904 : vector<16xf32>
      %sub3A_906 = arith.subf %gather3A_788, %mul3A_904 : vector<16xf32>
      %sub3A_907 = arith.subf %gather3A_795, %mul3A_904 : vector<16xf32>
      %sub3A_908 = arith.subf %gather3A_802, %mul3A_904 : vector<16xf32>
      %sub3A_909 = arith.subf %gather3A_809, %mul3A_904 : vector<16xf32>
      %sub3A_910 = arith.subf %gather3A_816, %mul3A_904 : vector<16xf32>
      %sub3A_911 = arith.subf %gather3A_823, %mul3A_904 : vector<16xf32>
      %sub3A_912 = arith.subf %gather3A_830, %mul3A_904 : vector<16xf32>
      %sub3A_913 = arith.subf %gather3A_837, %mul3A_904 : vector<16xf32>
      %sub3A_914 = arith.subf %gather3A_844, %mul3A_904 : vector<16xf32>
      %sub3A_915 = arith.subf %gather3A_851, %mul3A_904 : vector<16xf32>
      %sub3A_916 = arith.subf %gather3A_858, %mul3A_904 : vector<16xf32>
      %sub3A_917 = arith.subf %gather3A_865, %mul3A_904 : vector<16xf32>
      %sub3A_918 = arith.subf %gather3A_872, %mul3A_904 : vector<16xf32>
      %sub3A_919 = arith.subf %gather3A_879, %mul3A_904 : vector<16xf32>
      %sub3A_920 = arith.subf %gather3A_886, %mul3A_904 : vector<16xf32>
      %mul3A_921 = arith.mulf %sub3A_905, %sub3A_905 : vector<16xf32>
      %mul3A_922 = arith.mulf %sub3A_906, %sub3A_906 : vector<16xf32>
      %mul3A_923 = arith.mulf %sub3A_907, %sub3A_907 : vector<16xf32>
      %mul3A_924 = arith.mulf %sub3A_908, %sub3A_908 : vector<16xf32>
      %mul3A_925 = arith.mulf %sub3A_909, %sub3A_909 : vector<16xf32>
      %mul3A_926 = arith.mulf %sub3A_910, %sub3A_910 : vector<16xf32>
      %mul3A_927 = arith.mulf %sub3A_911, %sub3A_911 : vector<16xf32>
      %mul3A_928 = arith.mulf %sub3A_912, %sub3A_912 : vector<16xf32>
      %mul3A_929 = arith.mulf %sub3A_913, %sub3A_913 : vector<16xf32>
      %mul3A_930 = arith.mulf %sub3A_914, %sub3A_914 : vector<16xf32>
      %mul3A_931 = arith.mulf %sub3A_915, %sub3A_915 : vector<16xf32>
      %mul3A_932 = arith.mulf %sub3A_916, %sub3A_916 : vector<16xf32>
      %mul3A_933 = arith.mulf %sub3A_917, %sub3A_917 : vector<16xf32>
      %mul3A_934 = arith.mulf %sub3A_918, %sub3A_918 : vector<16xf32>
      %mul3A_935 = arith.mulf %sub3A_919, %sub3A_919 : vector<16xf32>
      %mul3A_936 = arith.mulf %sub3A_920, %sub3A_920 : vector<16xf32>
      %add3A_937 = arith.addf %mul3A_921, %mul3A_922 : vector<16xf32>
      %add3A_938 = arith.addf %mul3A_923, %mul3A_924 : vector<16xf32>
      %add3A_939 = arith.addf %mul3A_925, %mul3A_926 : vector<16xf32>
      %add3A_940 = arith.addf %mul3A_927, %mul3A_928 : vector<16xf32>
      %add3A_941 = arith.addf %mul3A_929, %mul3A_930 : vector<16xf32>
      %add3A_942 = arith.addf %mul3A_931, %mul3A_932 : vector<16xf32>
      %add3A_943 = arith.addf %mul3A_933, %mul3A_934 : vector<16xf32>
      %add3A_944 = arith.addf %mul3A_935, %mul3A_936 : vector<16xf32>
      %add3A_945 = arith.addf %add3A_937, %add3A_938 : vector<16xf32>
      %add3A_946 = arith.addf %add3A_939, %add3A_940 : vector<16xf32>
      %add3A_947 = arith.addf %add3A_941, %add3A_942 : vector<16xf32>
      %add3A_948 = arith.addf %add3A_943, %add3A_944 : vector<16xf32>
      %add3A_949 = arith.addf %add3A_945, %add3A_946 : vector<16xf32>
      %add3A_950 = arith.addf %add3A_947, %add3A_948 : vector<16xf32>
      %add3A_951 = arith.addf %add3A_949, %add3A_950 : vector<16xf32>
      %mul3A_952 = arith.mulf %sub3A_728, %sub3A_905 : vector<16xf32>
      %mul3A_953 = arith.mulf %sub3A_729, %sub3A_906 : vector<16xf32>
      %mul3A_954 = arith.mulf %sub3A_730, %sub3A_907 : vector<16xf32>
      %mul3A_955 = arith.mulf %sub3A_731, %sub3A_908 : vector<16xf32>
      %mul3A_956 = arith.mulf %sub3A_732, %sub3A_909 : vector<16xf32>
      %mul3A_957 = arith.mulf %sub3A_733, %sub3A_910 : vector<16xf32>
      %mul3A_958 = arith.mulf %sub3A_734, %sub3A_911 : vector<16xf32>
      %mul3A_959 = arith.mulf %sub3A_735, %sub3A_912 : vector<16xf32>
      %mul3A_960 = arith.mulf %sub3A_736, %sub3A_913 : vector<16xf32>
      %mul3A_961 = arith.mulf %sub3A_737, %sub3A_914 : vector<16xf32>
      %mul3A_962 = arith.mulf %sub3A_738, %sub3A_915 : vector<16xf32>
      %mul3A_963 = arith.mulf %sub3A_739, %sub3A_916 : vector<16xf32>
      %mul3A_964 = arith.mulf %sub3A_740, %sub3A_917 : vector<16xf32>
      %mul3A_965 = arith.mulf %sub3A_741, %sub3A_918 : vector<16xf32>
      %mul3A_966 = arith.mulf %sub3A_742, %sub3A_919 : vector<16xf32>
      %mul3A_967 = arith.mulf %sub3A_743, %sub3A_920 : vector<16xf32>
      %add3A_968 = arith.addf %mul3A_952, %mul3A_953 : vector<16xf32>
      %add3A_969 = arith.addf %mul3A_954, %mul3A_955 : vector<16xf32>
      %add3A_970 = arith.addf %mul3A_956, %mul3A_957 : vector<16xf32>
      %add3A_971 = arith.addf %mul3A_958, %mul3A_959 : vector<16xf32>
      %add3A_972 = arith.addf %mul3A_960, %mul3A_961 : vector<16xf32>
      %add3A_973 = arith.addf %mul3A_962, %mul3A_963 : vector<16xf32>
      %add3A_974 = arith.addf %mul3A_964, %mul3A_965 : vector<16xf32>
      %add3A_975 = arith.addf %mul3A_966, %mul3A_967 : vector<16xf32>
      %add3A_976 = arith.addf %add3A_968, %add3A_969 : vector<16xf32>
      %add3A_977 = arith.addf %add3A_970, %add3A_971 : vector<16xf32>
      %add3A_978 = arith.addf %add3A_972, %add3A_973 : vector<16xf32>
      %add3A_979 = arith.addf %add3A_974, %add3A_975 : vector<16xf32>
      %add3A_980 = arith.addf %add3A_976, %add3A_977 : vector<16xf32>
      %add3A_981 = arith.addf %add3A_978, %add3A_979 : vector<16xf32>
      %add3A_982 = arith.addf %add3A_980, %add3A_981 : vector<16xf32>
      %max3A = arith.constant 1.000000e-24 : f32
      %max3A_983 = vector.broadcast %max3A : f32 to vector<16xf32>
      %max3A_984 = arith.maximumf %add3A_774, %max3A_983 : vector<16xf32>
      %bitcast_convert_type3A = tpu.bitcast %max3A_984 : vector<16xf32> -> vector<16xi32>
      %shift_right_logical3A = arith.constant 1 : i32
      %shift_right_logical3A_985 = vector.broadcast %shift_right_logical3A : i32 to vector<16xi32>
      %shift_right_logical3A_986 = arith.shrui %bitcast_convert_type3A, %shift_right_logical3A_985 : vector<16xi32>
      %sub3A_987 = arith.constant 1597463007 : i32
      %sub3A_988 = vector.broadcast %sub3A_987 : i32 to vector<16xi32>
      %sub3A_989 = arith.subi %sub3A_988, %shift_right_logical3A_986 : vector<16xi32>
      %bitcast_convert_type3A_990 = tpu.bitcast %sub3A_989 : vector<16xi32> -> vector<16xf32>
      %mul3A_991 = arith.constant 5.000000e-01 : f32
      %mul3A_992 = vector.broadcast %mul3A_991 : f32 to vector<16xf32>
      %mul3A_993 = arith.mulf %mul3A_992, %max3A_984 : vector<16xf32>
      %mul3A_994 = arith.mulf %mul3A_993, %bitcast_convert_type3A_990 : vector<16xf32>
      %mul3A_995 = arith.mulf %mul3A_994, %bitcast_convert_type3A_990 : vector<16xf32>
      %sub3A_996 = arith.constant 1.500000e+00 : f32
      %sub3A_997 = vector.broadcast %sub3A_996 : f32 to vector<16xf32>
      %sub3A_998 = arith.subf %sub3A_997, %mul3A_995 : vector<16xf32>
      %mul3A_999 = arith.mulf %bitcast_convert_type3A_990, %sub3A_998 : vector<16xf32>
      %mul3A_1000 = arith.constant 5.000000e-01 : f32
      %mul3A_1001 = vector.broadcast %mul3A_1000 : f32 to vector<16xf32>
      %mul3A_1002 = arith.mulf %mul3A_1001, %max3A_984 : vector<16xf32>
      %mul3A_1003 = arith.mulf %mul3A_1002, %mul3A_999 : vector<16xf32>
      %mul3A_1004 = arith.mulf %mul3A_1003, %mul3A_999 : vector<16xf32>
      %sub3A_1005 = arith.constant 1.500000e+00 : f32
      %sub3A_1006 = vector.broadcast %sub3A_1005 : f32 to vector<16xf32>
      %sub3A_1007 = arith.subf %sub3A_1006, %mul3A_1004 : vector<16xf32>
      %mul3A_1008 = arith.mulf %mul3A_999, %sub3A_1007 : vector<16xf32>
      %mul3A_1009 = arith.constant 5.000000e-01 : f32
      %mul3A_1010 = vector.broadcast %mul3A_1009 : f32 to vector<16xf32>
      %mul3A_1011 = arith.mulf %mul3A_1010, %max3A_984 : vector<16xf32>
      %mul3A_1012 = arith.mulf %mul3A_1011, %mul3A_1008 : vector<16xf32>
      %mul3A_1013 = arith.mulf %mul3A_1012, %mul3A_1008 : vector<16xf32>
      %sub3A_1014 = arith.constant 1.500000e+00 : f32
      %sub3A_1015 = vector.broadcast %sub3A_1014 : f32 to vector<16xf32>
      %sub3A_1016 = arith.subf %sub3A_1015, %mul3A_1013 : vector<16xf32>
      %mul3A_1017 = arith.mulf %mul3A_1008, %sub3A_1016 : vector<16xf32>
      %max3A_1018 = arith.constant 1.000000e-24 : f32
      %max3A_1019 = vector.broadcast %max3A_1018 : f32 to vector<16xf32>
      %max3A_1020 = arith.maximumf %add3A_951, %max3A_1019 : vector<16xf32>
      %bitcast_convert_type3A_1021 = tpu.bitcast %max3A_1020 : vector<16xf32> -> vector<16xi32>
      %shift_right_logical3A_1022 = arith.constant 1 : i32
      %shift_right_logical3A_1023 = vector.broadcast %shift_right_logical3A_1022 : i32 to vector<16xi32>
      %shift_right_logical3A_1024 = arith.shrui %bitcast_convert_type3A_1021, %shift_right_logical3A_1023 : vector<16xi32>
      %sub3A_1025 = arith.constant 1597463007 : i32
      %sub3A_1026 = vector.broadcast %sub3A_1025 : i32 to vector<16xi32>
      %sub3A_1027 = arith.subi %sub3A_1026, %shift_right_logical3A_1024 : vector<16xi32>
      %bitcast_convert_type3A_1028 = tpu.bitcast %sub3A_1027 : vector<16xi32> -> vector<16xf32>
      %mul3A_1029 = arith.constant 5.000000e-01 : f32
      %mul3A_1030 = vector.broadcast %mul3A_1029 : f32 to vector<16xf32>
      %mul3A_1031 = arith.mulf %mul3A_1030, %max3A_1020 : vector<16xf32>
      %mul3A_1032 = arith.mulf %mul3A_1031, %bitcast_convert_type3A_1028 : vector<16xf32>
      %mul3A_1033 = arith.mulf %mul3A_1032, %bitcast_convert_type3A_1028 : vector<16xf32>
      %sub3A_1034 = arith.constant 1.500000e+00 : f32
      %sub3A_1035 = vector.broadcast %sub3A_1034 : f32 to vector<16xf32>
      %sub3A_1036 = arith.subf %sub3A_1035, %mul3A_1033 : vector<16xf32>
      %mul3A_1037 = arith.mulf %bitcast_convert_type3A_1028, %sub3A_1036 : vector<16xf32>
      %mul3A_1038 = arith.constant 5.000000e-01 : f32
      %mul3A_1039 = vector.broadcast %mul3A_1038 : f32 to vector<16xf32>
      %mul3A_1040 = arith.mulf %mul3A_1039, %max3A_1020 : vector<16xf32>
      %mul3A_1041 = arith.mulf %mul3A_1040, %mul3A_1037 : vector<16xf32>
      %mul3A_1042 = arith.mulf %mul3A_1041, %mul3A_1037 : vector<16xf32>
      %sub3A_1043 = arith.constant 1.500000e+00 : f32
      %sub3A_1044 = vector.broadcast %sub3A_1043 : f32 to vector<16xf32>
      %sub3A_1045 = arith.subf %sub3A_1044, %mul3A_1042 : vector<16xf32>
      %mul3A_1046 = arith.mulf %mul3A_1037, %sub3A_1045 : vector<16xf32>
      %mul3A_1047 = arith.constant 5.000000e-01 : f32
      %mul3A_1048 = vector.broadcast %mul3A_1047 : f32 to vector<16xf32>
      %mul3A_1049 = arith.mulf %mul3A_1048, %max3A_1020 : vector<16xf32>
      %mul3A_1050 = arith.mulf %mul3A_1049, %mul3A_1046 : vector<16xf32>
      %mul3A_1051 = arith.mulf %mul3A_1050, %mul3A_1046 : vector<16xf32>
      %sub3A_1052 = arith.constant 1.500000e+00 : f32
      %sub3A_1053 = vector.broadcast %sub3A_1052 : f32 to vector<16xf32>
      %sub3A_1054 = arith.subf %sub3A_1053, %mul3A_1051 : vector<16xf32>
      %mul3A_1055 = arith.mulf %mul3A_1046, %sub3A_1054 : vector<16xf32>
      %mul3A_1056 = arith.mulf %add3A_982, %mul3A_1017 : vector<16xf32>
      %mul3A_1057 = arith.mulf %mul3A_1056, %mul3A_1055 : vector<16xf32>
      %lt3A = arith.constant 8 : i32
      %lt3A_1058 = vector.broadcast %lt3A : i32 to vector<16xi32>
      %lt3A_1059 = arith.cmpi slt, %iota3A, %lt3A_1058 : vector<16xi32>
      %get3A_1060 = arith.index_cast %add3A_582 : i32 to index
      %get3A_1061 = tpu.vector_load %arg15[%get3A_1060] {strides = array<i32>} : memref<528xf32, #tpu.memory_space<vmem>>, vector<16xf32>,
      %mul3A_1062 = arith.constant 4.000000e+00 : f32
      %mul3A_1063 = vector.broadcast %mul3A_1062 : f32 to vector<16xf32>
      %mul3A_1064 = arith.mulf %mul3A_1057, %mul3A_1063 : vector<16xf32>
      %add3A_1065 = arith.constant 1.000000e+00 : f32
      %add3A_1066 = vector.broadcast %add3A_1065 : f32 to vector<16xf32>
      %add3A_1067 = arith.addf %mul3A_1064, %add3A_1066 : vector<16xf32>
      %select_n3A = arith.select %lt3A_1059, %add3A_1067, %get3A_1061 : vector<16xi1>, vector<16xf32>
      %swap3A_1068 = arith.index_cast %add3A_582 : i32 to index
      %swap3A_1069 = tpu.vector_load %arg15[%swap3A_1068] {strides = array<i32>} : memref<528xf32, #tpu.memory_space<vmem>>, vector<16xf32>,
      tpu.vector_store %arg15[%swap3A_1068], %select_n3A {strides = array<i32>} : memref<528xf32, #tpu.memory_space<vmem>>, vector<16xf32>,
      %get3A_1070 = arith.index_cast %add3A_582 : i32 to index
      %get3A_1071 = tpu.vector_load %arg14[%get3A_1070] {strides = array<i32>} : memref<528xf32, #tpu.memory_space<vmem>>, vector<16xf32>,
      %sub3A_1072 = arith.constant 1.000000e+00 : f32
      %sub3A_1073 = vector.broadcast %sub3A_1072 : f32 to vector<16xf32>
      %sub3A_1074 = arith.subf %get3A_1071, %sub3A_1073 : vector<16xf32>
      %mul3A_1075 = arith.constant 2.500000e-01 : f32
      %mul3A_1076 = vector.broadcast %mul3A_1075 : f32 to vector<16xf32>
      %mul3A_1077 = arith.mulf %sub3A_1074, %mul3A_1076 : vector<16xf32>
      %sub3A_1078 = arith.subf %mul3A_1057, %mul3A_1077 : vector<16xf32>
      %get3A_1079 = arith.constant 0 : index
      %get3A_1080 = tpu.vector_load %arg16[%get3A_1079] {strides = array<i32>} : memref<16xf32, #tpu.memory_space<vmem>>, vector<16xf32>,
      %mul3A_1081 = arith.mulf %sub3A_1078, %sub3A_1078 : vector<16xf32>
      %jit3A = arith.constant 0.000000e+00 : f32
      %broadcast_in_dim3A_1082 = vector.broadcast %jit3A : f32 to vector<16xf32>
      %select_n3A_1083 = arith.select %lt3A_1059, %mul3A_1081, %broadcast_in_dim3A_1082 : vector<16xi1>, vector<16xf32>
      %add3A_1084 = arith.addf %get3A_1080, %select_n3A_1083 : vector<16xf32>
      %swap3A_1085 = arith.constant 0 : index
      %swap3A_1086 = tpu.vector_load %arg16[%swap3A_1085] {strides = array<i32>} : memref<16xf32, #tpu.memory_space<vmem>>, vector<16xf32>,
      tpu.vector_store %arg16[%swap3A_1085], %add3A_1084 {strides = array<i32>} : memref<16xf32, #tpu.memory_space<vmem>>, vector<16xf32>,
      %mul3A_1087 = arith.constant 2 : i32
      %mul3A_1088 = arith.muli %mul3A_1087, %scan3A_286 : i32
      %add3A_1089 = arith.constant 2 : i32
      %add3A_1090 = arith.addi %mul3A_1088, %add3A_1089 : i32
      %mul3A_1091 = arith.constant 8 : i32
      %mul3A_1092 = arith.muli %add3A_1090, %mul3A_1091 : i32
      %min3A_1093 = arith.constant 504 : i32
      %min3A_1094 = arith.minsi %mul3A_1092, %min3A_1093 : i32
      %get3A_1095 = arith.index_cast %min3A_1094 : i32 to index
      %get3A_1096 = tpu.vector_load %arg10[%get3A_1095] {strides = array<i32>} : memref<528xi32, #tpu.memory_space<vmem>>, vector<16xi32>,
      %get3A_1097 = arith.index_cast %min3A_1094 : i32 to index
      %get3A_1098 = tpu.vector_load %arg11[%get3A_1097] {strides = array<i32>} : memref<528xi32, #tpu.memory_space<vmem>>, vector<16xi32>,
      %and3A_1099 = arith.constant 127 : i32
      %and3A_1100 = vector.broadcast %and3A_1099 : i32 to vector<16xi32>
      %and3A_1101 = arith.andi %get3A_1096, %and3A_1100 : vector<16xi32>
      %sub3A_1102 = arith.subi %get3A_1096, %and3A_1101 : vector<16xi32>
      %and3A_1103 = arith.constant 127 : i32
      %and3A_1104 = vector.broadcast %and3A_1103 : i32 to vector<16xi32>
      %and3A_1105 = arith.andi %get3A_1098, %and3A_1104 : vector<16xi32>
      %sub3A_1106 = arith.subi %get3A_1098, %and3A_1105 : vector<16xi32>
      %slice3A_1107 = vector.extract_strided_slice %sub3A_1102 {offsets = [0], sizes = [1], strides = [1]} : vector<16xi32> to vector<1xi32>
      %squeeze3A_1108 = vector.extract %slice3A_1107[0] : i32 from vector<1xi32>
      %multiple_of3A_1109 = tpu.assume_multiple %squeeze3A_1108, 128 : i32
      %dma_start3A_1110 = arith.constant 0 : i32
      %dma_start3A_1111 = arith.constant 0 : i32
      %dma_start3A_1112 = arith.constant 0 : i32
      %dma_start3A_1113 = tpu.memref_slice %arg12[%dma_start3A_1110, %dma_start3A_1111, %dma_start3A_1112] : memref<16x16x128xf32, #tpu.memory_space<vmem>> -> memref<1x16x128xf32, #tpu.memory_space<vmem>>
      %dma_start3A_1114 = tpu.memref_squeeze %dma_start3A_1113 : memref<1x16x128xf32, #tpu.memory_space<vmem>> -> memref<16x128xf32, #tpu.memory_space<vmem>>
      %dma_start3A_1115 = arith.constant 0 : i32
      %dma_start3A_1116 = tpu.memref_slice %arg2[%dma_start3A_1115, %multiple_of3A_1109] : memref<16x1000000xf32, #tpu.memory_space<hbm>> -> memref<16x128xf32, #tpu.memory_space<hbm>>
      %dma_start3A_1117 = arith.constant 0 : i32
      %dma_start3A_1118 = arith.constant 0 : i32
      %dma_start3A_1119 = tpu.memref_slice %arg12[%dma_start3A_1110, %dma_start3A_1117, %dma_start3A_1118] : memref<16x16x128xf32, #tpu.memory_space<vmem>> -> memref<1x16x128xf32, #tpu.memory_space<vmem>>
      %dma_start3A_1120 = tpu.memref_squeeze %dma_start3A_1119 : memref<1x16x128xf32, #tpu.memory_space<vmem>> -> memref<16x128xf32, #tpu.memory_space<vmem>>
      %dma_start3A_1121 = arith.constant 0 : i32
      %dma_start3A_1122 = tpu.memref_slice %arg2[%dma_start3A_1121, %multiple_of3A_1109] : memref<16x1000000xf32, #tpu.memory_space<hbm>> -> memref<16x128xf32, #tpu.memory_space<hbm>>
      tpu.enqueue_dma source(%dma_start3A_1122 : memref<16x128xf32, #tpu.memory_space<hbm>>) target(%dma_start3A_1120 : memref<16x128xf32, #tpu.memory_space<vmem>>) target_semaphore(%arg17 : memref<!tpu.dma_semaphore, #tpu.memory_space<semaphore_mem>>)
      %slice3A_1123 = vector.extract_strided_slice %sub3A_1106 {offsets = [0], sizes = [1], strides = [1]} : vector<16xi32> to vector<1xi32>
      %squeeze3A_1124 = vector.extract %slice3A_1123[0] : i32 from vector<1xi32>
      %multiple_of3A_1125 = tpu.assume_multiple %squeeze3A_1124, 128 : i32
      %dma_start3A_1126 = arith.constant 0 : i32
      %dma_start3A_1127 = arith.constant 0 : i32
      %dma_start3A_1128 = arith.constant 0 : i32
      %dma_start3A_1129 = tpu.memref_slice %arg13[%dma_start3A_1126, %dma_start3A_1127, %dma_start3A_1128] : memref<16x16x128xf32, #tpu.memory_space<vmem>> -> memref<1x16x128xf32, #tpu.memory_space<vmem>>
      %dma_start3A_1130 = tpu.memref_squeeze %dma_start3A_1129 : memref<1x16x128xf32, #tpu.memory_space<vmem>> -> memref<16x128xf32, #tpu.memory_space<vmem>>
      %dma_start3A_1131 = arith.constant 0 : i32
      %dma_start3A_1132 = tpu.memref_slice %arg3[%dma_start3A_1131, %multiple_of3A_1125] : memref<16x1000000xf32, #tpu.memory_space<hbm>> -> memref<16x128xf32, #tpu.memory_space<hbm>>
      %dma_start3A_1133 = arith.constant 0 : i32
      %dma_start3A_1134 = arith.constant 0 : i32
      %dma_start3A_1135 = tpu.memref_slice %arg13[%dma_start3A_1126, %dma_start3A_1133, %dma_start3A_1134] : memref<16x16x128xf32, #tpu.memory_space<vmem>> -> memref<1x16x128xf32, #tpu.memory_space<vmem>>
      %dma_start3A_1136 = tpu.memref_squeeze %dma_start3A_1135 : memref<1x16x128xf32, #tpu.memory_space<vmem>> -> memref<16x128xf32, #tpu.memory_space<vmem>>
      %dma_start3A_1137 = arith.constant 0 : i32
      %dma_start3A_1138 = tpu.memref_slice %arg3[%dma_start3A_1137, %multiple_of3A_1125] : memref<16x1000000xf32, #tpu.memory_space<hbm>> -> memref<16x128xf32, #tpu.memory_space<hbm>>
      tpu.enqueue_dma source(%dma_start3A_1138 : memref<16x128xf32, #tpu.memory_space<hbm>>) target(%dma_start3A_1136 : memref<16x128xf32, #tpu.memory_space<vmem>>) target_semaphore(%arg18 : memref<!tpu.dma_semaphore, #tpu.memory_space<semaphore_mem>>)
      %slice3A_1139 = vector.extract_strided_slice %sub3A_1102 {offsets = [1], sizes = [1], strides = [1]} : vector<16xi32> to vector<1xi32>
      %squeeze3A_1140 = vector.extract %slice3A_1139[0] : i32 from vector<1xi32>
      %multiple_of3A_1141 = tpu.assume_multiple %squeeze3A_1140, 128 : i32
      %dma_start3A_1142 = arith.constant 1 : i32
      %dma_start3A_1143 = arith.constant 0 : i32
      %dma_start3A_1144 = arith.constant 0 : i32
      %dma_start3A_1145 = tpu.memref_slice %arg12[%dma_start3A_1142, %dma_start3A_1143, %dma_start3A_1144] : memref<16x16x128xf32, #tpu.memory_space<vmem>> -> memref<1x16x128xf32, #tpu.memory_space<vmem>>
      %dma_start3A_1146 = tpu.memref_squeeze %dma_start3A_1145 : memref<1x16x128xf32, #tpu.memory_space<vmem>> -> memref<16x128xf32, #tpu.memory_space<vmem>>
      %dma_start3A_1147 = arith.constant 0 : i32
      %dma_start3A_1148 = tpu.memref_slice %arg2[%dma_start3A_1147, %multiple_of3A_1141] : memref<16x1000000xf32, #tpu.memory_space<hbm>> -> memref<16x128xf32, #tpu.memory_space<hbm>>
      %dma_start3A_1149 = arith.constant 0 : i32
      %dma_start3A_1150 = arith.constant 0 : i32
      %dma_start3A_1151 = tpu.memref_slice %arg12[%dma_start3A_1142, %dma_start3A_1149, %dma_start3A_1150] : memref<16x16x128xf32, #tpu.memory_space<vmem>> -> memref<1x16x128xf32, #tpu.memory_space<vmem>>
      %dma_start3A_1152 = tpu.memref_squeeze %dma_start3A_1151 : memref<1x16x128xf32, #tpu.memory_space<vmem>> -> memref<16x128xf32, #tpu.memory_space<vmem>>
      %dma_start3A_1153 = arith.constant 0 : i32
      %dma_start3A_1154 = tpu.memref_slice %arg2[%dma_start3A_1153, %multiple_of3A_1141] : memref<16x1000000xf32, #tpu.memory_space<hbm>> -> memref<16x128xf32, #tpu.memory_space<hbm>>
      tpu.enqueue_dma source(%dma_start3A_1154 : memref<16x128xf32, #tpu.memory_space<hbm>>) target(%dma_start3A_1152 : memref<16x128xf32, #tpu.memory_space<vmem>>) target_semaphore(%arg17 : memref<!tpu.dma_semaphore, #tpu.memory_space<semaphore_mem>>)
      %slice3A_1155 = vector.extract_strided_slice %sub3A_1106 {offsets = [1], sizes = [1], strides = [1]} : vector<16xi32> to vector<1xi32>
      %squeeze3A_1156 = vector.extract %slice3A_1155[0] : i32 from vector<1xi32>
      %multiple_of3A_1157 = tpu.assume_multiple %squeeze3A_1156, 128 : i32
      %dma_start3A_1158 = arith.constant 1 : i32
      %dma_start3A_1159 = arith.constant 0 : i32
      %dma_start3A_1160 = arith.constant 0 : i32
      %dma_start3A_1161 = tpu.memref_slice %arg13[%dma_start3A_1158, %dma_start3A_1159, %dma_start3A_1160] : memref<16x16x128xf32, #tpu.memory_space<vmem>> -> memref<1x16x128xf32, #tpu.memory_space<vmem>>
      %dma_start3A_1162 = tpu.memref_squeeze %dma_start3A_1161 : memref<1x16x128xf32, #tpu.memory_space<vmem>> -> memref<16x128xf32, #tpu.memory_space<vmem>>
      %dma_start3A_1163 = arith.constant 0 : i32
      %dma_start3A_1164 = tpu.memref_slice %arg3[%dma_start3A_1163, %multiple_of3A_1157] : memref<16x1000000xf32, #tpu.memory_space<hbm>> -> memref<16x128xf32, #tpu.memory_space<hbm>>
      %dma_start3A_1165 = arith.constant 0 : i32
      %dma_start3A_1166 = arith.constant 0 : i32
      %dma_start3A_1167 = tpu.memref_slice %arg13[%dma_start3A_1158, %dma_start3A_1165, %dma_start3A_1166] : memref<16x16x128xf32, #tpu.memory_space<vmem>> -> memref<1x16x128xf32, #tpu.memory_space<vmem>>
      %dma_start3A_1168 = tpu.memref_squeeze %dma_start3A_1167 : memref<1x16x128xf32, #tpu.memory_space<vmem>> -> memref<16x128xf32, #tpu.memory_space<vmem>>
      %dma_start3A_1169 = arith.constant 0 : i32
      %dma_start3A_1170 = tpu.memref_slice %arg3[%dma_start3A_1169, %multiple_of3A_1157] : memref<16x1000000xf32, #tpu.memory_space<hbm>> -> memref<16x128xf32, #tpu.memory_space<hbm>>
      tpu.enqueue_dma source(%dma_start3A_1170 : memref<16x128xf32, #tpu.memory_space<hbm>>) target(%dma_start3A_1168 : memref<16x128xf32, #tpu.memory_space<vmem>>) target_semaphore(%arg18 : memref<!tpu.dma_semaphore, #tpu.memory_space<semaphore_mem>>)
      %slice3A_1171 = vector.extract_strided_slice %sub3A_1102 {offsets = [2], sizes = [1], strides = [1]} : vector<16xi32> to vector<1xi32>
      %squeeze3A_1172 = vector.extract %slice3A_1171[0] : i32 from vector<1xi32>
      %multiple_of3A_1173 = tpu.assume_multiple %squeeze3A_1172, 128 : i32
      %dma_start3A_1174 = arith.constant 2 : i32
      %dma_start3A_1175 = arith.constant 0 : i32
      %dma_start3A_1176 = arith.constant 0 : i32
      %dma_start3A_1177 = tpu.memref_slice %arg12[%dma_start3A_1174, %dma_start3A_1175, %dma_start3A_1176] : memref<16x16x128xf32, #tpu.memory_space<vmem>> -> memref<1x16x128xf32, #tpu.memory_space<vmem>>
      %dma_start3A_1178 = tpu.memref_squeeze %dma_start3A_1177 : memref<1x16x128xf32, #tpu.memory_space<vmem>> -> memref<16x128xf32, #tpu.memory_space<vmem>>
      %dma_start3A_1179 = arith.constant 0 : i32
      %dma_start3A_1180 = tpu.memref_slice %arg2[%dma_start3A_1179, %multiple_of3A_1173] : memref<16x1000000xf32, #tpu.memory_space<hbm>> -> memref<16x128xf32, #tpu.memory_space<hbm>>
      %dma_start3A_1181 = arith.constant 0 : i32
      %dma_start3A_1182 = arith.constant 0 : i32
      %dma_start3A_1183 = tpu.memref_slice %arg12[%dma_start3A_1174, %dma_start3A_1181, %dma_start3A_1182] : memref<16x16x128xf32, #tpu.memory_space<vmem>> -> memref<1x16x128xf32, #tpu.memory_space<vmem>>
      %dma_start3A_1184 = tpu.memref_squeeze %dma_start3A_1183 : memref<1x16x128xf32, #tpu.memory_space<vmem>> -> memref<16x128xf32, #tpu.memory_space<vmem>>
      %dma_start3A_1185 = arith.constant 0 : i32
      %dma_start3A_1186 = tpu.memref_slice %arg2[%dma_start3A_1185, %multiple_of3A_1173] : memref<16x1000000xf32, #tpu.memory_space<hbm>> -> memref<16x128xf32, #tpu.memory_space<hbm>>
      tpu.enqueue_dma source(%dma_start3A_1186 : memref<16x128xf32, #tpu.memory_space<hbm>>) target(%dma_start3A_1184 : memref<16x128xf32, #tpu.memory_space<vmem>>) target_semaphore(%arg17 : memref<!tpu.dma_semaphore, #tpu.memory_space<semaphore_mem>>)
      %slice3A_1187 = vector.extract_strided_slice %sub3A_1106 {offsets = [2], sizes = [1], strides = [1]} : vector<16xi32> to vector<1xi32>
      %squeeze3A_1188 = vector.extract %slice3A_1187[0] : i32 from vector<1xi32>
      %multiple_of3A_1189 = tpu.assume_multiple %squeeze3A_1188, 128 : i32
      %dma_start3A_1190 = arith.constant 2 : i32
      %dma_start3A_1191 = arith.constant 0 : i32
      %dma_start3A_1192 = arith.constant 0 : i32
      %dma_start3A_1193 = tpu.memref_slice %arg13[%dma_start3A_1190, %dma_start3A_1191, %dma_start3A_1192] : memref<16x16x128xf32, #tpu.memory_space<vmem>> -> memref<1x16x128xf32, #tpu.memory_space<vmem>>
      %dma_start3A_1194 = tpu.memref_squeeze %dma_start3A_1193 : memref<1x16x128xf32, #tpu.memory_space<vmem>> -> memref<16x128xf32, #tpu.memory_space<vmem>>
      %dma_start3A_1195 = arith.constant 0 : i32
      %dma_start3A_1196 = tpu.memref_slice %arg3[%dma_start3A_1195, %multiple_of3A_1189] : memref<16x1000000xf32, #tpu.memory_space<hbm>> -> memref<16x128xf32, #tpu.memory_space<hbm>>
      %dma_start3A_1197 = arith.constant 0 : i32
      %dma_start3A_1198 = arith.constant 0 : i32
      %dma_start3A_1199 = tpu.memref_slice %arg13[%dma_start3A_1190, %dma_start3A_1197, %dma_start3A_1198] : memref<16x16x128xf32, #tpu.memory_space<vmem>> -> memref<1x16x128xf32, #tpu.memory_space<vmem>>
      %dma_start3A_1200 = tpu.memref_squeeze %dma_start3A_1199 : memref<1x16x128xf32, #tpu.memory_space<vmem>> -> memref<16x128xf32, #tpu.memory_space<vmem>>
      %dma_start3A_1201 = arith.constant 0 : i32
      %dma_start3A_1202 = tpu.memref_slice %arg3[%dma_start3A_1201, %multiple_of3A_1189] : memref<16x1000000xf32, #tpu.memory_space<hbm>> -> memref<16x128xf32, #tpu.memory_space<hbm>>
      tpu.enqueue_dma source(%dma_start3A_1202 : memref<16x128xf32, #tpu.memory_space<hbm>>) target(%dma_start3A_1200 : memref<16x128xf32, #tpu.memory_space<vmem>>) target_semaphore(%arg18 : memref<!tpu.dma_semaphore, #tpu.memory_space<semaphore_mem>>)
      %slice3A_1203 = vector.extract_strided_slice %sub3A_1102 {offsets = [3], sizes = [1], strides = [1]} : vector<16xi32> to vector<1xi32>
      %squeeze3A_1204 = vector.extract %slice3A_1203[0] : i32 from vector<1xi32>
      %multiple_of3A_1205 = tpu.assume_multiple %squeeze3A_1204, 128 : i32
      %dma_start3A_1206 = arith.constant 3 : i32
      %dma_start3A_1207 = arith.constant 0 : i32
      %dma_start3A_1208 = arith.constant 0 : i32
      %dma_start3A_1209 = tpu.memref_slice %arg12[%dma_start3A_1206, %dma_start3A_1207, %dma_start3A_1208] : memref<16x16x128xf32, #tpu.memory_space<vmem>> -> memref<1x16x128xf32, #tpu.memory_space<vmem>>
      %dma_start3A_1210 = tpu.memref_squeeze %dma_start3A_1209 : memref<1x16x128xf32, #tpu.memory_space<vmem>> -> memref<16x128xf32, #tpu.memory_space<vmem>>
      %dma_start3A_1211 = arith.constant 0 : i32
      %dma_start3A_1212 = tpu.memref_slice %arg2[%dma_start3A_1211, %multiple_of3A_1205] : memref<16x1000000xf32, #tpu.memory_space<hbm>> -> memref<16x128xf32, #tpu.memory_space<hbm>>
      %dma_start3A_1213 = arith.constant 0 : i32
      %dma_start3A_1214 = arith.constant 0 : i32
      %dma_start3A_1215 = tpu.memref_slice %arg12[%dma_start3A_1206, %dma_start3A_1213, %dma_start3A_1214] : memref<16x16x128xf32, #tpu.memory_space<vmem>> -> memref<1x16x128xf32, #tpu.memory_space<vmem>>
      %dma_start3A_1216 = tpu.memref_squeeze %dma_start3A_1215 : memref<1x16x128xf32, #tpu.memory_space<vmem>> -> memref<16x128xf32, #tpu.memory_space<vmem>>
      %dma_start3A_1217 = arith.constant 0 : i32
      %dma_start3A_1218 = tpu.memref_slice %arg2[%dma_start3A_1217, %multiple_of3A_1205] : memref<16x1000000xf32, #tpu.memory_space<hbm>> -> memref<16x128xf32, #tpu.memory_space<hbm>>
      tpu.enqueue_dma source(%dma_start3A_1218 : memref<16x128xf32, #tpu.memory_space<hbm>>) target(%dma_start3A_1216 : memref<16x128xf32, #tpu.memory_space<vmem>>) target_semaphore(%arg17 : memref<!tpu.dma_semaphore, #tpu.memory_space<semaphore_mem>>)
      %slice3A_1219 = vector.extract_strided_slice %sub3A_1106 {offsets = [3], sizes = [1], strides = [1]} : vector<16xi32> to vector<1xi32>
      %squeeze3A_1220 = vector.extract %slice3A_1219[0] : i32 from vector<1xi32>
      %multiple_of3A_1221 = tpu.assume_multiple %squeeze3A_1220, 128 : i32
      %dma_start3A_1222 = arith.constant 3 : i32
      %dma_start3A_1223 = arith.constant 0 : i32
      %dma_start3A_1224 = arith.constant 0 : i32
      %dma_start3A_1225 = tpu.memref_slice %arg13[%dma_start3A_1222, %dma_start3A_1223, %dma_start3A_1224] : memref<16x16x128xf32, #tpu.memory_space<vmem>> -> memref<1x16x128xf32, #tpu.memory_space<vmem>>
      %dma_start3A_1226 = tpu.memref_squeeze %dma_start3A_1225 : memref<1x16x128xf32, #tpu.memory_space<vmem>> -> memref<16x128xf32, #tpu.memory_space<vmem>>
      %dma_start3A_1227 = arith.constant 0 : i32
      %dma_start3A_1228 = tpu.memref_slice %arg3[%dma_start3A_1227, %multiple_of3A_1221] : memref<16x1000000xf32, #tpu.memory_space<hbm>> -> memref<16x128xf32, #tpu.memory_space<hbm>>
      %dma_start3A_1229 = arith.constant 0 : i32
      %dma_start3A_1230 = arith.constant 0 : i32
      %dma_start3A_1231 = tpu.memref_slice %arg13[%dma_start3A_1222, %dma_start3A_1229, %dma_start3A_1230] : memref<16x16x128xf32, #tpu.memory_space<vmem>> -> memref<1x16x128xf32, #tpu.memory_space<vmem>>
      %dma_start3A_1232 = tpu.memref_squeeze %dma_start3A_1231 : memref<1x16x128xf32, #tpu.memory_space<vmem>> -> memref<16x128xf32, #tpu.memory_space<vmem>>
      %dma_start3A_1233 = arith.constant 0 : i32
      %dma_start3A_1234 = tpu.memref_slice %arg3[%dma_start3A_1233, %multiple_of3A_1221] : memref<16x1000000xf32, #tpu.memory_space<hbm>> -> memref<16x128xf32, #tpu.memory_space<hbm>>
      tpu.enqueue_dma source(%dma_start3A_1234 : memref<16x128xf32, #tpu.memory_space<hbm>>) target(%dma_start3A_1232 : memref<16x128xf32, #tpu.memory_space<vmem>>) target_semaphore(%arg18 : memref<!tpu.dma_semaphore, #tpu.memory_space<semaphore_mem>>)
      %slice3A_1235 = vector.extract_strided_slice %sub3A_1102 {offsets = [4], sizes = [1], strides = [1]} : vector<16xi32> to vector<1xi32>
      %squeeze3A_1236 = vector.extract %slice3A_1235[0] : i32 from vector<1xi32>
      %multiple_of3A_1237 = tpu.assume_multiple %squeeze3A_1236, 128 : i32
      %dma_start3A_1238 = arith.constant 4 : i32
      %dma_start3A_1239 = arith.constant 0 : i32
      %dma_start3A_1240 = arith.constant 0 : i32
      %dma_start3A_1241 = tpu.memref_slice %arg12[%dma_start3A_1238, %dma_start3A_1239, %dma_start3A_1240] : memref<16x16x128xf32, #tpu.memory_space<vmem>> -> memref<1x16x128xf32, #tpu.memory_space<vmem>>
      %dma_start3A_1242 = tpu.memref_squeeze %dma_start3A_1241 : memref<1x16x128xf32, #tpu.memory_space<vmem>> -> memref<16x128xf32, #tpu.memory_space<vmem>>
      %dma_start3A_1243 = arith.constant 0 : i32
      %dma_start3A_1244 = tpu.memref_slice %arg2[%dma_start3A_1243, %multiple_of3A_1237] : memref<16x1000000xf32, #tpu.memory_space<hbm>> -> memref<16x128xf32, #tpu.memory_space<hbm>>
      %dma_start3A_1245 = arith.constant 0 : i32
      %dma_start3A_1246 = arith.constant 0 : i32
      %dma_start3A_1247 = tpu.memref_slice %arg12[%dma_start3A_1238, %dma_start3A_1245, %dma_start3A_1246] : memref<16x16x128xf32, #tpu.memory_space<vmem>> -> memref<1x16x128xf32, #tpu.memory_space<vmem>>
      %dma_start3A_1248 = tpu.memref_squeeze %dma_start3A_1247 : memref<1x16x128xf32, #tpu.memory_space<vmem>> -> memref<16x128xf32, #tpu.memory_space<vmem>>
      %dma_start3A_1249 = arith.constant 0 : i32
      %dma_start3A_1250 = tpu.memref_slice %arg2[%dma_start3A_1249, %multiple_of3A_1237] : memref<16x1000000xf32, #tpu.memory_space<hbm>> -> memref<16x128xf32, #tpu.memory_space<hbm>>
      tpu.enqueue_dma source(%dma_start3A_1250 : memref<16x128xf32, #tpu.memory_space<hbm>>) target(%dma_start3A_1248 : memref<16x128xf32, #tpu.memory_space<vmem>>) target_semaphore(%arg17 : memref<!tpu.dma_semaphore, #tpu.memory_space<semaphore_mem>>)
      %slice3A_1251 = vector.extract_strided_slice %sub3A_1106 {offsets = [4], sizes = [1], strides = [1]} : vector<16xi32> to vector<1xi32>
      %squeeze3A_1252 = vector.extract %slice3A_1251[0] : i32 from vector<1xi32>
      %multiple_of3A_1253 = tpu.assume_multiple %squeeze3A_1252, 128 : i32
      %dma_start3A_1254 = arith.constant 4 : i32
      %dma_start3A_1255 = arith.constant 0 : i32
      %dma_start3A_1256 = arith.constant 0 : i32
      %dma_start3A_1257 = tpu.memref_slice %arg13[%dma_start3A_1254, %dma_start3A_1255, %dma_start3A_1256] : memref<16x16x128xf32, #tpu.memory_space<vmem>> -> memref<1x16x128xf32, #tpu.memory_space<vmem>>
      %dma_start3A_1258 = tpu.memref_squeeze %dma_start3A_1257 : memref<1x16x128xf32, #tpu.memory_space<vmem>> -> memref<16x128xf32, #tpu.memory_space<vmem>>
      %dma_start3A_1259 = arith.constant 0 : i32
      %dma_start3A_1260 = tpu.memref_slice %arg3[%dma_start3A_1259, %multiple_of3A_1253] : memref<16x1000000xf32, #tpu.memory_space<hbm>> -> memref<16x128xf32, #tpu.memory_space<hbm>>
      %dma_start3A_1261 = arith.constant 0 : i32
      %dma_start3A_1262 = arith.constant 0 : i32
      %dma_start3A_1263 = tpu.memref_slice %arg13[%dma_start3A_1254, %dma_start3A_1261, %dma_start3A_1262] : memref<16x16x128xf32, #tpu.memory_space<vmem>> -> memref<1x16x128xf32, #tpu.memory_space<vmem>>
      %dma_start3A_1264 = tpu.memref_squeeze %dma_start3A_1263 : memref<1x16x128xf32, #tpu.memory_space<vmem>> -> memref<16x128xf32, #tpu.memory_space<vmem>>
      %dma_start3A_1265 = arith.constant 0 : i32
      %dma_start3A_1266 = tpu.memref_slice %arg3[%dma_start3A_1265, %multiple_of3A_1253] : memref<16x1000000xf32, #tpu.memory_space<hbm>> -> memref<16x128xf32, #tpu.memory_space<hbm>>
      tpu.enqueue_dma source(%dma_start3A_1266 : memref<16x128xf32, #tpu.memory_space<hbm>>) target(%dma_start3A_1264 : memref<16x128xf32, #tpu.memory_space<vmem>>) target_semaphore(%arg18 : memref<!tpu.dma_semaphore, #tpu.memory_space<semaphore_mem>>)
      %slice3A_1267 = vector.extract_strided_slice %sub3A_1102 {offsets = [5], sizes = [1], strides = [1]} : vector<16xi32> to vector<1xi32>
      %squeeze3A_1268 = vector.extract %slice3A_1267[0] : i32 from vector<1xi32>
      %multiple_of3A_1269 = tpu.assume_multiple %squeeze3A_1268, 128 : i32
      %dma_start3A_1270 = arith.constant 5 : i32
      %dma_start3A_1271 = arith.constant 0 : i32
      %dma_start3A_1272 = arith.constant 0 : i32
      %dma_start3A_1273 = tpu.memref_slice %arg12[%dma_start3A_1270, %dma_start3A_1271, %dma_start3A_1272] : memref<16x16x128xf32, #tpu.memory_space<vmem>> -> memref<1x16x128xf32, #tpu.memory_space<vmem>>
      %dma_start3A_1274 = tpu.memref_squeeze %dma_start3A_1273 : memref<1x16x128xf32, #tpu.memory_space<vmem>> -> memref<16x128xf32, #tpu.memory_space<vmem>>
      %dma_start3A_1275 = arith.constant 0 : i32
      %dma_start3A_1276 = tpu.memref_slice %arg2[%dma_start3A_1275, %multiple_of3A_1269] : memref<16x1000000xf32, #tpu.memory_space<hbm>> -> memref<16x128xf32, #tpu.memory_space<hbm>>
      %dma_start3A_1277 = arith.constant 0 : i32
      %dma_start3A_1278 = arith.constant 0 : i32
      %dma_start3A_1279 = tpu.memref_slice %arg12[%dma_start3A_1270, %dma_start3A_1277, %dma_start3A_1278] : memref<16x16x128xf32, #tpu.memory_space<vmem>> -> memref<1x16x128xf32, #tpu.memory_space<vmem>>
      %dma_start3A_1280 = tpu.memref_squeeze %dma_start3A_1279 : memref<1x16x128xf32, #tpu.memory_space<vmem>> -> memref<16x128xf32, #tpu.memory_space<vmem>>
      %dma_start3A_1281 = arith.constant 0 : i32
      %dma_start3A_1282 = tpu.memref_slice %arg2[%dma_start3A_1281, %multiple_of3A_1269] : memref<16x1000000xf32, #tpu.memory_space<hbm>> -> memref<16x128xf32, #tpu.memory_space<hbm>>
      tpu.enqueue_dma source(%dma_start3A_1282 : memref<16x128xf32, #tpu.memory_space<hbm>>) target(%dma_start3A_1280 : memref<16x128xf32, #tpu.memory_space<vmem>>) target_semaphore(%arg17 : memref<!tpu.dma_semaphore, #tpu.memory_space<semaphore_mem>>)
      %slice3A_1283 = vector.extract_strided_slice %sub3A_1106 {offsets = [5], sizes = [1], strides = [1]} : vector<16xi32> to vector<1xi32>
      %squeeze3A_1284 = vector.extract %slice3A_1283[0] : i32 from vector<1xi32>
      %multiple_of3A_1285 = tpu.assume_multiple %squeeze3A_1284, 128 : i32
      %dma_start3A_1286 = arith.constant 5 : i32
      %dma_start3A_1287 = arith.constant 0 : i32
      %dma_start3A_1288 = arith.constant 0 : i32
      %dma_start3A_1289 = tpu.memref_slice %arg13[%dma_start3A_1286, %dma_start3A_1287, %dma_start3A_1288] : memref<16x16x128xf32, #tpu.memory_space<vmem>> -> memref<1x16x128xf32, #tpu.memory_space<vmem>>
      %dma_start3A_1290 = tpu.memref_squeeze %dma_start3A_1289 : memref<1x16x128xf32, #tpu.memory_space<vmem>> -> memref<16x128xf32, #tpu.memory_space<vmem>>
      %dma_start3A_1291 = arith.constant 0 : i32
      %dma_start3A_1292 = tpu.memref_slice %arg3[%dma_start3A_1291, %multiple_of3A_1285] : memref<16x1000000xf32, #tpu.memory_space<hbm>> -> memref<16x128xf32, #tpu.memory_space<hbm>>
      %dma_start3A_1293 = arith.constant 0 : i32
      %dma_start3A_1294 = arith.constant 0 : i32
      %dma_start3A_1295 = tpu.memref_slice %arg13[%dma_start3A_1286, %dma_start3A_1293, %dma_start3A_1294] : memref<16x16x128xf32, #tpu.memory_space<vmem>> -> memref<1x16x128xf32, #tpu.memory_space<vmem>>
      %dma_start3A_1296 = tpu.memref_squeeze %dma_start3A_1295 : memref<1x16x128xf32, #tpu.memory_space<vmem>> -> memref<16x128xf32, #tpu.memory_space<vmem>>
      %dma_start3A_1297 = arith.constant 0 : i32
      %dma_start3A_1298 = tpu.memref_slice %arg3[%dma_start3A_1297, %multiple_of3A_1285] : memref<16x1000000xf32, #tpu.memory_space<hbm>> -> memref<16x128xf32, #tpu.memory_space<hbm>>
      tpu.enqueue_dma source(%dma_start3A_1298 : memref<16x128xf32, #tpu.memory_space<hbm>>) target(%dma_start3A_1296 : memref<16x128xf32, #tpu.memory_space<vmem>>) target_semaphore(%arg18 : memref<!tpu.dma_semaphore, #tpu.memory_space<semaphore_mem>>)
      %slice3A_1299 = vector.extract_strided_slice %sub3A_1102 {offsets = [6], sizes = [1], strides = [1]} : vector<16xi32> to vector<1xi32>
      %squeeze3A_1300 = vector.extract %slice3A_1299[0] : i32 from vector<1xi32>
      %multiple_of3A_1301 = tpu.assume_multiple %squeeze3A_1300, 128 : i32
      %dma_start3A_1302 = arith.constant 6 : i32
      %dma_start3A_1303 = arith.constant 0 : i32
      %dma_start3A_1304 = arith.constant 0 : i32
      %dma_start3A_1305 = tpu.memref_slice %arg12[%dma_start3A_1302, %dma_start3A_1303, %dma_start3A_1304] : memref<16x16x128xf32, #tpu.memory_space<vmem>> -> memref<1x16x128xf32, #tpu.memory_space<vmem>>
      %dma_start3A_1306 = tpu.memref_squeeze %dma_start3A_1305 : memref<1x16x128xf32, #tpu.memory_space<vmem>> -> memref<16x128xf32, #tpu.memory_space<vmem>>
      %dma_start3A_1307 = arith.constant 0 : i32
      %dma_start3A_1308 = tpu.memref_slice %arg2[%dma_start3A_1307, %multiple_of3A_1301] : memref<16x1000000xf32, #tpu.memory_space<hbm>> -> memref<16x128xf32, #tpu.memory_space<hbm>>
      %dma_start3A_1309 = arith.constant 0 : i32
      %dma_start3A_1310 = arith.constant 0 : i32
      %dma_start3A_1311 = tpu.memref_slice %arg12[%dma_start3A_1302, %dma_start3A_1309, %dma_start3A_1310] : memref<16x16x128xf32, #tpu.memory_space<vmem>> -> memref<1x16x128xf32, #tpu.memory_space<vmem>>
      %dma_start3A_1312 = tpu.memref_squeeze %dma_start3A_1311 : memref<1x16x128xf32, #tpu.memory_space<vmem>> -> memref<16x128xf32, #tpu.memory_space<vmem>>
      %dma_start3A_1313 = arith.constant 0 : i32
      %dma_start3A_1314 = tpu.memref_slice %arg2[%dma_start3A_1313, %multiple_of3A_1301] : memref<16x1000000xf32, #tpu.memory_space<hbm>> -> memref<16x128xf32, #tpu.memory_space<hbm>>
      tpu.enqueue_dma source(%dma_start3A_1314 : memref<16x128xf32, #tpu.memory_space<hbm>>) target(%dma_start3A_1312 : memref<16x128xf32, #tpu.memory_space<vmem>>) target_semaphore(%arg17 : memref<!tpu.dma_semaphore, #tpu.memory_space<semaphore_mem>>)
      %slice3A_1315 = vector.extract_strided_slice %sub3A_1106 {offsets = [6], sizes = [1], strides = [1]} : vector<16xi32> to vector<1xi32>
      %squeeze3A_1316 = vector.extract %slice3A_1315[0] : i32 from vector<1xi32>
      %multiple_of3A_1317 = tpu.assume_multiple %squeeze3A_1316, 128 : i32
      %dma_start3A_1318 = arith.constant 6 : i32
      %dma_start3A_1319 = arith.constant 0 : i32
      %dma_start3A_1320 = arith.constant 0 : i32
      %dma_start3A_1321 = tpu.memref_slice %arg13[%dma_start3A_1318, %dma_start3A_1319, %dma_start3A_1320] : memref<16x16x128xf32, #tpu.memory_space<vmem>> -> memref<1x16x128xf32, #tpu.memory_space<vmem>>
      %dma_start3A_1322 = tpu.memref_squeeze %dma_start3A_1321 : memref<1x16x128xf32, #tpu.memory_space<vmem>> -> memref<16x128xf32, #tpu.memory_space<vmem>>
      %dma_start3A_1323 = arith.constant 0 : i32
      %dma_start3A_1324 = tpu.memref_slice %arg3[%dma_start3A_1323, %multiple_of3A_1317] : memref<16x1000000xf32, #tpu.memory_space<hbm>> -> memref<16x128xf32, #tpu.memory_space<hbm>>
      %dma_start3A_1325 = arith.constant 0 : i32
      %dma_start3A_1326 = arith.constant 0 : i32
      %dma_start3A_1327 = tpu.memref_slice %arg13[%dma_start3A_1318, %dma_start3A_1325, %dma_start3A_1326] : memref<16x16x128xf32, #tpu.memory_space<vmem>> -> memref<1x16x128xf32, #tpu.memory_space<vmem>>
      %dma_start3A_1328 = tpu.memref_squeeze %dma_start3A_1327 : memref<1x16x128xf32, #tpu.memory_space<vmem>> -> memref<16x128xf32, #tpu.memory_space<vmem>>
      %dma_start3A_1329 = arith.constant 0 : i32
      %dma_start3A_1330 = tpu.memref_slice %arg3[%dma_start3A_1329, %multiple_of3A_1317] : memref<16x1000000xf32, #tpu.memory_space<hbm>> -> memref<16x128xf32, #tpu.memory_space<hbm>>
      tpu.enqueue_dma source(%dma_start3A_1330 : memref<16x128xf32, #tpu.memory_space<hbm>>) target(%dma_start3A_1328 : memref<16x128xf32, #tpu.memory_space<vmem>>) target_semaphore(%arg18 : memref<!tpu.dma_semaphore, #tpu.memory_space<semaphore_mem>>)
      %slice3A_1331 = vector.extract_strided_slice %sub3A_1102 {offsets = [7], sizes = [1], strides = [1]} : vector<16xi32> to vector<1xi32>
      %squeeze3A_1332 = vector.extract %slice3A_1331[0] : i32 from vector<1xi32>
      %multiple_of3A_1333 = tpu.assume_multiple %squeeze3A_1332, 128 : i32
      %dma_start3A_1334 = arith.constant 7 : i32
      %dma_start3A_1335 = arith.constant 0 : i32
      %dma_start3A_1336 = arith.constant 0 : i32
      %dma_start3A_1337 = tpu.memref_slice %arg12[%dma_start3A_1334, %dma_start3A_1335, %dma_start3A_1336] : memref<16x16x128xf32, #tpu.memory_space<vmem>> -> memref<1x16x128xf32, #tpu.memory_space<vmem>>
      %dma_start3A_1338 = tpu.memref_squeeze %dma_start3A_1337 : memref<1x16x128xf32, #tpu.memory_space<vmem>> -> memref<16x128xf32, #tpu.memory_space<vmem>>
      %dma_start3A_1339 = arith.constant 0 : i32
      %dma_start3A_1340 = tpu.memref_slice %arg2[%dma_start3A_1339, %multiple_of3A_1333] : memref<16x1000000xf32, #tpu.memory_space<hbm>> -> memref<16x128xf32, #tpu.memory_space<hbm>>
      %dma_start3A_1341 = arith.constant 0 : i32
      %dma_start3A_1342 = arith.constant 0 : i32
      %dma_start3A_1343 = tpu.memref_slice %arg12[%dma_start3A_1334, %dma_start3A_1341, %dma_start3A_1342] : memref<16x16x128xf32, #tpu.memory_space<vmem>> -> memref<1x16x128xf32, #tpu.memory_space<vmem>>
      %dma_start3A_1344 = tpu.memref_squeeze %dma_start3A_1343 : memref<1x16x128xf32, #tpu.memory_space<vmem>> -> memref<16x128xf32, #tpu.memory_space<vmem>>
      %dma_start3A_1345 = arith.constant 0 : i32
      %dma_start3A_1346 = tpu.memref_slice %arg2[%dma_start3A_1345, %multiple_of3A_1333] : memref<16x1000000xf32, #tpu.memory_space<hbm>> -> memref<16x128xf32, #tpu.memory_space<hbm>>
      tpu.enqueue_dma source(%dma_start3A_1346 : memref<16x128xf32, #tpu.memory_space<hbm>>) target(%dma_start3A_1344 : memref<16x128xf32, #tpu.memory_space<vmem>>) target_semaphore(%arg17 : memref<!tpu.dma_semaphore, #tpu.memory_space<semaphore_mem>>)
      %slice3A_1347 = vector.extract_strided_slice %sub3A_1106 {offsets = [7], sizes = [1], strides = [1]} : vector<16xi32> to vector<1xi32>
      %squeeze3A_1348 = vector.extract %slice3A_1347[0] : i32 from vector<1xi32>
      %multiple_of3A_1349 = tpu.assume_multiple %squeeze3A_1348, 128 : i32
      %dma_start3A_1350 = arith.constant 7 : i32
      %dma_start3A_1351 = arith.constant 0 : i32
      %dma_start3A_1352 = arith.constant 0 : i32
      %dma_start3A_1353 = tpu.memref_slice %arg13[%dma_start3A_1350, %dma_start3A_1351, %dma_start3A_1352] : memref<16x16x128xf32, #tpu.memory_space<vmem>> -> memref<1x16x128xf32, #tpu.memory_space<vmem>>
      %dma_start3A_1354 = tpu.memref_squeeze %dma_start3A_1353 : memref<1x16x128xf32, #tpu.memory_space<vmem>> -> memref<16x128xf32, #tpu.memory_space<vmem>>
      %dma_start3A_1355 = arith.constant 0 : i32
      %dma_start3A_1356 = tpu.memref_slice %arg3[%dma_start3A_1355, %multiple_of3A_1349] : memref<16x1000000xf32, #tpu.memory_space<hbm>> -> memref<16x128xf32, #tpu.memory_space<hbm>>
      %dma_start3A_1357 = arith.constant 0 : i32
      %dma_start3A_1358 = arith.constant 0 : i32
      %dma_start3A_1359 = tpu.memref_slice %arg13[%dma_start3A_1350, %dma_start3A_1357, %dma_start3A_1358] : memref<16x16x128xf32, #tpu.memory_space<vmem>> -> memref<1x16x128xf32, #tpu.memory_space<vmem>>
      %dma_start3A_1360 = tpu.memref_squeeze %dma_start3A_1359 : memref<1x16x128xf32, #tpu.memory_space<vmem>> -> memref<16x128xf32, #tpu.memory_space<vmem>>
      %dma_start3A_1361 = arith.constant 0 : i32
      %dma_start3A_1362 = tpu.memref_slice %arg3[%dma_start3A_1361, %multiple_of3A_1349] : memref<16x1000000xf32, #tpu.memory_space<hbm>> -> memref<16x128xf32, #tpu.memory_space<hbm>>
      tpu.enqueue_dma source(%dma_start3A_1362 : memref<16x128xf32, #tpu.memory_space<hbm>>) target(%dma_start3A_1360 : memref<16x128xf32, #tpu.memory_space<vmem>>) target_semaphore(%arg18 : memref<!tpu.dma_semaphore, #tpu.memory_space<semaphore_mem>>)
      %dma_wait3A_1363 = arith.constant 0 : i32
      %dma_wait3A_1364 = arith.constant 0 : i32
      %dma_wait3A_1365 = arith.constant 0 : i32
      %dma_wait3A_1366 = tpu.memref_slice %arg12[%dma_wait3A_1363, %dma_wait3A_1364, %dma_wait3A_1365] : memref<16x16x128xf32, #tpu.memory_space<vmem>> -> memref<8x16x128xf32, #tpu.memory_space<vmem>>
      %dma_wait3A_1367 = arith.constant 0 : i32
      %dma_wait3A_1368 = arith.constant 0 : i32
      %dma_wait3A_1369 = arith.constant 0 : i32
      %dma_wait3A_1370 = tpu.memref_slice %arg12[%dma_wait3A_1367, %dma_wait3A_1368, %dma_wait3A_1369] : memref<16x16x128xf32, #tpu.memory_space<vmem>> -> memref<8x16x128xf32, #tpu.memory_space<vmem>>
      tpu.wait_dma2 semaphore(%arg17 : memref<!tpu.dma_semaphore, #tpu.memory_space<semaphore_mem>>) src(%arg7 : memref<8x16x128xf32, #tpu.memory_space<hbm>>) dst(%dma_wait3A_1370 : memref<8x16x128xf32, #tpu.memory_space<vmem>>)
      %dma_wait3A_1371 = arith.constant 0 : i32
      %dma_wait3A_1372 = arith.constant 0 : i32
      %dma_wait3A_1373 = arith.constant 0 : i32
      %dma_wait3A_1374 = tpu.memref_slice %arg13[%dma_wait3A_1371, %dma_wait3A_1372, %dma_wait3A_1373] : memref<16x16x128xf32, #tpu.memory_space<vmem>> -> memref<8x16x128xf32, #tpu.memory_space<vmem>>
      %dma_wait3A_1375 = arith.constant 0 : i32
      %dma_wait3A_1376 = arith.constant 0 : i32
      %dma_wait3A_1377 = arith.constant 0 : i32
      %dma_wait3A_1378 = tpu.memref_slice %arg13[%dma_wait3A_1375, %dma_wait3A_1376, %dma_wait3A_1377] : memref<16x16x128xf32, #tpu.memory_space<vmem>> -> memref<8x16x128xf32, #tpu.memory_space<vmem>>
      tpu.wait_dma2 semaphore(%arg18 : memref<!tpu.dma_semaphore, #tpu.memory_space<semaphore_mem>>) src(%arg7 : memref<8x16x128xf32, #tpu.memory_space<hbm>>) dst(%dma_wait3A_1378 : memref<8x16x128xf32, #tpu.memory_space<vmem>>)
      %mul3A_1379 = arith.constant 16 : i32
      %mul3A_1380 = arith.muli %scan3A_286, %mul3A_1379 : i32
      %add3A_1381 = arith.constant 8 : i32
      %add3A_1382 = arith.addi %mul3A_1380, %add3A_1381 : i32
      %and3A_1383 = arith.constant 7 : i32
      %and3A_1384 = vector.broadcast %and3A_1383 : i32 to vector<16xi32>
      %and3A_1385 = arith.andi %iota3A, %and3A_1384 : vector<16xi32>
      %add3A_1386 = arith.constant 8 : i32
      %add3A_1387 = vector.broadcast %add3A_1386 : i32 to vector<16xi32>
      %add3A_1388 = arith.addi %add3A_1387, %and3A_1385 : vector<16xi32>
      %get3A_1389 = arith.index_cast %add3A_1382 : i32 to index
      %get3A_1390 = tpu.vector_load %arg10[%get3A_1389] {strides = array<i32>} : memref<528xi32, #tpu.memory_space<vmem>>, vector<16xi32>,
      %and3A_1391 = arith.constant 127 : i32
      %and3A_1392 = vector.broadcast %and3A_1391 : i32 to vector<16xi32>
      %and3A_1393 = arith.andi %get3A_1390, %and3A_1392 : vector<16xi32>
      %get3A_1394 = arith.index_cast %add3A_1382 : i32 to index
      %get3A_1395 = tpu.vector_load %arg11[%get3A_1394] {strides = array<i32>} : memref<528xi32, #tpu.memory_space<vmem>>, vector<16xi32>,
      %and3A_1396 = arith.constant 127 : i32
      %and3A_1397 = vector.broadcast %and3A_1396 : i32 to vector<16xi32>
      %and3A_1398 = arith.andi %get3A_1395, %and3A_1397 : vector<16xi32>
      %add3A_1399 = arith.constant 0 : i32
      %add3A_1400 = vector.broadcast %add3A_1399 : i32 to vector<16xi32>
      %add3A_1401 = arith.addi %iota3A, %add3A_1400 : vector<16xi32>
      %and3A_1402 = arith.constant 15 : i32
      %and3A_1403 = vector.broadcast %and3A_1402 : i32 to vector<16xi32>
      %and3A_1404 = arith.andi %add3A_1401, %and3A_1403 : vector<16xi32>
      %gather3A_1405 = tpu.vector_load_idx %arg12[%add3A_1388, %and3A_1404, %and3A_1393] : memref<16x16x128xf32, #tpu.memory_space<vmem>>[vector<16xi32>, vector<16xi32>, vector<16xi32>], vector<16xf32>,
      %add3A_1406 = arith.constant 1 : i32
      %add3A_1407 = vector.broadcast %add3A_1406 : i32 to vector<16xi32>
      %add3A_1408 = arith.addi %iota3A, %add3A_1407 : vector<16xi32>
      %and3A_1409 = arith.constant 15 : i32
      %and3A_1410 = vector.broadcast %and3A_1409 : i32 to vector<16xi32>
      %and3A_1411 = arith.andi %add3A_1408, %and3A_1410 : vector<16xi32>
      %gather3A_1412 = tpu.vector_load_idx %arg12[%add3A_1388, %and3A_1411, %and3A_1393] : memref<16x16x128xf32, #tpu.memory_space<vmem>>[vector<16xi32>, vector<16xi32>, vector<16xi32>], vector<16xf32>,
      %add3A_1413 = arith.constant 2 : i32
      %add3A_1414 = vector.broadcast %add3A_1413 : i32 to vector<16xi32>
      %add3A_1415 = arith.addi %iota3A, %add3A_1414 : vector<16xi32>
      %and3A_1416 = arith.constant 15 : i32
      %and3A_1417 = vector.broadcast %and3A_1416 : i32 to vector<16xi32>
      %and3A_1418 = arith.andi %add3A_1415, %and3A_1417 : vector<16xi32>
      %gather3A_1419 = tpu.vector_load_idx %arg12[%add3A_1388, %and3A_1418, %and3A_1393] : memref<16x16x128xf32, #tpu.memory_space<vmem>>[vector<16xi32>, vector<16xi32>, vector<16xi32>], vector<16xf32>,
      %add3A_1420 = arith.constant 3 : i32
      %add3A_1421 = vector.broadcast %add3A_1420 : i32 to vector<16xi32>
      %add3A_1422 = arith.addi %iota3A, %add3A_1421 : vector<16xi32>
      %and3A_1423 = arith.constant 15 : i32
      %and3A_1424 = vector.broadcast %and3A_1423 : i32 to vector<16xi32>
      %and3A_1425 = arith.andi %add3A_1422, %and3A_1424 : vector<16xi32>
      %gather3A_1426 = tpu.vector_load_idx %arg12[%add3A_1388, %and3A_1425, %and3A_1393] : memref<16x16x128xf32, #tpu.memory_space<vmem>>[vector<16xi32>, vector<16xi32>, vector<16xi32>], vector<16xf32>,
      %add3A_1427 = arith.constant 4 : i32
      %add3A_1428 = vector.broadcast %add3A_1427 : i32 to vector<16xi32>
      %add3A_1429 = arith.addi %iota3A, %add3A_1428 : vector<16xi32>
      %and3A_1430 = arith.constant 15 : i32
      %and3A_1431 = vector.broadcast %and3A_1430 : i32 to vector<16xi32>
      %and3A_1432 = arith.andi %add3A_1429, %and3A_1431 : vector<16xi32>
      %gather3A_1433 = tpu.vector_load_idx %arg12[%add3A_1388, %and3A_1432, %and3A_1393] : memref<16x16x128xf32, #tpu.memory_space<vmem>>[vector<16xi32>, vector<16xi32>, vector<16xi32>], vector<16xf32>,
      %add3A_1434 = arith.constant 5 : i32
      %add3A_1435 = vector.broadcast %add3A_1434 : i32 to vector<16xi32>
      %add3A_1436 = arith.addi %iota3A, %add3A_1435 : vector<16xi32>
      %and3A_1437 = arith.constant 15 : i32
      %and3A_1438 = vector.broadcast %and3A_1437 : i32 to vector<16xi32>
      %and3A_1439 = arith.andi %add3A_1436, %and3A_1438 : vector<16xi32>
      %gather3A_1440 = tpu.vector_load_idx %arg12[%add3A_1388, %and3A_1439, %and3A_1393] : memref<16x16x128xf32, #tpu.memory_space<vmem>>[vector<16xi32>, vector<16xi32>, vector<16xi32>], vector<16xf32>,
      %add3A_1441 = arith.constant 6 : i32
      %add3A_1442 = vector.broadcast %add3A_1441 : i32 to vector<16xi32>
      %add3A_1443 = arith.addi %iota3A, %add3A_1442 : vector<16xi32>
      %and3A_1444 = arith.constant 15 : i32
      %and3A_1445 = vector.broadcast %and3A_1444 : i32 to vector<16xi32>
      %and3A_1446 = arith.andi %add3A_1443, %and3A_1445 : vector<16xi32>
      %gather3A_1447 = tpu.vector_load_idx %arg12[%add3A_1388, %and3A_1446, %and3A_1393] : memref<16x16x128xf32, #tpu.memory_space<vmem>>[vector<16xi32>, vector<16xi32>, vector<16xi32>], vector<16xf32>,
      %add3A_1448 = arith.constant 7 : i32
      %add3A_1449 = vector.broadcast %add3A_1448 : i32 to vector<16xi32>
      %add3A_1450 = arith.addi %iota3A, %add3A_1449 : vector<16xi32>
      %and3A_1451 = arith.constant 15 : i32
      %and3A_1452 = vector.broadcast %and3A_1451 : i32 to vector<16xi32>
      %and3A_1453 = arith.andi %add3A_1450, %and3A_1452 : vector<16xi32>
      %gather3A_1454 = tpu.vector_load_idx %arg12[%add3A_1388, %and3A_1453, %and3A_1393] : memref<16x16x128xf32, #tpu.memory_space<vmem>>[vector<16xi32>, vector<16xi32>, vector<16xi32>], vector<16xf32>,
      %add3A_1455 = arith.constant 8 : i32
      %add3A_1456 = vector.broadcast %add3A_1455 : i32 to vector<16xi32>
      %add3A_1457 = arith.addi %iota3A, %add3A_1456 : vector<16xi32>
      %and3A_1458 = arith.constant 15 : i32
      %and3A_1459 = vector.broadcast %and3A_1458 : i32 to vector<16xi32>
      %and3A_1460 = arith.andi %add3A_1457, %and3A_1459 : vector<16xi32>
      %gather3A_1461 = tpu.vector_load_idx %arg12[%add3A_1388, %and3A_1460, %and3A_1393] : memref<16x16x128xf32, #tpu.memory_space<vmem>>[vector<16xi32>, vector<16xi32>, vector<16xi32>], vector<16xf32>,
      %add3A_1462 = arith.constant 9 : i32
      %add3A_1463 = vector.broadcast %add3A_1462 : i32 to vector<16xi32>
      %add3A_1464 = arith.addi %iota3A, %add3A_1463 : vector<16xi32>
      %and3A_1465 = arith.constant 15 : i32
      %and3A_1466 = vector.broadcast %and3A_1465 : i32 to vector<16xi32>
      %and3A_1467 = arith.andi %add3A_1464, %and3A_1466 : vector<16xi32>
      %gather3A_1468 = tpu.vector_load_idx %arg12[%add3A_1388, %and3A_1467, %and3A_1393] : memref<16x16x128xf32, #tpu.memory_space<vmem>>[vector<16xi32>, vector<16xi32>, vector<16xi32>], vector<16xf32>,
      %add3A_1469 = arith.constant 10 : i32
      %add3A_1470 = vector.broadcast %add3A_1469 : i32 to vector<16xi32>
      %add3A_1471 = arith.addi %iota3A, %add3A_1470 : vector<16xi32>
      %and3A_1472 = arith.constant 15 : i32
      %and3A_1473 = vector.broadcast %and3A_1472 : i32 to vector<16xi32>
      %and3A_1474 = arith.andi %add3A_1471, %and3A_1473 : vector<16xi32>
      %gather3A_1475 = tpu.vector_load_idx %arg12[%add3A_1388, %and3A_1474, %and3A_1393] : memref<16x16x128xf32, #tpu.memory_space<vmem>>[vector<16xi32>, vector<16xi32>, vector<16xi32>], vector<16xf32>,
      %add3A_1476 = arith.constant 11 : i32
      %add3A_1477 = vector.broadcast %add3A_1476 : i32 to vector<16xi32>
      %add3A_1478 = arith.addi %iota3A, %add3A_1477 : vector<16xi32>
      %and3A_1479 = arith.constant 15 : i32
      %and3A_1480 = vector.broadcast %and3A_1479 : i32 to vector<16xi32>
      %and3A_1481 = arith.andi %add3A_1478, %and3A_1480 : vector<16xi32>
      %gather3A_1482 = tpu.vector_load_idx %arg12[%add3A_1388, %and3A_1481, %and3A_1393] : memref<16x16x128xf32, #tpu.memory_space<vmem>>[vector<16xi32>, vector<16xi32>, vector<16xi32>], vector<16xf32>,
      %add3A_1483 = arith.constant 12 : i32
      %add3A_1484 = vector.broadcast %add3A_1483 : i32 to vector<16xi32>
      %add3A_1485 = arith.addi %iota3A, %add3A_1484 : vector<16xi32>
      %and3A_1486 = arith.constant 15 : i32
      %and3A_1487 = vector.broadcast %and3A_1486 : i32 to vector<16xi32>
      %and3A_1488 = arith.andi %add3A_1485, %and3A_1487 : vector<16xi32>
      %gather3A_1489 = tpu.vector_load_idx %arg12[%add3A_1388, %and3A_1488, %and3A_1393] : memref<16x16x128xf32, #tpu.memory_space<vmem>>[vector<16xi32>, vector<16xi32>, vector<16xi32>], vector<16xf32>,
      %add3A_1490 = arith.constant 13 : i32
      %add3A_1491 = vector.broadcast %add3A_1490 : i32 to vector<16xi32>
      %add3A_1492 = arith.addi %iota3A, %add3A_1491 : vector<16xi32>
      %and3A_1493 = arith.constant 15 : i32
      %and3A_1494 = vector.broadcast %and3A_1493 : i32 to vector<16xi32>
      %and3A_1495 = arith.andi %add3A_1492, %and3A_1494 : vector<16xi32>
      %gather3A_1496 = tpu.vector_load_idx %arg12[%add3A_1388, %and3A_1495, %and3A_1393] : memref<16x16x128xf32, #tpu.memory_space<vmem>>[vector<16xi32>, vector<16xi32>, vector<16xi32>], vector<16xf32>,
      %add3A_1497 = arith.constant 14 : i32
      %add3A_1498 = vector.broadcast %add3A_1497 : i32 to vector<16xi32>
      %add3A_1499 = arith.addi %iota3A, %add3A_1498 : vector<16xi32>
      %and3A_1500 = arith.constant 15 : i32
      %and3A_1501 = vector.broadcast %and3A_1500 : i32 to vector<16xi32>
      %and3A_1502 = arith.andi %add3A_1499, %and3A_1501 : vector<16xi32>
      %gather3A_1503 = tpu.vector_load_idx %arg12[%add3A_1388, %and3A_1502, %and3A_1393] : memref<16x16x128xf32, #tpu.memory_space<vmem>>[vector<16xi32>, vector<16xi32>, vector<16xi32>], vector<16xf32>,
      %add3A_1504 = arith.constant 15 : i32
      %add3A_1505 = vector.broadcast %add3A_1504 : i32 to vector<16xi32>
      %add3A_1506 = arith.addi %iota3A, %add3A_1505 : vector<16xi32>
      %and3A_1507 = arith.constant 15 : i32
      %and3A_1508 = vector.broadcast %and3A_1507 : i32 to vector<16xi32>
      %and3A_1509 = arith.andi %add3A_1506, %and3A_1508 : vector<16xi32>
      %gather3A_1510 = tpu.vector_load_idx %arg12[%add3A_1388, %and3A_1509, %and3A_1393] : memref<16x16x128xf32, #tpu.memory_space<vmem>>[vector<16xi32>, vector<16xi32>, vector<16xi32>], vector<16xf32>,
      %add3A_1511 = arith.addf %gather3A_1405, %gather3A_1412 : vector<16xf32>
      %add3A_1512 = arith.addf %gather3A_1419, %gather3A_1426 : vector<16xf32>
      %add3A_1513 = arith.addf %gather3A_1433, %gather3A_1440 : vector<16xf32>
      %add3A_1514 = arith.addf %gather3A_1447, %gather3A_1454 : vector<16xf32>
      %add3A_1515 = arith.addf %gather3A_1461, %gather3A_1468 : vector<16xf32>
      %add3A_1516 = arith.addf %gather3A_1475, %gather3A_1482 : vector<16xf32>
      %add3A_1517 = arith.addf %gather3A_1489, %gather3A_1496 : vector<16xf32>
      %add3A_1518 = arith.addf %gather3A_1503, %gather3A_1510 : vector<16xf32>
      %add3A_1519 = arith.addf %add3A_1511, %add3A_1512 : vector<16xf32>
      %add3A_1520 = arith.addf %add3A_1513, %add3A_1514 : vector<16xf32>
      %add3A_1521 = arith.addf %add3A_1515, %add3A_1516 : vector<16xf32>
      %add3A_1522 = arith.addf %add3A_1517, %add3A_1518 : vector<16xf32>
      %add3A_1523 = arith.addf %add3A_1519, %add3A_1520 : vector<16xf32>
      %add3A_1524 = arith.addf %add3A_1521, %add3A_1522 : vector<16xf32>
      %add3A_1525 = arith.addf %add3A_1523, %add3A_1524 : vector<16xf32>
      %mul3A_1526 = arith.constant 6.250000e-02 : f32
      %mul3A_1527 = vector.broadcast %mul3A_1526 : f32 to vector<16xf32>
      %mul3A_1528 = arith.mulf %add3A_1525, %mul3A_1527 : vector<16xf32>
      %sub3A_1529 = arith.subf %gather3A_1405, %mul3A_1528 : vector<16xf32>
      %sub3A_1530 = arith.subf %gather3A_1412, %mul3A_1528 : vector<16xf32>
      %sub3A_1531 = arith.subf %gather3A_1419, %mul3A_1528 : vector<16xf32>
      %sub3A_1532 = arith.subf %gather3A_1426, %mul3A_1528 : vector<16xf32>
      %sub3A_1533 = arith.subf %gather3A_1433, %mul3A_1528 : vector<16xf32>
      %sub3A_1534 = arith.subf %gather3A_1440, %mul3A_1528 : vector<16xf32>
      %sub3A_1535 = arith.subf %gather3A_1447, %mul3A_1528 : vector<16xf32>
      %sub3A_1536 = arith.subf %gather3A_1454, %mul3A_1528 : vector<16xf32>
      %sub3A_1537 = arith.subf %gather3A_1461, %mul3A_1528 : vector<16xf32>
      %sub3A_1538 = arith.subf %gather3A_1468, %mul3A_1528 : vector<16xf32>
      %sub3A_1539 = arith.subf %gather3A_1475, %mul3A_1528 : vector<16xf32>
      %sub3A_1540 = arith.subf %gather3A_1482, %mul3A_1528 : vector<16xf32>
      %sub3A_1541 = arith.subf %gather3A_1489, %mul3A_1528 : vector<16xf32>
      %sub3A_1542 = arith.subf %gather3A_1496, %mul3A_1528 : vector<16xf32>
      %sub3A_1543 = arith.subf %gather3A_1503, %mul3A_1528 : vector<16xf32>
      %sub3A_1544 = arith.subf %gather3A_1510, %mul3A_1528 : vector<16xf32>
      %mul3A_1545 = arith.mulf %sub3A_1529, %sub3A_1529 : vector<16xf32>
      %mul3A_1546 = arith.mulf %sub3A_1530, %sub3A_1530 : vector<16xf32>
      %mul3A_1547 = arith.mulf %sub3A_1531, %sub3A_1531 : vector<16xf32>
      %mul3A_1548 = arith.mulf %sub3A_1532, %sub3A_1532 : vector<16xf32>
      %mul3A_1549 = arith.mulf %sub3A_1533, %sub3A_1533 : vector<16xf32>
      %mul3A_1550 = arith.mulf %sub3A_1534, %sub3A_1534 : vector<16xf32>
      %mul3A_1551 = arith.mulf %sub3A_1535, %sub3A_1535 : vector<16xf32>
      %mul3A_1552 = arith.mulf %sub3A_1536, %sub3A_1536 : vector<16xf32>
      %mul3A_1553 = arith.mulf %sub3A_1537, %sub3A_1537 : vector<16xf32>
      %mul3A_1554 = arith.mulf %sub3A_1538, %sub3A_1538 : vector<16xf32>
      %mul3A_1555 = arith.mulf %sub3A_1539, %sub3A_1539 : vector<16xf32>
      %mul3A_1556 = arith.mulf %sub3A_1540, %sub3A_1540 : vector<16xf32>
      %mul3A_1557 = arith.mulf %sub3A_1541, %sub3A_1541 : vector<16xf32>
      %mul3A_1558 = arith.mulf %sub3A_1542, %sub3A_1542 : vector<16xf32>
      %mul3A_1559 = arith.mulf %sub3A_1543, %sub3A_1543 : vector<16xf32>
      %mul3A_1560 = arith.mulf %sub3A_1544, %sub3A_1544 : vector<16xf32>
      %add3A_1561 = arith.addf %mul3A_1545, %mul3A_1546 : vector<16xf32>
      %add3A_1562 = arith.addf %mul3A_1547, %mul3A_1548 : vector<16xf32>
      %add3A_1563 = arith.addf %mul3A_1549, %mul3A_1550 : vector<16xf32>
      %add3A_1564 = arith.addf %mul3A_1551, %mul3A_1552 : vector<16xf32>
      %add3A_1565 = arith.addf %mul3A_1553, %mul3A_1554 : vector<16xf32>
      %add3A_1566 = arith.addf %mul3A_1555, %mul3A_1556 : vector<16xf32>
      %add3A_1567 = arith.addf %mul3A_1557, %mul3A_1558 : vector<16xf32>
      %add3A_1568 = arith.addf %mul3A_1559, %mul3A_1560 : vector<16xf32>
      %add3A_1569 = arith.addf %add3A_1561, %add3A_1562 : vector<16xf32>
      %add3A_1570 = arith.addf %add3A_1563, %add3A_1564 : vector<16xf32>
      %add3A_1571 = arith.addf %add3A_1565, %add3A_1566 : vector<16xf32>
      %add3A_1572 = arith.addf %add3A_1567, %add3A_1568 : vector<16xf32>
      %add3A_1573 = arith.addf %add3A_1569, %add3A_1570 : vector<16xf32>
      %add3A_1574 = arith.addf %add3A_1571, %add3A_1572 : vector<16xf32>
      %add3A_1575 = arith.addf %add3A_1573, %add3A_1574 : vector<16xf32>
      %add3A_1576 = arith.constant 0 : i32
      %add3A_1577 = vector.broadcast %add3A_1576 : i32 to vector<16xi32>
      %add3A_1578 = arith.addi %iota3A, %add3A_1577 : vector<16xi32>
      %and3A_1579 = arith.constant 15 : i32
      %and3A_1580 = vector.broadcast %and3A_1579 : i32 to vector<16xi32>
      %and3A_1581 = arith.andi %add3A_1578, %and3A_1580 : vector<16xi32>
      %gather3A_1582 = tpu.vector_load_idx %arg13[%add3A_1388, %and3A_1581, %and3A_1398] : memref<16x16x128xf32, #tpu.memory_space<vmem>>[vector<16xi32>, vector<16xi32>, vector<16xi32>], vector<16xf32>,
      %add3A_1583 = arith.constant 1 : i32
      %add3A_1584 = vector.broadcast %add3A_1583 : i32 to vector<16xi32>
      %add3A_1585 = arith.addi %iota3A, %add3A_1584 : vector<16xi32>
      %and3A_1586 = arith.constant 15 : i32
      %and3A_1587 = vector.broadcast %and3A_1586 : i32 to vector<16xi32>
      %and3A_1588 = arith.andi %add3A_1585, %and3A_1587 : vector<16xi32>
      %gather3A_1589 = tpu.vector_load_idx %arg13[%add3A_1388, %and3A_1588, %and3A_1398] : memref<16x16x128xf32, #tpu.memory_space<vmem>>[vector<16xi32>, vector<16xi32>, vector<16xi32>], vector<16xf32>,
      %add3A_1590 = arith.constant 2 : i32
      %add3A_1591 = vector.broadcast %add3A_1590 : i32 to vector<16xi32>
      %add3A_1592 = arith.addi %iota3A, %add3A_1591 : vector<16xi32>
      %and3A_1593 = arith.constant 15 : i32
      %and3A_1594 = vector.broadcast %and3A_1593 : i32 to vector<16xi32>
      %and3A_1595 = arith.andi %add3A_1592, %and3A_1594 : vector<16xi32>
      %gather3A_1596 = tpu.vector_load_idx %arg13[%add3A_1388, %and3A_1595, %and3A_1398] : memref<16x16x128xf32, #tpu.memory_space<vmem>>[vector<16xi32>, vector<16xi32>, vector<16xi32>], vector<16xf32>,
      %add3A_1597 = arith.constant 3 : i32
      %add3A_1598 = vector.broadcast %add3A_1597 : i32 to vector<16xi32>
      %add3A_1599 = arith.addi %iota3A, %add3A_1598 : vector<16xi32>
      %and3A_1600 = arith.constant 15 : i32
      %and3A_1601 = vector.broadcast %and3A_1600 : i32 to vector<16xi32>
      %and3A_1602 = arith.andi %add3A_1599, %and3A_1601 : vector<16xi32>
      %gather3A_1603 = tpu.vector_load_idx %arg13[%add3A_1388, %and3A_1602, %and3A_1398] : memref<16x16x128xf32, #tpu.memory_space<vmem>>[vector<16xi32>, vector<16xi32>, vector<16xi32>], vector<16xf32>,
      %add3A_1604 = arith.constant 4 : i32
      %add3A_1605 = vector.broadcast %add3A_1604 : i32 to vector<16xi32>
      %add3A_1606 = arith.addi %iota3A, %add3A_1605 : vector<16xi32>
      %and3A_1607 = arith.constant 15 : i32
      %and3A_1608 = vector.broadcast %and3A_1607 : i32 to vector<16xi32>
      %and3A_1609 = arith.andi %add3A_1606, %and3A_1608 : vector<16xi32>
      %gather3A_1610 = tpu.vector_load_idx %arg13[%add3A_1388, %and3A_1609, %and3A_1398] : memref<16x16x128xf32, #tpu.memory_space<vmem>>[vector<16xi32>, vector<16xi32>, vector<16xi32>], vector<16xf32>,
      %add3A_1611 = arith.constant 5 : i32
      %add3A_1612 = vector.broadcast %add3A_1611 : i32 to vector<16xi32>
      %add3A_1613 = arith.addi %iota3A, %add3A_1612 : vector<16xi32>
      %and3A_1614 = arith.constant 15 : i32
      %and3A_1615 = vector.broadcast %and3A_1614 : i32 to vector<16xi32>
      %and3A_1616 = arith.andi %add3A_1613, %and3A_1615 : vector<16xi32>
      %gather3A_1617 = tpu.vector_load_idx %arg13[%add3A_1388, %and3A_1616, %and3A_1398] : memref<16x16x128xf32, #tpu.memory_space<vmem>>[vector<16xi32>, vector<16xi32>, vector<16xi32>], vector<16xf32>,
      %add3A_1618 = arith.constant 6 : i32
      %add3A_1619 = vector.broadcast %add3A_1618 : i32 to vector<16xi32>
      %add3A_1620 = arith.addi %iota3A, %add3A_1619 : vector<16xi32>
      %and3A_1621 = arith.constant 15 : i32
      %and3A_1622 = vector.broadcast %and3A_1621 : i32 to vector<16xi32>
      %and3A_1623 = arith.andi %add3A_1620, %and3A_1622 : vector<16xi32>
      %gather3A_1624 = tpu.vector_load_idx %arg13[%add3A_1388, %and3A_1623, %and3A_1398] : memref<16x16x128xf32, #tpu.memory_space<vmem>>[vector<16xi32>, vector<16xi32>, vector<16xi32>], vector<16xf32>,
      %add3A_1625 = arith.constant 7 : i32
      %add3A_1626 = vector.broadcast %add3A_1625 : i32 to vector<16xi32>
      %add3A_1627 = arith.addi %iota3A, %add3A_1626 : vector<16xi32>
      %and3A_1628 = arith.constant 15 : i32
      %and3A_1629 = vector.broadcast %and3A_1628 : i32 to vector<16xi32>
      %and3A_1630 = arith.andi %add3A_1627, %and3A_1629 : vector<16xi32>
      %gather3A_1631 = tpu.vector_load_idx %arg13[%add3A_1388, %and3A_1630, %and3A_1398] : memref<16x16x128xf32, #tpu.memory_space<vmem>>[vector<16xi32>, vector<16xi32>, vector<16xi32>], vector<16xf32>,
      %add3A_1632 = arith.constant 8 : i32
      %add3A_1633 = vector.broadcast %add3A_1632 : i32 to vector<16xi32>
      %add3A_1634 = arith.addi %iota3A, %add3A_1633 : vector<16xi32>
      %and3A_1635 = arith.constant 15 : i32
      %and3A_1636 = vector.broadcast %and3A_1635 : i32 to vector<16xi32>
      %and3A_1637 = arith.andi %add3A_1634, %and3A_1636 : vector<16xi32>
      %gather3A_1638 = tpu.vector_load_idx %arg13[%add3A_1388, %and3A_1637, %and3A_1398] : memref<16x16x128xf32, #tpu.memory_space<vmem>>[vector<16xi32>, vector<16xi32>, vector<16xi32>], vector<16xf32>,
      %add3A_1639 = arith.constant 9 : i32
      %add3A_1640 = vector.broadcast %add3A_1639 : i32 to vector<16xi32>
      %add3A_1641 = arith.addi %iota3A, %add3A_1640 : vector<16xi32>
      %and3A_1642 = arith.constant 15 : i32
      %and3A_1643 = vector.broadcast %and3A_1642 : i32 to vector<16xi32>
      %and3A_1644 = arith.andi %add3A_1641, %and3A_1643 : vector<16xi32>
      %gather3A_1645 = tpu.vector_load_idx %arg13[%add3A_1388, %and3A_1644, %and3A_1398] : memref<16x16x128xf32, #tpu.memory_space<vmem>>[vector<16xi32>, vector<16xi32>, vector<16xi32>], vector<16xf32>,
      %add3A_1646 = arith.constant 10 : i32
      %add3A_1647 = vector.broadcast %add3A_1646 : i32 to vector<16xi32>
      %add3A_1648 = arith.addi %iota3A, %add3A_1647 : vector<16xi32>
      %and3A_1649 = arith.constant 15 : i32
      %and3A_1650 = vector.broadcast %and3A_1649 : i32 to vector<16xi32>
      %and3A_1651 = arith.andi %add3A_1648, %and3A_1650 : vector<16xi32>
      %gather3A_1652 = tpu.vector_load_idx %arg13[%add3A_1388, %and3A_1651, %and3A_1398] : memref<16x16x128xf32, #tpu.memory_space<vmem>>[vector<16xi32>, vector<16xi32>, vector<16xi32>], vector<16xf32>,
      %add3A_1653 = arith.constant 11 : i32
      %add3A_1654 = vector.broadcast %add3A_1653 : i32 to vector<16xi32>
      %add3A_1655 = arith.addi %iota3A, %add3A_1654 : vector<16xi32>
      %and3A_1656 = arith.constant 15 : i32
      %and3A_1657 = vector.broadcast %and3A_1656 : i32 to vector<16xi32>
      %and3A_1658 = arith.andi %add3A_1655, %and3A_1657 : vector<16xi32>
      %gather3A_1659 = tpu.vector_load_idx %arg13[%add3A_1388, %and3A_1658, %and3A_1398] : memref<16x16x128xf32, #tpu.memory_space<vmem>>[vector<16xi32>, vector<16xi32>, vector<16xi32>], vector<16xf32>,
      %add3A_1660 = arith.constant 12 : i32
      %add3A_1661 = vector.broadcast %add3A_1660 : i32 to vector<16xi32>
      %add3A_1662 = arith.addi %iota3A, %add3A_1661 : vector<16xi32>
      %and3A_1663 = arith.constant 15 : i32
      %and3A_1664 = vector.broadcast %and3A_1663 : i32 to vector<16xi32>
      %and3A_1665 = arith.andi %add3A_1662, %and3A_1664 : vector<16xi32>
      %gather3A_1666 = tpu.vector_load_idx %arg13[%add3A_1388, %and3A_1665, %and3A_1398] : memref<16x16x128xf32, #tpu.memory_space<vmem>>[vector<16xi32>, vector<16xi32>, vector<16xi32>], vector<16xf32>,
      %add3A_1667 = arith.constant 13 : i32
      %add3A_1668 = vector.broadcast %add3A_1667 : i32 to vector<16xi32>
      %add3A_1669 = arith.addi %iota3A, %add3A_1668 : vector<16xi32>
      %and3A_1670 = arith.constant 15 : i32
      %and3A_1671 = vector.broadcast %and3A_1670 : i32 to vector<16xi32>
      %and3A_1672 = arith.andi %add3A_1669, %and3A_1671 : vector<16xi32>
      %gather3A_1673 = tpu.vector_load_idx %arg13[%add3A_1388, %and3A_1672, %and3A_1398] : memref<16x16x128xf32, #tpu.memory_space<vmem>>[vector<16xi32>, vector<16xi32>, vector<16xi32>], vector<16xf32>,
      %add3A_1674 = arith.constant 14 : i32
      %add3A_1675 = vector.broadcast %add3A_1674 : i32 to vector<16xi32>
      %add3A_1676 = arith.addi %iota3A, %add3A_1675 : vector<16xi32>
      %and3A_1677 = arith.constant 15 : i32
      %and3A_1678 = vector.broadcast %and3A_1677 : i32 to vector<16xi32>
      %and3A_1679 = arith.andi %add3A_1676, %and3A_1678 : vector<16xi32>
      %gather3A_1680 = tpu.vector_load_idx %arg13[%add3A_1388, %and3A_1679, %and3A_1398] : memref<16x16x128xf32, #tpu.memory_space<vmem>>[vector<16xi32>, vector<16xi32>, vector<16xi32>], vector<16xf32>,
      %add3A_1681 = arith.constant 15 : i32
      %add3A_1682 = vector.broadcast %add3A_1681 : i32 to vector<16xi32>
      %add3A_1683 = arith.addi %iota3A, %add3A_1682 : vector<16xi32>
      %and3A_1684 = arith.constant 15 : i32
      %and3A_1685 = vector.broadcast %and3A_1684 : i32 to vector<16xi32>
      %and3A_1686 = arith.andi %add3A_1683, %and3A_1685 : vector<16xi32>
      %gather3A_1687 = tpu.vector_load_idx %arg13[%add3A_1388, %and3A_1686, %and3A_1398] : memref<16x16x128xf32, #tpu.memory_space<vmem>>[vector<16xi32>, vector<16xi32>, vector<16xi32>], vector<16xf32>,
      %add3A_1688 = arith.addf %gather3A_1582, %gather3A_1589 : vector<16xf32>
      %add3A_1689 = arith.addf %gather3A_1596, %gather3A_1603 : vector<16xf32>
      %add3A_1690 = arith.addf %gather3A_1610, %gather3A_1617 : vector<16xf32>
      %add3A_1691 = arith.addf %gather3A_1624, %gather3A_1631 : vector<16xf32>
      %add3A_1692 = arith.addf %gather3A_1638, %gather3A_1645 : vector<16xf32>
      %add3A_1693 = arith.addf %gather3A_1652, %gather3A_1659 : vector<16xf32>
      %add3A_1694 = arith.addf %gather3A_1666, %gather3A_1673 : vector<16xf32>
      %add3A_1695 = arith.addf %gather3A_1680, %gather3A_1687 : vector<16xf32>
      %add3A_1696 = arith.addf %add3A_1688, %add3A_1689 : vector<16xf32>
      %add3A_1697 = arith.addf %add3A_1690, %add3A_1691 : vector<16xf32>
      %add3A_1698 = arith.addf %add3A_1692, %add3A_1693 : vector<16xf32>
      %add3A_1699 = arith.addf %add3A_1694, %add3A_1695 : vector<16xf32>
      %add3A_1700 = arith.addf %add3A_1696, %add3A_1697 : vector<16xf32>
      %add3A_1701 = arith.addf %add3A_1698, %add3A_1699 : vector<16xf32>
      %add3A_1702 = arith.addf %add3A_1700, %add3A_1701 : vector<16xf32>
      %mul3A_1703 = arith.constant 6.250000e-02 : f32
      %mul3A_1704 = vector.broadcast %mul3A_1703 : f32 to vector<16xf32>
      %mul3A_1705 = arith.mulf %add3A_1702, %mul3A_1704 : vector<16xf32>
      %sub3A_1706 = arith.subf %gather3A_1582, %mul3A_1705 : vector<16xf32>
      %sub3A_1707 = arith.subf %gather3A_1589, %mul3A_1705 : vector<16xf32>
      %sub3A_1708 = arith.subf %gather3A_1596, %mul3A_1705 : vector<16xf32>
      %sub3A_1709 = arith.subf %gather3A_1603, %mul3A_1705 : vector<16xf32>
      %sub3A_1710 = arith.subf %gather3A_1610, %mul3A_1705 : vector<16xf32>
      %sub3A_1711 = arith.subf %gather3A_1617, %mul3A_1705 : vector<16xf32>
      %sub3A_1712 = arith.subf %gather3A_1624, %mul3A_1705 : vector<16xf32>
      %sub3A_1713 = arith.subf %gather3A_1631, %mul3A_1705 : vector<16xf32>
      %sub3A_1714 = arith.subf %gather3A_1638, %mul3A_1705 : vector<16xf32>
      %sub3A_1715 = arith.subf %gather3A_1645, %mul3A_1705 : vector<16xf32>
      %sub3A_1716 = arith.subf %gather3A_1652, %mul3A_1705 : vector<16xf32>
      %sub3A_1717 = arith.subf %gather3A_1659, %mul3A_1705 : vector<16xf32>
      %sub3A_1718 = arith.subf %gather3A_1666, %mul3A_1705 : vector<16xf32>
      %sub3A_1719 = arith.subf %gather3A_1673, %mul3A_1705 : vector<16xf32>
      %sub3A_1720 = arith.subf %gather3A_1680, %mul3A_1705 : vector<16xf32>
      %sub3A_1721 = arith.subf %gather3A_1687, %mul3A_1705 : vector<16xf32>
      %mul3A_1722 = arith.mulf %sub3A_1706, %sub3A_1706 : vector<16xf32>
      %mul3A_1723 = arith.mulf %sub3A_1707, %sub3A_1707 : vector<16xf32>
      %mul3A_1724 = arith.mulf %sub3A_1708, %sub3A_1708 : vector<16xf32>
      %mul3A_1725 = arith.mulf %sub3A_1709, %sub3A_1709 : vector<16xf32>
      %mul3A_1726 = arith.mulf %sub3A_1710, %sub3A_1710 : vector<16xf32>
      %mul3A_1727 = arith.mulf %sub3A_1711, %sub3A_1711 : vector<16xf32>
      %mul3A_1728 = arith.mulf %sub3A_1712, %sub3A_1712 : vector<16xf32>
      %mul3A_1729 = arith.mulf %sub3A_1713, %sub3A_1713 : vector<16xf32>
      %mul3A_1730 = arith.mulf %sub3A_1714, %sub3A_1714 : vector<16xf32>
      %mul3A_1731 = arith.mulf %sub3A_1715, %sub3A_1715 : vector<16xf32>
      %mul3A_1732 = arith.mulf %sub3A_1716, %sub3A_1716 : vector<16xf32>
      %mul3A_1733 = arith.mulf %sub3A_1717, %sub3A_1717 : vector<16xf32>
      %mul3A_1734 = arith.mulf %sub3A_1718, %sub3A_1718 : vector<16xf32>
      %mul3A_1735 = arith.mulf %sub3A_1719, %sub3A_1719 : vector<16xf32>
      %mul3A_1736 = arith.mulf %sub3A_1720, %sub3A_1720 : vector<16xf32>
      %mul3A_1737 = arith.mulf %sub3A_1721, %sub3A_1721 : vector<16xf32>
      %add3A_1738 = arith.addf %mul3A_1722, %mul3A_1723 : vector<16xf32>
      %add3A_1739 = arith.addf %mul3A_1724, %mul3A_1725 : vector<16xf32>
      %add3A_1740 = arith.addf %mul3A_1726, %mul3A_1727 : vector<16xf32>
      %add3A_1741 = arith.addf %mul3A_1728, %mul3A_1729 : vector<16xf32>
      %add3A_1742 = arith.addf %mul3A_1730, %mul3A_1731 : vector<16xf32>
      %add3A_1743 = arith.addf %mul3A_1732, %mul3A_1733 : vector<16xf32>
      %add3A_1744 = arith.addf %mul3A_1734, %mul3A_1735 : vector<16xf32>
      %add3A_1745 = arith.addf %mul3A_1736, %mul3A_1737 : vector<16xf32>
      %add3A_1746 = arith.addf %add3A_1738, %add3A_1739 : vector<16xf32>
      %add3A_1747 = arith.addf %add3A_1740, %add3A_1741 : vector<16xf32>
      %add3A_1748 = arith.addf %add3A_1742, %add3A_1743 : vector<16xf32>
      %add3A_1749 = arith.addf %add3A_1744, %add3A_1745 : vector<16xf32>
      %add3A_1750 = arith.addf %add3A_1746, %add3A_1747 : vector<16xf32>
      %add3A_1751 = arith.addf %add3A_1748, %add3A_1749 : vector<16xf32>
      %add3A_1752 = arith.addf %add3A_1750, %add3A_1751 : vector<16xf32>
      %mul3A_1753 = arith.mulf %sub3A_1529, %sub3A_1706 : vector<16xf32>
      %mul3A_1754 = arith.mulf %sub3A_1530, %sub3A_1707 : vector<16xf32>
      %mul3A_1755 = arith.mulf %sub3A_1531, %sub3A_1708 : vector<16xf32>
      %mul3A_1756 = arith.mulf %sub3A_1532, %sub3A_1709 : vector<16xf32>
      %mul3A_1757 = arith.mulf %sub3A_1533, %sub3A_1710 : vector<16xf32>
      %mul3A_1758 = arith.mulf %sub3A_1534, %sub3A_1711 : vector<16xf32>
      %mul3A_1759 = arith.mulf %sub3A_1535, %sub3A_1712 : vector<16xf32>
      %mul3A_1760 = arith.mulf %sub3A_1536, %sub3A_1713 : vector<16xf32>
      %mul3A_1761 = arith.mulf %sub3A_1537, %sub3A_1714 : vector<16xf32>
      %mul3A_1762 = arith.mulf %sub3A_1538, %sub3A_1715 : vector<16xf32>
      %mul3A_1763 = arith.mulf %sub3A_1539, %sub3A_1716 : vector<16xf32>
      %mul3A_1764 = arith.mulf %sub3A_1540, %sub3A_1717 : vector<16xf32>
      %mul3A_1765 = arith.mulf %sub3A_1541, %sub3A_1718 : vector<16xf32>
      %mul3A_1766 = arith.mulf %sub3A_1542, %sub3A_1719 : vector<16xf32>
      %mul3A_1767 = arith.mulf %sub3A_1543, %sub3A_1720 : vector<16xf32>
      %mul3A_1768 = arith.mulf %sub3A_1544, %sub3A_1721 : vector<16xf32>
      %add3A_1769 = arith.addf %mul3A_1753, %mul3A_1754 : vector<16xf32>
      %add3A_1770 = arith.addf %mul3A_1755, %mul3A_1756 : vector<16xf32>
      %add3A_1771 = arith.addf %mul3A_1757, %mul3A_1758 : vector<16xf32>
      %add3A_1772 = arith.addf %mul3A_1759, %mul3A_1760 : vector<16xf32>
      %add3A_1773 = arith.addf %mul3A_1761, %mul3A_1762 : vector<16xf32>
      %add3A_1774 = arith.addf %mul3A_1763, %mul3A_1764 : vector<16xf32>
      %add3A_1775 = arith.addf %mul3A_1765, %mul3A_1766 : vector<16xf32>
      %add3A_1776 = arith.addf %mul3A_1767, %mul3A_1768 : vector<16xf32>
      %add3A_1777 = arith.addf %add3A_1769, %add3A_1770 : vector<16xf32>
      %add3A_1778 = arith.addf %add3A_1771, %add3A_1772 : vector<16xf32>
      %add3A_1779 = arith.addf %add3A_1773, %add3A_1774 : vector<16xf32>
      %add3A_1780 = arith.addf %add3A_1775, %add3A_1776 : vector<16xf32>
      %add3A_1781 = arith.addf %add3A_1777, %add3A_1778 : vector<16xf32>
      %add3A_1782 = arith.addf %add3A_1779, %add3A_1780 : vector<16xf32>
      %add3A_1783 = arith.addf %add3A_1781, %add3A_1782 : vector<16xf32>
      %max3A_1784 = arith.constant 1.000000e-24 : f32
      %max3A_1785 = vector.broadcast %max3A_1784 : f32 to vector<16xf32>
      %max3A_1786 = arith.maximumf %add3A_1575, %max3A_1785 : vector<16xf32>
      %bitcast_convert_type3A_1787 = tpu.bitcast %max3A_1786 : vector<16xf32> -> vector<16xi32>
      %shift_right_logical3A_1788 = arith.constant 1 : i32
      %shift_right_logical3A_1789 = vector.broadcast %shift_right_logical3A_1788 : i32 to vector<16xi32>
      %shift_right_logical3A_1790 = arith.shrui %bitcast_convert_type3A_1787, %shift_right_logical3A_1789 : vector<16xi32>
      %sub3A_1791 = arith.constant 1597463007 : i32
      %sub3A_1792 = vector.broadcast %sub3A_1791 : i32 to vector<16xi32>
      %sub3A_1793 = arith.subi %sub3A_1792, %shift_right_logical3A_1790 : vector<16xi32>
      %bitcast_convert_type3A_1794 = tpu.bitcast %sub3A_1793 : vector<16xi32> -> vector<16xf32>
      %mul3A_1795 = arith.constant 5.000000e-01 : f32
      %mul3A_1796 = vector.broadcast %mul3A_1795 : f32 to vector<16xf32>
      %mul3A_1797 = arith.mulf %mul3A_1796, %max3A_1786 : vector<16xf32>
      %mul3A_1798 = arith.mulf %mul3A_1797, %bitcast_convert_type3A_1794 : vector<16xf32>
      %mul3A_1799 = arith.mulf %mul3A_1798, %bitcast_convert_type3A_1794 : vector<16xf32>
      %sub3A_1800 = arith.constant 1.500000e+00 : f32
      %sub3A_1801 = vector.broadcast %sub3A_1800 : f32 to vector<16xf32>
      %sub3A_1802 = arith.subf %sub3A_1801, %mul3A_1799 : vector<16xf32>
      %mul3A_1803 = arith.mulf %bitcast_convert_type3A_1794, %sub3A_1802 : vector<16xf32>
      %mul3A_1804 = arith.constant 5.000000e-01 : f32
      %mul3A_1805 = vector.broadcast %mul3A_1804 : f32 to vector<16xf32>
      %mul3A_1806 = arith.mulf %mul3A_1805, %max3A_1786 : vector<16xf32>
      %mul3A_1807 = arith.mulf %mul3A_1806, %mul3A_1803 : vector<16xf32>
      %mul3A_1808 = arith.mulf %mul3A_1807, %mul3A_1803 : vector<16xf32>
      %sub3A_1809 = arith.constant 1.500000e+00 : f32
      %sub3A_1810 = vector.broadcast %sub3A_1809 : f32 to vector<16xf32>
      %sub3A_1811 = arith.subf %sub3A_1810, %mul3A_1808 : vector<16xf32>
      %mul3A_1812 = arith.mulf %mul3A_1803, %sub3A_1811 : vector<16xf32>
      %mul3A_1813 = arith.constant 5.000000e-01 : f32
      %mul3A_1814 = vector.broadcast %mul3A_1813 : f32 to vector<16xf32>
      %mul3A_1815 = arith.mulf %mul3A_1814, %max3A_1786 : vector<16xf32>
      %mul3A_1816 = arith.mulf %mul3A_1815, %mul3A_1812 : vector<16xf32>
      %mul3A_1817 = arith.mulf %mul3A_1816, %mul3A_1812 : vector<16xf32>
      %sub3A_1818 = arith.constant 1.500000e+00 : f32
      %sub3A_1819 = vector.broadcast %sub3A_1818 : f32 to vector<16xf32>
      %sub3A_1820 = arith.subf %sub3A_1819, %mul3A_1817 : vector<16xf32>
      %mul3A_1821 = arith.mulf %mul3A_1812, %sub3A_1820 : vector<16xf32>
      %max3A_1822 = arith.constant 1.000000e-24 : f32
      %max3A_1823 = vector.broadcast %max3A_1822 : f32 to vector<16xf32>
      %max3A_1824 = arith.maximumf %add3A_1752, %max3A_1823 : vector<16xf32>
      %bitcast_convert_type3A_1825 = tpu.bitcast %max3A_1824 : vector<16xf32> -> vector<16xi32>
      %shift_right_logical3A_1826 = arith.constant 1 : i32
      %shift_right_logical3A_1827 = vector.broadcast %shift_right_logical3A_1826 : i32 to vector<16xi32>
      %shift_right_logical3A_1828 = arith.shrui %bitcast_convert_type3A_1825, %shift_right_logical3A_1827 : vector<16xi32>
      %sub3A_1829 = arith.constant 1597463007 : i32
      %sub3A_1830 = vector.broadcast %sub3A_1829 : i32 to vector<16xi32>
      %sub3A_1831 = arith.subi %sub3A_1830, %shift_right_logical3A_1828 : vector<16xi32>
      %bitcast_convert_type3A_1832 = tpu.bitcast %sub3A_1831 : vector<16xi32> -> vector<16xf32>
      %mul3A_1833 = arith.constant 5.000000e-01 : f32
      %mul3A_1834 = vector.broadcast %mul3A_1833 : f32 to vector<16xf32>
      %mul3A_1835 = arith.mulf %mul3A_1834, %max3A_1824 : vector<16xf32>
      %mul3A_1836 = arith.mulf %mul3A_1835, %bitcast_convert_type3A_1832 : vector<16xf32>
      %mul3A_1837 = arith.mulf %mul3A_1836, %bitcast_convert_type3A_1832 : vector<16xf32>
      %sub3A_1838 = arith.constant 1.500000e+00 : f32
      %sub3A_1839 = vector.broadcast %sub3A_1838 : f32 to vector<16xf32>
      %sub3A_1840 = arith.subf %sub3A_1839, %mul3A_1837 : vector<16xf32>
      %mul3A_1841 = arith.mulf %bitcast_convert_type3A_1832, %sub3A_1840 : vector<16xf32>
      %mul3A_1842 = arith.constant 5.000000e-01 : f32
      %mul3A_1843 = vector.broadcast %mul3A_1842 : f32 to vector<16xf32>
      %mul3A_1844 = arith.mulf %mul3A_1843, %max3A_1824 : vector<16xf32>
      %mul3A_1845 = arith.mulf %mul3A_1844, %mul3A_1841 : vector<16xf32>
      %mul3A_1846 = arith.mulf %mul3A_1845, %mul3A_1841 : vector<16xf32>
      %sub3A_1847 = arith.constant 1.500000e+00 : f32
      %sub3A_1848 = vector.broadcast %sub3A_1847 : f32 to vector<16xf32>
      %sub3A_1849 = arith.subf %sub3A_1848, %mul3A_1846 : vector<16xf32>
      %mul3A_1850 = arith.mulf %mul3A_1841, %sub3A_1849 : vector<16xf32>
      %mul3A_1851 = arith.constant 5.000000e-01 : f32
      %mul3A_1852 = vector.broadcast %mul3A_1851 : f32 to vector<16xf32>
      %mul3A_1853 = arith.mulf %mul3A_1852, %max3A_1824 : vector<16xf32>
      %mul3A_1854 = arith.mulf %mul3A_1853, %mul3A_1850 : vector<16xf32>
      %mul3A_1855 = arith.mulf %mul3A_1854, %mul3A_1850 : vector<16xf32>
      %sub3A_1856 = arith.constant 1.500000e+00 : f32
      %sub3A_1857 = vector.broadcast %sub3A_1856 : f32 to vector<16xf32>
      %sub3A_1858 = arith.subf %sub3A_1857, %mul3A_1855 : vector<16xf32>
      %mul3A_1859 = arith.mulf %mul3A_1850, %sub3A_1858 : vector<16xf32>
      %mul3A_1860 = arith.mulf %add3A_1783, %mul3A_1821 : vector<16xf32>
      %mul3A_1861 = arith.mulf %mul3A_1860, %mul3A_1859 : vector<16xf32>
      %lt3A_1862 = arith.constant 8 : i32
      %lt3A_1863 = vector.broadcast %lt3A_1862 : i32 to vector<16xi32>
      %lt3A_1864 = arith.cmpi slt, %iota3A, %lt3A_1863 : vector<16xi32>
      %get3A_1865 = arith.index_cast %add3A_1382 : i32 to index
      %get3A_1866 = tpu.vector_load %arg15[%get3A_1865] {strides = array<i32>} : memref<528xf32, #tpu.memory_space<vmem>>, vector<16xf32>,
      %mul3A_1867 = arith.constant 4.000000e+00 : f32
      %mul3A_1868 = vector.broadcast %mul3A_1867 : f32 to vector<16xf32>
      %mul3A_1869 = arith.mulf %mul3A_1861, %mul3A_1868 : vector<16xf32>
      %add3A_1870 = arith.constant 1.000000e+00 : f32
      %add3A_1871 = vector.broadcast %add3A_1870 : f32 to vector<16xf32>
      %add3A_1872 = arith.addf %mul3A_1869, %add3A_1871 : vector<16xf32>
      %select_n3A_1873 = arith.select %lt3A_1864, %add3A_1872, %get3A_1866 : vector<16xi1>, vector<16xf32>
      %swap3A_1874 = arith.index_cast %add3A_1382 : i32 to index
      %swap3A_1875 = tpu.vector_load %arg15[%swap3A_1874] {strides = array<i32>} : memref<528xf32, #tpu.memory_space<vmem>>, vector<16xf32>,
      tpu.vector_store %arg15[%swap3A_1874], %select_n3A_1873 {strides = array<i32>} : memref<528xf32, #tpu.memory_space<vmem>>, vector<16xf32>,
      %get3A_1876 = arith.index_cast %add3A_1382 : i32 to index
      %get3A_1877 = tpu.vector_load %arg14[%get3A_1876] {strides = array<i32>} : memref<528xf32, #tpu.memory_space<vmem>>, vector<16xf32>,
      %sub3A_1878 = arith.constant 1.000000e+00 : f32
      %sub3A_1879 = vector.broadcast %sub3A_1878 : f32 to vector<16xf32>
      %sub3A_1880 = arith.subf %get3A_1877, %sub3A_1879 : vector<16xf32>
      %mul3A_1881 = arith.constant 2.500000e-01 : f32
      %mul3A_1882 = vector.broadcast %mul3A_1881 : f32 to vector<16xf32>
      %mul3A_1883 = arith.mulf %sub3A_1880, %mul3A_1882 : vector<16xf32>
      %sub3A_1884 = arith.subf %mul3A_1861, %mul3A_1883 : vector<16xf32>
      %get3A_1885 = arith.constant 0 : index
      %get3A_1886 = tpu.vector_load %arg16[%get3A_1885] {strides = array<i32>} : memref<16xf32, #tpu.memory_space<vmem>>, vector<16xf32>,
      %mul3A_1887 = arith.mulf %sub3A_1884, %sub3A_1884 : vector<16xf32>
      %jit3A_1888 = arith.constant 0.000000e+00 : f32
      %broadcast_in_dim3A_1889 = vector.broadcast %jit3A_1888 : f32 to vector<16xf32>
      %select_n3A_1890 = arith.select %lt3A_1864, %mul3A_1887, %broadcast_in_dim3A_1889 : vector<16xi1>, vector<16xf32>
      %add3A_1891 = arith.addf %get3A_1886, %select_n3A_1890 : vector<16xf32>
      %swap3A_1892 = arith.constant 0 : index
      %swap3A_1893 = tpu.vector_load %arg16[%swap3A_1892] {strides = array<i32>} : memref<16xf32, #tpu.memory_space<vmem>>, vector<16xf32>,
      tpu.vector_store %arg16[%swap3A_1892], %add3A_1891 {strides = array<i32>} : memref<16xf32, #tpu.memory_space<vmem>>, vector<16xf32>,
    }
    %scan3A_270 = arith.constant 32 : i32
    %dma_wait3A = arith.constant 0 : i32
    %dma_wait3A_271 = arith.constant 0 : i32
    %dma_wait3A_272 = arith.constant 0 : i32
    %dma_wait3A_273 = tpu.memref_slice %arg12[%dma_wait3A, %dma_wait3A_271, %dma_wait3A_272] : memref<16x16x128xf32, #tpu.memory_space<vmem>> -> memref<8x16x128xf32, #tpu.memory_space<vmem>>
    %dma_wait3A_274 = arith.constant 0 : i32
    %dma_wait3A_275 = arith.constant 0 : i32
    %dma_wait3A_276 = arith.constant 0 : i32
    %dma_wait3A_277 = tpu.memref_slice %arg12[%dma_wait3A_274, %dma_wait3A_275, %dma_wait3A_276] : memref<16x16x128xf32, #tpu.memory_space<vmem>> -> memref<8x16x128xf32, #tpu.memory_space<vmem>>
    tpu.wait_dma2 semaphore(%arg17 : memref<!tpu.dma_semaphore, #tpu.memory_space<semaphore_mem>>) src(%arg7 : memref<8x16x128xf32, #tpu.memory_space<hbm>>) dst(%dma_wait3A_277 : memref<8x16x128xf32, #tpu.memory_space<vmem>>)
    %dma_wait3A_278 = arith.constant 0 : i32
    %dma_wait3A_279 = arith.constant 0 : i32
    %dma_wait3A_280 = arith.constant 0 : i32
    %dma_wait3A_281 = tpu.memref_slice %arg13[%dma_wait3A_278, %dma_wait3A_279, %dma_wait3A_280] : memref<16x16x128xf32, #tpu.memory_space<vmem>> -> memref<8x16x128xf32, #tpu.memory_space<vmem>>
    %dma_wait3A_282 = arith.constant 0 : i32
    %dma_wait3A_283 = arith.constant 0 : i32
    %dma_wait3A_284 = arith.constant 0 : i32
    %dma_wait3A_285 = tpu.memref_slice %arg13[%dma_wait3A_282, %dma_wait3A_283, %dma_wait3A_284] : memref<16x16x128xf32, #tpu.memory_space<vmem>> -> memref<8x16x128xf32, #tpu.memory_space<vmem>>
    tpu.wait_dma2 semaphore(%arg18 : memref<!tpu.dma_semaphore, #tpu.memory_space<semaphore_mem>>) src(%arg7 : memref<8x16x128xf32, #tpu.memory_space<hbm>>) dst(%dma_wait3A_285 : memref<8x16x128xf32, #tpu.memory_space<vmem>>)
    "tpu.region"() ({
      %run_scoped3A = tpu.sem_alloc : memref<!tpu.dma_semaphore, #tpu.memory_space<semaphore_mem>>
      %dma_start3A_286 = arith.constant 0 : i32
      %dma_start3A_287 = tpu.memref_slice %arg15[%dma_start3A_286] : memref<528xf32, #tpu.memory_space<vmem>> -> memref<512xf32, #tpu.memory_space<vmem>>
      %dma_start3A_288 = arith.constant 0 : i32
      %dma_start3A_289 = tpu.memref_slice %arg8[%add3A, %dma_start3A_288] : memref<32x512xf32, #tpu.memory_space<hbm>> -> memref<1x512xf32, #tpu.memory_space<hbm>>
      %dma_start3A_290 = tpu.memref_squeeze %dma_start3A_289 : memref<1x512xf32, #tpu.memory_space<hbm>> -> memref<512xf32, #tpu.memory_space<hbm>>
      %dma_start3A_291 = arith.constant 0 : i32
      %dma_start3A_292 = tpu.memref_slice %arg8[%add3A, %dma_start3A_291] : memref<32x512xf32, #tpu.memory_space<hbm>> -> memref<1x512xf32, #tpu.memory_space<hbm>>
      %dma_start3A_293 = tpu.memref_squeeze %dma_start3A_292 : memref<1x512xf32, #tpu.memory_space<hbm>> -> memref<512xf32, #tpu.memory_space<hbm>>
      %dma_start3A_294 = arith.constant 0 : i32
      %dma_start3A_295 = tpu.memref_slice %arg15[%dma_start3A_294] : memref<528xf32, #tpu.memory_space<vmem>> -> memref<512xf32, #tpu.memory_space<vmem>>
      tpu.enqueue_dma source(%dma_start3A_295 : memref<512xf32, #tpu.memory_space<vmem>>) target(%dma_start3A_293 : memref<512xf32, #tpu.memory_space<hbm>>) target_semaphore(%run_scoped3A : memref<!tpu.dma_semaphore, #tpu.memory_space<semaphore_mem>>)
      %dma_wait3A_296 = arith.constant 0 : i32
      %dma_wait3A_297 = tpu.memref_slice %arg15[%dma_wait3A_296] : memref<528xf32, #tpu.memory_space<vmem>> -> memref<512xf32, #tpu.memory_space<vmem>>
      %dma_wait3A_298 = arith.constant 0 : i32
      %dma_wait3A_299 = tpu.memref_slice %arg8[%add3A, %dma_wait3A_298] : memref<32x512xf32, #tpu.memory_space<hbm>> -> memref<1x512xf32, #tpu.memory_space<hbm>>
      %dma_wait3A_300 = tpu.memref_squeeze %dma_wait3A_299 : memref<1x512xf32, #tpu.memory_space<hbm>> -> memref<512xf32, #tpu.memory_space<hbm>>
      %dma_wait3A_301 = arith.constant 0 : i32
      %dma_wait3A_302 = tpu.memref_slice %arg8[%add3A, %dma_wait3A_301] : memref<32x512xf32, #tpu.memory_space<hbm>> -> memref<1x512xf32, #tpu.memory_space<hbm>>
      %dma_wait3A_303 = tpu.memref_squeeze %dma_wait3A_302 : memref<1x512xf32, #tpu.memory_space<hbm>> -> memref<512xf32, #tpu.memory_space<hbm>>
      %dma_wait3A_304 = arith.constant 0 : i32
      %dma_wait3A_305 = tpu.memref_slice %arg15[%dma_wait3A_304] : memref<528xf32, #tpu.memory_space<vmem>> -> memref<512xf32, #tpu.memory_space<vmem>>
      tpu.wait_dma2 semaphore(%run_scoped3A : memref<!tpu.dma_semaphore, #tpu.memory_space<semaphore_mem>>) src(%dma_wait3A_305 : memref<512xf32, #tpu.memory_space<vmem>>) dst(%dma_wait3A_303 : memref<512xf32, #tpu.memory_space<hbm>>)
      tpu.yield
    }) : () -> ()
    "tpu.region"() ({
      %run_scoped3A = tpu.sem_alloc : memref<!tpu.dma_semaphore, #tpu.memory_space<semaphore_mem>>
      %dma_start3A_286 = arith.constant 0 : i32
      %dma_start3A_287 = tpu.memref_slice %arg9[%add3A, %dma_start3A_286] : memref<32x16xf32, #tpu.memory_space<hbm>> -> memref<1x16xf32, #tpu.memory_space<hbm>>
      %dma_start3A_288 = tpu.memref_squeeze %dma_start3A_287 : memref<1x16xf32, #tpu.memory_space<hbm>> -> memref<16xf32, #tpu.memory_space<hbm>>
      %dma_start3A_289 = arith.constant 0 : i32
      %dma_start3A_290 = tpu.memref_slice %arg9[%add3A, %dma_start3A_289] : memref<32x16xf32, #tpu.memory_space<hbm>> -> memref<1x16xf32, #tpu.memory_space<hbm>>
      %dma_start3A_291 = tpu.memref_squeeze %dma_start3A_290 : memref<1x16xf32, #tpu.memory_space<hbm>> -> memref<16xf32, #tpu.memory_space<hbm>>
      tpu.enqueue_dma source(%arg16 : memref<16xf32, #tpu.memory_space<vmem>>) target(%dma_start3A_291 : memref<16xf32, #tpu.memory_space<hbm>>) target_semaphore(%run_scoped3A : memref<!tpu.dma_semaphore, #tpu.memory_space<semaphore_mem>>)
      %dma_wait3A_292 = arith.constant 0 : i32
      %dma_wait3A_293 = tpu.memref_slice %arg9[%add3A, %dma_wait3A_292] : memref<32x16xf32, #tpu.memory_space<hbm>> -> memref<1x16xf32, #tpu.memory_space<hbm>>
      %dma_wait3A_294 = tpu.memref_squeeze %dma_wait3A_293 : memref<1x16xf32, #tpu.memory_space<hbm>> -> memref<16xf32, #tpu.memory_space<hbm>>
      %dma_wait3A_295 = arith.constant 0 : i32
      %dma_wait3A_296 = tpu.memref_slice %arg9[%add3A, %dma_wait3A_295] : memref<32x16xf32, #tpu.memory_space<hbm>> -> memref<1x16xf32, #tpu.memory_space<hbm>>
      %dma_wait3A_297 = tpu.memref_squeeze %dma_wait3A_296 : memref<1x16xf32, #tpu.memory_space<hbm>> -> memref<16xf32, #tpu.memory_space<hbm>>
      tpu.wait_dma2 semaphore(%run_scoped3A : memref<!tpu.dma_semaphore, #tpu.memory_space<semaphore_mem>>) src(%arg16 : memref<16xf32, #tpu.memory_space<vmem>>) dst(%dma_wait3A_297 : memref<16xf32, #tpu.memory_space<hbm>>)
      tpu.yield
    }) : () -> ()
    return
  }
}

</mosaic_0001>

<sc_bundles>
// kernel: kernel.3.cloned.1.call-start
scs
__scs_entry_jumppad:
0x0: {  	(pc) =	sbr.rel $0x88, $3  }
0x1: {  	(tag) =	ssettag $0x0;
	lr =	simm.s32 $0x1  }
0x2: {  	[smem:$0x3F9C] =	sst lr;
	_ =	strace $0xD0000000  }
0x3: {  	_ = 	snop  }
0x4: {  	_ = 	snop  }
0x5: {  	_ = 	snop  }
0x6: {  	_ = 	snop  }
0x7: {  	_ = 	snop  }
__scs_overlays_trampoline_lowered:
0x8: {  	[smem:$0x3FAB] =	sst s0  }
0x9: {  	[smem:$0x3FAC] =	sst s1  }
0xa: {  	[smem:$0x3FAD] =	sst s2  }
0xb: {  	[smem:$0x3FAE] =	sst s3  }
0xc: {  	[smem:$0x3FAF] =	sst s4  }
0xd: {  	[smem:$0x3FB0] =	sst s5  }
0xe: {  	[smem:$0x3FB1] =	sst s6  }
0xf: {  	[smem:$0x3FB2] =	sst s7  }
0x10: {  	[smem:$0x3FB3] =	sst s8  }
0x11: {  	[smem:$0x3FB4] =	sst s9;
	s0 =	simm.s32 @!p0 $0x0  }
0x12: {  	s1 =	sld [smem:$0x3F9A];
	s0 =	simm.s32 @p0 $0x1  }
0x13: {  	[smem:$0x3FB5] =	sst s0;
	s0 =	simm.s32 @!p1 $0x0  }
0x14: {  	s2 =	sld [smem:$0x3F99];
	s0 =	simm.s32 @p1 $0x1  }
0x15: {  	[smem:$0x3FB6] =	sst s0;
	s0 =	simm.s32 @!p2 $0x0  }
0x16: {  	s3 =	sld [smem:$0x3FDB];
	s0 =	simm.s32 @p2 $0x1  }
0x17: {  	s4 =	simm.s32 $0x1BF5;
	[smem:$0x3FB8] =	sst s0  }
0x18: {  	s0 =	sld [smem:$0x3F9B];
	_ =	swait.ge [sflag:s4], $0x0  }
0x19: {  	s7 =	sld [smem:$0x3F9C]  }
0x1a: {  	s8 =	sadd.s32 $0xFFFFE003, lr  }
0x1b: {  	s9 =	sadd.s32 $0xFFFFFEF7, lr;
	s5 =	simm.s32 $0xFFFFFFFF;
	p2 =	slt.u32 s8, $0xFFFFF086  }
0x1c: {  	p1 =	slt.u32 s9, $0xF7A;
	s5 =	simm.s32 @!p2 $0x0  }
0x1d: {  	s5 =	simm.s32 @p1 $0x1;
	p0 =	seq.s32 s7, s2  }
0x1e: {  	s7 =	smul.u32 @!p0 $0xF7A, s2;
	p2 =	seq.s32 @!p0 s5, $0x0  }
0x1f: {  	s9 =	smul.u32 $0xF7A, s1;
	s8 =	simm.s32 @!p0 $0x1BF5;
	p2 =	por !p2, p0  }
0x20: {  	[sflag:s8] =	ssyncset.s32 @!p0 $0xFFFFF086;
	s6 =	sadd.s32 @!p0 s3, s7;
	s7 =	simm.s32 @!p0 $0x108  }
0x21: {  	s3 =	sadd.s32 s3, s9;
	s6 =	sadd.s32 @!p0 $0x88, s6;
	s7 =	simm.s32 @p2 $0x1082  }
0x22: {  	[simem:s7], [sflag:s8] =	dma.local @!p0 [hbm:s6], $0xF7A  }
0x23: {  	s9 =	sor.u32 $0xD0000000, s2;
	s6 =	simm.s32 $0x108;
	_ =	swait.ge @!p0 [sflag:s8], $0x0  }
0x24: {  	s3 =	sadd.s32 $0x88, s3;
	s6 =	simm.s32 @!p1 $0x1082;
	[sflag:s4] =	ssyncset.s32 $0xFFFFF086  }
0x25: {  	[simem:s6], [sflag:s4] =	dma.local [hbm:s3], $0xF7A  }
0x26: {  	[smem:$0x3F9C] =	sst s1;
	(tag) =	ssettag s2;
	_ =	strace s9  }
0x27: {  	s1 =	sld [smem:$0x3FAC]  }
0x28: {  	s2 =	sld [smem:$0x3FAD]  }
0x29: {  	s4 =	sld [smem:$0x3FAF]  }
0x2a: {  	p0 =	seq.s32 s5, $0x0;
	s5 =	sld [smem:$0x3FB0]  }
0x2b: {  	s6 =	sld [smem:$0x3FB1]  }
0x2c: {  	s7 =	sld [smem:$0x3FB2]  }
0x2d: {  	s3 =	simm.s32 $0x108;
	s8 =	sld [smem:$0x3FB3]  }
0x2e: {  	s3 =	simm.s32 @!p0 $0x1082;
	s9 =	sld [smem:$0x3FB4]  }
0x2f: {  	lr =	sadd.s32 s0, s3;
	s0 =	sld [smem:$0x3FAB]  }
0x30: {  	s3 =	sld [smem:$0x3FAE]  }
0x31: {  	[smem:$0x3FB7] =	sst s10  }
0x32: {  	s10 =	sld [smem:$0x3FB5];
	_ =	sdelay $0x3  }
0x33: {  	p0 =	seq.s32 s10, $0x1;
	s10 =	sld [smem:$0x3FB7];
	_ =	sdelay $0x3  }
0x34: {  	[smem:$0x3FB7] =	sst s10  }
0x35: {  	s10 =	sld [smem:$0x3FB6];
	_ =	sdelay $0x3  }
0x36: {  	p1 =	seq.s32 s10, $0x1;
	s10 =	sld [smem:$0x3FB7];
	_ =	sdelay $0x3  }
0x37: {  	[smem:$0x3FB7] =	sst s10  }
0x38: {  	s10 =	sld [smem:$0x3FB8]  }
0x39: {  	_ = 	snop;
	(pc) =	sbr.ind lr, $3  }
0x3a: {  	_ = 	snop  }
0x3b: {  	_ = 	snop  }
0x3c: {  	p2 =	seq.s32 s10, $0x1;
	s10 =	sld [smem:$0x3FB7]  }
0x3d: {  	_ =	shalt  }
0x3e: {  	_ =	shalt  }
0x3f: {  	_ =	shalt  }
0x40: {  	_ =	shalt  }
0x41: {  	_ =	shalt  }
0x42: {  	_ =	shalt  }
0x43: {  	_ =	shalt  }
0x44: {  	_ =	shalt  }
0x45: {  	_ =	shalt  }
0x46: {  	_ =	shalt  }
0x47: {  	_ =	shalt  }
0x48: {  	_ =	shalt  }
0x49: {  	_ =	shalt  }
0x4a: {  	_ =	shalt  }
0x4b: {  	_ =	shalt  }
0x4c: {  	_ =	shalt  }
0x4d: {  	_ =	shalt  }
0x4e: {  	_ =	shalt  }
0x4f: {  	_ =	shalt  }
0x50: {  	_ =	shalt  }
0x51: {  	_ =	shalt  }
0x52: {  	_ =	shalt  }
0x53: {  	_ =	shalt  }
0x54: {  	_ =	shalt  }
0x55: {  	_ =	shalt  }
0x56: {  	_ =	shalt  }
0x57: {  	_ =	shalt  }
0x58: {  	_ =	shalt  }
0x59: {  	_ =	shalt  }
0x5a: {  	_ =	shalt  }
0x5b: {  	_ =	shalt  }
0x5c: {  	_ =	shalt  }
0x5d: {  	_ =	shalt  }
0x5e: {  	_ =	shalt  }
0x5f: {  	_ =	shalt  }
0x60: {  	_ =	shalt  }
0x61: {  	_ =	shalt  }
0x62: {  	_ =	shalt  }
0x63: {  	_ =	shalt  }
0x64: {  	_ =	shalt  }
0x65: {  	_ =	shalt  }
0x66: {  	_ =	shalt  }
0x67: {  	_ =	shalt  }
0x68: {  	_ =	shalt  }
0x69: {  	_ =	shalt  }
0x6a: {  	_ =	shalt  }
0x6b: {  	_ =	shalt  }
0x6c: {  	_ =	shalt  }
0x6d: {  	_ =	shalt  }
0x6e: {  	_ =	shalt  }
0x6f: {  	_ =	shalt  }
0x70: {  	_ =	shalt  }
0x71: {  	_ =	shalt  }
0x72: {  	_ =	shalt  }
0x73: {  	_ =	shalt  }
0x74: {  	_ =	shalt  }
0x75: {  	_ =	shalt  }
0x76: {  	_ =	shalt  }
0x77: {  	_ =	shalt  }
0x78: {  	_ =	shalt  }
0x79: {  	_ =	shalt  }
0x7a: {  	_ =	shalt  }
0x7b: {  	_ =	shalt  }
0x7c: {  	_ =	shalt  }
0x7d: {  	_ =	shalt  }
0x7e: {  	_ =	shalt  }
0x7f: {  	_ =	shalt  }
0x80: {  	_ =	shalt  }
0x81: {  	_ =	shalt  }
0x82: {  	_ =	shalt  }
0x83: {  	_ =	shalt  }
0x84: {  	_ =	shalt  }
0x85: {  	_ =	shalt  }
0x86: {  	_ =	shalt  }
0x87: {  	_ =	shalt  }
.Lfunc_end0:
.L_simem_size_0:
called_computation_lowered:
.L_overlay_start_0:
0x88: {  	s2 =	sld [smem:$0x3FD9]  }
0x89: {  	s3 =	sld [smem:$0x3FFE];
	_ =	sdelay $0x1  }
0x8a: {  	s1 =	srdreg.scid  }
0x8b: {  	s0 =	sand.u32 $0x1, s1  }
0x8c: {  	s14 =	sshll.u32 s0, $0xA;
	s2 =	sadd.s32 s3, s2  }
0x8d: {  	s2 =	sadd.s32 s2, s14  }
0x8e: {  	[smem:$0x3FC3] =	sst s2  }
0x8f: {  	_ = 	snop  }
0x90: {  	s2 =	sld [smem:$0x3FD0];
	_ =	sdelay $0x1  }
0x91: {  	s15 =	sld [smem:$0x3FC9]  }
0x92: {  	s5 =	simm.s32 $0xA;
	s6 =	simm.s32 $0x10;
	s4 =	sld [smem:$0x3FC8]  }
0x93: {  	[smem:s6], [sflag:s5] =	dma.local [hbm:s2], $0x1  }
0x94: {  	_ =	swait.eq [sflag:s5], $0x1  }
0x95: {  	[sflag:s5] =	ssyncset.done $0x0  }
0x96: {  	[sflag:s5] =	ssyncadd.s32 $0xFFFFFFFF  }
0x97: {  	s16 =	sld [smem:$0x11];
	(tm) =	ssettm $0x1  }
0x98: {  	s17 =	sld [smem:$0x3FFB];
	_ =	sdelay $0x3  }
0x99: {  	_ =	strace s17  }
0x9a: {  	s5 =	sld [smem:$0x3FFC];
	_ =	sdelay $0x3  }
0x9b: {  	_ =	strace s5  }
0x9c: {  	s5 =	sld [smem:$0x3FFD];
	_ =	sdelay $0x3  }
0x9d: {  	_ =	strace s5  }
0x9e: {  	_ =	strace $0x8FFFFFFF  }
0x9f: {  	s18 =	sld [smem:$0x3FDB];
	_ =	sdelay $0x1  }
0xa0: {  	s19 =	simm.s32 $_scs_section_size  }
0xa1: {  	s7 =	simm.s32 $_size__tile_overlayer_lowered;
	s8 =	simm.s32 $_tile_overlayer_lowered  }
0xa2: {  	s22 =	simm.s32 $0x1BFF;
	s21 =	sshll.u32 s8, $0x1;
	s5 =	sadd.s32 s19, s18  }
0xa3: {  	s9 =	simm.s32 $0x0;
	s20 =	sshll.u32 s7, $0x1;
	s7 =	sadd.s32 s21, s5  }
0xa4: {  	[timem:s9], [sflag:s22] =	dma.local [hbm:s7], s20  }
0xa5: {  	_ =	swait.ge [sflag:s22], s20  }
0xa6: {  	s6 =	ssub.s32 $0x0, s20;
	[sflag:s22] =	ssyncset.done $0x0  }
0xa7: {  	[sflag:s22] =	ssyncadd.s32 s6;
	_ =	sdelay $0x1  }
0xa8: {  	s23 =	simm.s32 $0x1B8B  }
0xa9: {  	_ =	swait.ge [sflag:s23], $0x1  }
0xaa: {  	[sflag:s23] =	ssyncset.done $0x0  }
0xab: {  	s25 =	simm.s32 $0x1B8E;
	s24 =	sld [smem:$0x3FFE];
	[sflag:s23] =	ssyncadd.s32 $0xFFFFFFFF  }
0xac: {  	s26 =	simm.s32 $execute0_lowered;
	[smem:$0x3FD2] =	sst s25  }
0xad: {  	s7 =	sshll.u32 s26, $0x1;
	_ =	strace $0x80000046;
	[dreg:$0x1] =	wrdreg $0xFFFFFFFF  }
0xae: {  	s28 =	simm.s32 $_size_execute0_lowered;
	s5 =	sadd.s32 s5, s7;
	[dreg:$0x0] =	wrdreg $0x0  }
0xaf: {  	s7 =	sshll.u32 s28, $0x1;
	[dreg:$0x2] =	wrdreg s5  }
0xb0: {  	[dreg:$0x3] =	wrdreg s7  }
0xb1: {  	[dreg:$0x4] =	wrdreg $0xC0  }
0xb2: {  	_ =	task [dreg:s9], $0x5FFFF  }
0xb3: {  	[dreg:$0x1] =	wrdreg $0xFFFFFFFF  }
0xb4: {  	[dreg:$0x0] =	wrdreg $0x60  }
0xb5: {  	[dreg:$0x2] =	wrdreg s15  }
0xb6: {  	[dreg:$0x3] =	wrdreg s4  }
0xb7: {  	[dreg:$0x4] =	wrdreg s16  }
0xb8: {  	[dreg:$0x5] =	wrdreg s24  }
0xb9: {  	[dreg:$0x6] =	wrdreg $0x9  }
0xba: {  	_ =	task.clear_ibuf [dreg:s9], $0x7FFFF;
	_ =	strace $0x90000046  }
0xbb: {  	s29 =	simm.s32 $0x9;
	_ =	strace $0x80000048  }
0xbc: {  	_ =	swait.ge [sflag:s29], $0x1  }
0xbd: {  	[sflag:s29] =	ssyncadd.s32 $0xFFFFFFFF  }
0xbe: {  	_ =	strace $0x90000048  }
0xbf: {  	_ =	sfence  }
0xc0: {  	s30 =	sld [smem:$0x0];
	_ =	sdelay $0x2  }
0xc1: {  	s31 =	sshll.u32 s1, $0xD;
	s1 =	sshrl.u32 s1, $0x2  }
0xc2: {  	s3 =	sand.u32 $0x4000, s31;
	s1 =	sadd.s32 s1, s30  }
0xc3: {  	s0 =	sor.u32 s3, s0;
	s1 =	sshll.u32 s1, $0x11  }
0xc4: {  	s0 =	sor.u32 s1, s0  }
0xc5: {  	s0 =	sadd.s32 $0x8F2B, s0  }
0xc6: {  	[sflag:s0] =	ssyncadd.remote.s32 $0x1  }
0xc7: {  	_ =	sfence.sel $0xFFFF  }
0xc8: {  	[dreg:$0x0] =	wrdreg $0xFFFFFFFF;
	(pc) =	sbr.abs _section_cstart, $3  }
0xc9: {  	[dreg:$0x1] =	wrdreg $0xFFFFFFFF  }
0xca: {  	_ =	task.clear_ibuf [dreg:s9], $0x2FFFF;
	_ =	strace $0x9FFFFFFF  }
0xcb: {  	(tm) =	ssettm $0x7FFFFFFF  }
tec
execute0_lowered:
.L_overlay_start_1:
0x0: {  	(tag) =	ssettag $0x1  }
0x1: {  	vm15 =	vcmask $0x300  }
0x2: {  	v1 =	vimm.s32 $0x3F80;
	v2 =	vimm.s32 $0x3800;
	vm14 =	vcmask $0x704  }
0x3: {  	vm13 =	vcmask $0xB08;
	vm12 =	vcmask $0xF0C;
	vm11 =	vcmask $0x1310  }
0x4: {  	vm10 =	vcmask $0x1714;
	vm9 =	vcmask $0x1B18;
	vm8 =	vcmask $0x1F1C  }
0x5: {  	vm7 =	vcmask $0x2320;
	vm6 =	vcmask $0x2724;
	vm4 =	vcmask $0x2B28  }
0x6: {  	vm5 =	vcmask $0x2F2C;
	vm3 =	vcmask $0x3330;
	vm2 =	vcmask $0x3734  }
0x7: {  	vm1 =	vcmask $0x3B38;
	v3 =	vimm.s32 $0x3880;
	v4 =	vimm.s32 $0x3900  }
0x8: {  	v5 =	vimm.s32 $0x3980;
	v6 =	vimm.s32 $0x3A00;
	v7 =	vimm.s32 $0x3A80  }
0x9: {  	v8 =	vimm.s32 $0x3B00;
	v9 =	vimm.s32 $0x3B80;
	v10 =	vimm.s32 $0x3C00  }
0xa: {  	v11 =	vimm.s32 $0x3C80;
	v12 =	vimm.s32 $0x3D00;
	v13 =	vimm.s32 $0x3D80  }
0xb: {  	v14 =	vimm.s32 $0x3E00;
	v15 =	vimm.s32 $0x3E80;
	v16 =	vimm.s32 $0x3F00  }
0xc: {  	v17 =	vimm.s32 $0x7F80;
	v18 =	vimm.s32 $0x7800;
	v19 =	vimm.s32 $0x7880  }
0xd: {  	v20 =	vimm.s32 $0x7900;
	v21 =	vimm.s32 $0x7980;
	v22 =	vimm.s32 $0x7A00  }
0xe: {  	v23 =	vimm.s32 $0x7A80;
	v24 =	vimm.s32 $0x7B00;
	v25 =	vimm.s32 $0x7B80  }
0xf: {  	v26 =	vimm.s32 $0x7C00;
	v27 =	vimm.s32 $0x7C80;
	v28 =	vimm.s32 $0x7D00  }
0x10: {  	v29 =	vimm.s32 $0x7D80;
	v30 =	vimm.s32 $0x7E00;
	v31 =	vimm.s32 $0x7E80  }
0x11: {  	v32 =	vimm.s32 $0x7F00;
	v1 =	vsel vm15, $0x0, v1;
	v2 =	vsel vm15, $0x80, v2  }
0x12: {  	v3 =	vsel vm15, $0x100, v3;
	v4 =	vsel vm15, $0x180, v4;
	v5 =	vsel vm15, $0x200, v5  }
0x13: {  	v6 =	vsel vm15, $0x280, v6;
	v7 =	vsel vm15, $0x300, v7;
	v8 =	vsel vm15, $0x380, v8  }
0x14: {  	v9 =	vsel vm15, $0x400, v9;
	v10 =	vsel vm15, $0x480, v10;
	v11 =	vsel vm15, $0x500, v11  }
0x15: {  	v12 =	vsel vm15, $0x580, v12;
	v13 =	vsel vm15, $0x600, v13;
	v14 =	vsel vm15, $0x680, v14  }
0x16: {  	v15 =	vsel vm15, $0x700, v15;
	v16 =	vsel vm15, $0x780, v16;
	v17 =	vsel vm15, $0x4000, v17  }
0x17: {  	v18 =	vsel vm15, $0x4080, v18;
	v19 =	vsel vm15, $0x4100, v19;
	v20 =	vsel vm15, $0x4180, v20  }
0x18: {  	v21 =	vsel vm15, $0x4200, v21;
	v22 =	vsel vm15, $0x4280, v22;
	v23 =	vsel vm15, $0x4300, v23  }
0x19: {  	v24 =	vsel vm15, $0x4380, v24;
	v25 =	vsel vm15, $0x4400, v25;
	v26 =	vsel vm15, $0x4480, v26  }
0x1a: {  	v27 =	vsel vm15, $0x4500, v27;
	v28 =	vsel vm15, $0x4580, v28;
	v29 =	vsel vm15, $0x4600, v29  }
0x1b: {  	v30 =	vsel vm15, $0x4680, v30;
	v31 =	vsel vm15, $0x4700, v31;
	v32 =	vsel vm15, $0x4780, v32  }
0x1c: {  	v1 =	vsel vm14, $0x880, v1;
	v2 =	vsel vm14, $0x900, v2;
	v3 =	vsel vm14, $0x980, v3  }
0x1d: {  	v4 =	vsel vm14, $0xA00, v4;
	v5 =	vsel vm14, $0xA80, v5;
	v6 =	vsel vm14, $0xB00, v6  }
0x1e: {  	v7 =	vsel vm14, $0xB80, v7;
	v8 =	vsel vm14, $0xC00, v8;
	v9 =	vsel vm14, $0xC80, v9  }
0x1f: {  	v10 =	vsel vm14, $0xD00, v10;
	v11 =	vsel vm14, $0xD80, v11;
	v12 =	vsel vm14, $0xE00, v12  }
0x20: {  	v13 =	vsel vm14, $0xE80, v13;
	v14 =	vsel vm14, $0xF00, v14;
	v15 =	vsel vm14, $0xF80, v15  }
0x21: {  	v16 =	vsel vm14, $0x800, v16;
	v17 =	vsel vm14, $0x4880, v17;
	v18 =	vsel vm14, $0x4900, v18  }
0x22: {  	v19 =	vsel vm14, $0x4980, v19;
	v20 =	vsel vm14, $0x4A00, v20;
	v21 =	vsel vm14, $0x4A80, v21  }
0x23: {  	v22 =	vsel vm14, $0x4B00, v22;
	v23 =	vsel vm14, $0x4B80, v23;
	v24 =	vsel vm14, $0x4C00, v24  }
0x24: {  	v25 =	vsel vm14, $0x4C80, v25;
	v26 =	vsel vm14, $0x4D00, v26;
	v27 =	vsel vm14, $0x4D80, v27  }
0x25: {  	v28 =	vsel vm14, $0x4E00, v28;
	v29 =	vsel vm14, $0x4E80, v29;
	v30 =	vsel vm14, $0x4F00, v30  }
0x26: {  	v31 =	vsel vm14, $0x4F80, v31;
	v32 =	vsel vm14, $0x4800, v32;
	v1 =	vsel vm13, $0x1100, v1  }
0x27: {  	v2 =	vsel vm13, $0x1180, v2;
	v3 =	vsel vm13, $0x1200, v3;
	v4 =	vsel vm13, $0x1280, v4  }
0x28: {  	v5 =	vsel vm13, $0x1300, v5;
	v6 =	vsel vm13, $0x1380, v6;
	v7 =	vsel vm13, $0x1400, v7  }
0x29: {  	v8 =	vsel vm13, $0x1480, v8;
	v9 =	vsel vm13, $0x1500, v9;
	v10 =	vsel vm13, $0x1580, v10  }
0x2a: {  	v11 =	vsel vm13, $0x1600, v11;
	v12 =	vsel vm13, $0x1680, v12;
	v13 =	vsel vm13, $0x1700, v13  }
0x2b: {  	v14 =	vsel vm13, $0x1780, v14;
	v15 =	vsel vm13, $0x1000, v15;
	v16 =	vsel vm13, $0x1080, v16  }
0x2c: {  	v17 =	vsel vm13, $0x5100, v17;
	v18 =	vsel vm13, $0x5180, v18;
	v19 =	vsel vm13, $0x5200, v19  }
0x2d: {  	v20 =	vsel vm13, $0x5280, v20;
	v21 =	vsel vm13, $0x5300, v21;
	v22 =	vsel vm13, $0x5380, v22  }
0x2e: {  	v23 =	vsel vm13, $0x5400, v23;
	v24 =	vsel vm13, $0x5480, v24;
	v25 =	vsel vm13, $0x5500, v25  }
0x2f: {  	v26 =	vsel vm13, $0x5580, v26;
	v27 =	vsel vm13, $0x5600, v27;
	v28 =	vsel vm13, $0x5680, v28  }
0x30: {  	v29 =	vsel vm13, $0x5700, v29;
	v30 =	vsel vm13, $0x5780, v30;
	v31 =	vsel vm13, $0x5000, v31  }
0x31: {  	v32 =	vsel vm13, $0x5080, v32;
	v1 =	vsel vm12, $0x1980, v1;
	v2 =	vsel vm12, $0x1A00, v2  }
0x32: {  	v3 =	vsel vm12, $0x1A80, v3;
	v4 =	vsel vm12, $0x1B00, v4;
	v5 =	vsel vm12, $0x1B80, v5  }
0x33: {  	v6 =	vsel vm12, $0x1C00, v6;
	v7 =	vsel vm12, $0x1C80, v7;
	v8 =	vsel vm12, $0x1D00, v8  }
0x34: {  	v9 =	vsel vm12, $0x1D80, v9;
	v10 =	vsel vm12, $0x1E00, v10;
	v11 =	vsel vm12, $0x1E80, v11  }
0x35: {  	v12 =	vsel vm12, $0x1F00, v12;
	v13 =	vsel vm12, $0x1F80, v13;
	v14 =	vsel vm12, $0x1800, v14  }
0x36: {  	v15 =	vsel vm12, $0x1880, v15;
	v16 =	vsel vm12, $0x1900, v16;
	v17 =	vsel vm12, $0x5980, v17  }
0x37: {  	v18 =	vsel vm12, $0x5A00, v18;
	v19 =	vsel vm12, $0x5A80, v19;
	v20 =	vsel vm12, $0x5B00, v20  }
0x38: {  	v21 =	vsel vm12, $0x5B80, v21;
	v22 =	vsel vm12, $0x5C00, v22;
	v23 =	vsel vm12, $0x5C80, v23  }
0x39: {  	v24 =	vsel vm12, $0x5D00, v24;
	v25 =	vsel vm12, $0x5D80, v25;
	v26 =	vsel vm12, $0x5E00, v26  }
0x3a: {  	v27 =	vsel vm12, $0x5E80, v27;
	v28 =	vsel vm12, $0x5F00, v28;
	v29 =	vsel vm12, $0x5F80, v29  }
0x3b: {  	v30 =	vsel vm12, $0x5800, v30;
	v31 =	vsel vm12, $0x5880, v31;
	v32 =	vsel vm12, $0x5900, v32  }
0x3c: {  	v1 =	vsel vm11, $0x2200, v1;
	v2 =	vsel vm11, $0x2280, v2;
	v3 =	vsel vm11, $0x2300, v3  }
0x3d: {  	v4 =	vsel vm11, $0x2380, v4;
	v5 =	vsel vm11, $0x2400, v5;
	v6 =	vsel vm11, $0x2480, v6  }
0x3e: {  	v7 =	vsel vm11, $0x2500, v7;
	v8 =	vsel vm11, $0x2580, v8;
	v9 =	vsel vm11, $0x2600, v9  }
0x3f: {  	v10 =	vsel vm11, $0x2680, v10;
	v11 =	vsel vm11, $0x2700, v11;
	v12 =	vsel vm11, $0x2780, v12  }
0x40: {  	v13 =	vsel vm11, $0x2000, v13;
	v14 =	vsel vm11, $0x2080, v14;
	v15 =	vsel vm11, $0x2100, v15  }
0x41: {  	v16 =	vsel vm11, $0x2180, v16;
	v17 =	vsel vm11, $0x6200, v17;
	v18 =	vsel vm11, $0x6280, v18  }
0x42: {  	v19 =	vsel vm11, $0x6300, v19;
	v20 =	vsel vm11, $0x6380, v20;
	v21 =	vsel vm11, $0x6400, v21  }
0x43: {  	v22 =	vsel vm11, $0x6480, v22;
	v23 =	vsel vm11, $0x6500, v23;
	v24 =	vsel vm11, $0x6580, v24  }
0x44: {  	v25 =	vsel vm11, $0x6600, v25;
	v26 =	vsel vm11, $0x6680, v26;
	v27 =	vsel vm11, $0x6700, v27  }
0x45: {  	v28 =	vsel vm11, $0x6780, v28;
	v29 =	vsel vm11, $0x6000, v29;
	v30 =	vsel vm11, $0x6080, v30  }
0x46: {  	v31 =	vsel vm11, $0x6100, v31;
	v32 =	vsel vm11, $0x6180, v32;
	v1 =	vsel vm10, $0x2A80, v1  }
0x47: {  	v2 =	vsel vm10, $0x2B00, v2;
	v3 =	vsel vm10, $0x2B80, v3;
	v4 =	vsel vm10, $0x2C00, v4  }
0x48: {  	v5 =	vsel vm10, $0x2C80, v5;
	v6 =	vsel vm10, $0x2D00, v6;
	v7 =	vsel vm10, $0x2D80, v7  }
0x49: {  	v8 =	vsel vm10, $0x2E00, v8;
	v9 =	vsel vm10, $0x2E80, v9;
	v10 =	vsel vm10, $0x2F00, v10  }
0x4a: {  	v11 =	vsel vm10, $0x2F80, v11;
	v12 =	vsel vm10, $0x2800, v12;
	v13 =	vsel vm10, $0x2880, v13  }
0x4b: {  	v14 =	vsel vm10, $0x2900, v14;
	v15 =	vsel vm10, $0x2980, v15;
	v16 =	vsel vm10, $0x2A00, v16  }
0x4c: {  	v17 =	vsel vm10, $0x6A80, v17;
	v18 =	vsel vm10, $0x6B00, v18;
	v19 =	vsel vm10, $0x6B80, v19  }
0x4d: {  	v20 =	vsel vm10, $0x6C00, v20;
	v21 =	vsel vm10, $0x6C80, v21;
	v22 =	vsel vm10, $0x6D00, v22  }
0x4e: {  	v23 =	vsel vm10, $0x6D80, v23;
	v24 =	vsel vm10, $0x6E00, v24;
	v25 =	vsel vm10, $0x6E80, v25  }
0x4f: {  	v26 =	vsel vm10, $0x6F00, v26;
	v27 =	vsel vm10, $0x6F80, v27;
	v28 =	vsel vm10, $0x6800, v28  }
0x50: {  	v29 =	vsel vm10, $0x6880, v29;
	v30 =	vsel vm10, $0x6900, v30;
	v31 =	vsel vm10, $0x6980, v31  }
0x51: {  	v32 =	vsel vm10, $0x6A00, v32;
	v1 =	vsel vm9, $0x3300, v1;
	v2 =	vsel vm9, $0x3380, v2  }
0x52: {  	v3 =	vsel vm9, $0x3400, v3;
	v4 =	vsel vm9, $0x3480, v4;
	v5 =	vsel vm9, $0x3500, v5  }
0x53: {  	v6 =	vsel vm9, $0x3580, v6;
	v7 =	vsel vm9, $0x3600, v7;
	v8 =	vsel vm9, $0x3680, v8  }
0x54: {  	v9 =	vsel vm9, $0x3700, v9;
	v10 =	vsel vm9, $0x3780, v10;
	v11 =	vsel vm9, $0x3000, v11  }
0x55: {  	v12 =	vsel vm9, $0x3080, v12;
	v13 =	vsel vm9, $0x3100, v13;
	v14 =	vsel vm9, $0x3180, v14  }
0x56: {  	v15 =	vsel vm9, $0x3200, v15;
	v16 =	vsel vm9, $0x3280, v16;
	v17 =	vsel vm9, $0x7300, v17  }
0x57: {  	v18 =	vsel vm9, $0x7380, v18;
	v19 =	vsel vm9, $0x7400, v19;
	v20 =	vsel vm9, $0x7480, v20  }
0x58: {  	v21 =	vsel vm9, $0x7500, v21;
	v22 =	vsel vm9, $0x7580, v22;
	v23 =	vsel vm9, $0x7600, v23  }
0x59: {  	v24 =	vsel vm9, $0x7680, v24;
	v25 =	vsel vm9, $0x7700, v25;
	v26 =	vsel vm9, $0x7780, v26  }
0x5a: {  	v27 =	vsel vm9, $0x7000, v27;
	v28 =	vsel vm9, $0x7080, v28;
	v29 =	vsel vm9, $0x7100, v29  }
0x5b: {  	v30 =	vsel vm9, $0x7180, v30;
	v31 =	vsel vm9, $0x7200, v31;
	v32 =	vsel vm9, $0x7280, v32  }
0x5c: {  	v1 =	vsel vm8, $0x3B80, v1;
	v2 =	vsel vm8, $0x3C00, v2;
	v3 =	vsel vm8, $0x3C80, v3  }
0x5d: {  	v4 =	vsel vm8, $0x3D00, v4;
	v5 =	vsel vm8, $0x3D80, v5;
	v6 =	vsel vm8, $0x3E00, v6  }
0x5e: {  	v7 =	vsel vm8, $0x3E80, v7;
	v8 =	vsel vm8, $0x3F00, v8;
	v9 =	vsel vm8, $0x3F80, v9  }
0x5f: {  	v10 =	vsel vm8, $0x3800, v10;
	v11 =	vsel vm8, $0x3880, v11;
	v12 =	vsel vm8, $0x3900, v12  }
0x60: {  	v13 =	vsel vm8, $0x3980, v13;
	v14 =	vsel vm8, $0x3A00, v14;
	v15 =	vsel vm8, $0x3A80, v15  }
0x61: {  	v16 =	vsel vm8, $0x3B00, v16;
	v17 =	vsel vm8, $0x7B80, v17;
	v18 =	vsel vm8, $0x7C00, v18  }
0x62: {  	v19 =	vsel vm8, $0x7C80, v19;
	v20 =	vsel vm8, $0x7D00, v20;
	v21 =	vsel vm8, $0x7D80, v21  }
0x63: {  	v22 =	vsel vm8, $0x7E00, v22;
	v23 =	vsel vm8, $0x7E80, v23;
	v24 =	vsel vm8, $0x7F00, v24  }
0x64: {  	v25 =	vsel vm8, $0x7F80, v25;
	v26 =	vsel vm8, $0x7800, v26;
	v27 =	vsel vm8, $0x7880, v27  }
0x65: {  	v28 =	vsel vm8, $0x7900, v28;
	v29 =	vsel vm8, $0x7980, v29;
	v30 =	vsel vm8, $0x7A00, v30  }
0x66: {  	v31 =	vsel vm8, $0x7A80, v31;
	v32 =	vsel vm8, $0x7B00, v32;
	v1 =	vsel vm7, $0x400, v1  }
0x67: {  	v2 =	vsel vm7, $0x480, v2;
	v3 =	vsel vm7, $0x500, v3;
	v4 =	vsel vm7, $0x580, v4  }
0x68: {  	v5 =	vsel vm7, $0x600, v5;
	v6 =	vsel vm7, $0x680, v6;
	v7 =	vsel vm7, $0x700, v7  }
0x69: {  	v8 =	vsel vm7, $0x780, v8;
	v9 =	vsel vm7, $0x0, v9;
	v10 =	vsel vm7, $0x80, v10  }
0x6a: {  	v11 =	vsel vm7, $0x100, v11;
	v12 =	vsel vm7, $0x180, v12;
	v13 =	vsel vm7, $0x200, v13  }
0x6b: {  	v14 =	vsel vm7, $0x280, v14;
	v15 =	vsel vm7, $0x300, v15;
	v16 =	vsel vm7, $0x380, v16  }
0x6c: {  	v17 =	vsel vm7, $0x4400, v17;
	v18 =	vsel vm7, $0x4480, v18;
	v19 =	vsel vm7, $0x4500, v19  }
0x6d: {  	v20 =	vsel vm7, $0x4580, v20;
	v21 =	vsel vm7, $0x4600, v21;
	v22 =	vsel vm7, $0x4680, v22  }
0x6e: {  	v23 =	vsel vm7, $0x4700, v23;
	v24 =	vsel vm7, $0x4780, v24;
	v25 =	vsel vm7, $0x4000, v25  }
0x6f: {  	v26 =	vsel vm7, $0x4080, v26;
	v27 =	vsel vm7, $0x4100, v27;
	v28 =	vsel vm7, $0x4180, v28  }
0x70: {  	v29 =	vsel vm7, $0x4200, v29;
	v30 =	vsel vm7, $0x4280, v30;
	v31 =	vsel vm7, $0x4300, v31  }
0x71: {  	v32 =	vsel vm7, $0x4380, v32;
	v1 =	vsel vm6, $0xC80, v1;
	v2 =	vsel vm6, $0xD00, v2  }
0x72: {  	v3 =	vsel vm6, $0xD80, v3;
	v4 =	vsel vm6, $0xE00, v4;
	v5 =	vsel vm6, $0xE80, v5  }
0x73: {  	v6 =	vsel vm6, $0xF00, v6;
	v7 =	vsel vm6, $0xF80, v7;
	v8 =	vsel vm6, $0x800, v8  }
0x74: {  	v9 =	vsel vm6, $0x880, v9;
	v10 =	vsel vm6, $0x900, v10;
	v11 =	vsel vm6, $0x980, v11  }
0x75: {  	v12 =	vsel vm6, $0xA00, v12;
	v13 =	vsel vm6, $0xA80, v13;
	v14 =	vsel vm6, $0xB00, v14  }
0x76: {  	v15 =	vsel vm6, $0xB80, v15;
	v16 =	vsel vm6, $0xC00, v16;
	v17 =	vsel vm6, $0x4C80, v17  }
0x77: {  	v18 =	vsel vm6, $0x4D00, v18;
	v19 =	vsel vm6, $0x4D80, v19;
	v20 =	vsel vm6, $0x4E00, v20  }
0x78: {  	v21 =	vsel vm6, $0x4E80, v21;
	v22 =	vsel vm6, $0x4F00, v22;
	v23 =	vsel vm6, $0x4F80, v23  }
0x79: {  	v24 =	vsel vm6, $0x4800, v24;
	v25 =	vsel vm6, $0x4880, v25;
	v26 =	vsel vm6, $0x4900, v26  }
0x7a: {  	v27 =	vsel vm6, $0x4980, v27;
	v28 =	vsel vm6, $0x4A00, v28;
	v29 =	vsel vm6, $0x4A80, v29  }
0x7b: {  	v30 =	vsel vm6, $0x4B00, v30;
	v31 =	vsel vm6, $0x4B80, v31;
	v32 =	vsel vm6, $0x4C00, v32  }
0x7c: {  	v1 =	vsel vm4, $0x1500, v1;
	v2 =	vsel vm4, $0x1580, v2;
	v3 =	vsel vm4, $0x1600, v3  }
0x7d: {  	v4 =	vsel vm4, $0x1680, v4;
	v5 =	vsel vm4, $0x1700, v5;
	v6 =	vsel vm4, $0x1780, v6  }
0x7e: {  	v7 =	vsel vm4, $0x1000, v7;
	v8 =	vsel vm4, $0x1080, v8;
	v9 =	vsel vm4, $0x1100, v9  }
0x7f: {  	v10 =	vsel vm4, $0x1180, v10;
	v11 =	vsel vm4, $0x1200, v11;
	v12 =	vsel vm4, $0x1280, v12  }
0x80: {  	v13 =	vsel vm4, $0x1300, v13;
	v14 =	vsel vm4, $0x1380, v14;
	v15 =	vsel vm4, $0x1400, v15  }
0x81: {  	v16 =	vsel vm4, $0x1480, v16;
	v17 =	vsel vm4, $0x5500, v17;
	v18 =	vsel vm4, $0x5580, v18  }
0x82: {  	v19 =	vsel vm4, $0x5600, v19;
	v20 =	vsel vm4, $0x5680, v20;
	v21 =	vsel vm4, $0x5700, v21  }
0x83: {  	v22 =	vsel vm4, $0x5780, v22;
	v23 =	vsel vm4, $0x5000, v23;
	v24 =	vsel vm4, $0x5080, v24  }
0x84: {  	v25 =	vsel vm4, $0x5100, v25;
	v26 =	vsel vm4, $0x5180, v26;
	v27 =	vsel vm4, $0x5200, v27  }
0x85: {  	v28 =	vsel vm4, $0x5280, v28;
	v29 =	vsel vm4, $0x5300, v29;
	v30 =	vsel vm4, $0x5380, v30  }
0x86: {  	v31 =	vsel vm4, $0x5400, v31;
	v32 =	vsel vm4, $0x5480, v32;
	v1 =	vsel vm5, $0x1D80, v1  }
0x87: {  	v2 =	vsel vm5, $0x1E00, v2;
	v3 =	vsel vm5, $0x1E80, v3;
	v4 =	vsel vm5, $0x1F00, v4  }
0x88: {  	v5 =	vsel vm5, $0x1F80, v5;
	v6 =	vsel vm5, $0x1800, v6;
	v7 =	vsel vm5, $0x1880, v7  }
0x89: {  	v8 =	vsel vm5, $0x1900, v8;
	v9 =	vsel vm5, $0x1980, v9;
	v10 =	vsel vm5, $0x1A00, v10  }
0x8a: {  	v11 =	vsel vm5, $0x1A80, v11;
	v12 =	vsel vm5, $0x1B00, v12;
	v17 =	vsel vm5, $0x5D80, v17  }
0x8b: {  	v18 =	vsel vm5, $0x5E00, v18;
	v19 =	vsel vm5, $0x5E80, v19;
	v20 =	vsel vm5, $0x5F00, v20  }
0x8c: {  	v21 =	vsel vm5, $0x5F80, v21;
	v22 =	vsel vm5, $0x5800, v22;
	v23 =	vsel vm5, $0x5880, v23  }
0x8d: {  	v24 =	vsel vm5, $0x5900, v24;
	v25 =	vsel vm5, $0x5980, v25;
	v17 =	vsel vm3, $0x6600, v17  }
0x8e: {  	v26 =	vsel vm5, $0x5A00, v26;
	v18 =	vsel vm3, $0x6680, v18;
	v17 =	vsel vm2, $0x6E80, v17  }
0x8f: {  	v19 =	vsel vm3, $0x6700, v19;
	v18 =	vsel vm2, $0x6F00, v18;
	v0 =	vsel vm1, $0x7700, v17  }
0x90: {  	v20 =	vsel vm3, $0x6780, v20;
	v19 =	vsel vm2, $0x6F80, v19;
	[tilespmem:$0x1FF00] =	vst v0;
	v0 =	vsel vm1, $0x7780, v18  }
0x91: {  	v21 =	vsel vm3, $0x6000, v21;
	v20 =	vsel vm2, $0x6800, v20;
	[tilespmem:$0x1FF10] =	vst v0;
	v0 =	vsel vm1, $0x7000, v19  }
0x92: {  	s4 =	srdreg.scid;
	s6 =	stileid.u32;
	v22 =	vsel vm3, $0x6080, v22;
	v21 =	vsel vm2, $0x6880, v21;
	[tilespmem:$0x1FF20] =	vst v0;
	v0 =	vsel vm1, $0x7080, v20  }
0x93: {  	s0 =	rddreg [dreg:$0x0];
	s4 =	sand.u32 $0x1, s4;
	s5 =	sshll.u32 s6, $0x8;
	v23 =	vsel vm3, $0x6100, v23;
	v22 =	vsel vm2, $0x6900, v22;
	[tilespmem:$0x1FF30] =	vst v0;
	v0 =	vsel vm1, $0x7100, v21  }
0x94: {  	s6 =	sshrl.u32 s6, $0x2;
	s7 =	sshll.u32 s4, $0x7;
	s5 =	sand.u32 $0x300, s5;
	v24 =	vsel vm3, $0x6180, v24;
	v23 =	vsel vm2, $0x6980, v23;
	[tilespmem:$0x1FF40] =	vst v0;
	v0 =	vsel vm1, $0x7180, v22  }
0x95: {  	s1 =	rddreg [dreg:$0x1];
	s22 =	sshll.u32 s6, $0xC;
	s5 =	sor.u32 s7, s5;
	v25 =	vsel vm3, $0x6200, v25;
	v24 =	vsel vm2, $0x6A00, v24;
	[tilespmem:$0x1FF50] =	vst v0;
	v0 =	vsel vm1, $0x7200, v23  }
0x96: {  	s2 =	rddreg [dreg:$0x2];
	s7 =	sor.u32 s22, s5;
	v26 =	vsel vm3, $0x6280, v26;
	v25 =	vsel vm2, $0x6A80, v25;
	[tilespmem:$0x1FF60] =	vst v0;
	v0 =	vsel vm1, $0x7280, v24  }
0x97: {  	s3 =	rddreg [dreg:$0x3];
	s8 =	simm.s32 $0x0;
	s23 =	sshrl.u32 s7, $0x3;
	v13 =	vsel vm5, $0x1B80, v13;
	v26 =	vsel vm2, $0x6B00, v26;
	[tilespmem:$0x1FF70] =	vst v0;
	v0 =	vsel vm1, $0x7300, v25  }
0x98: {  	[smem:$0x7FF] =	sst s8;
	s6 =	sshll.u32 s6, $0xA;
	s7 =	sadd.s32 s23, s3;
	v14 =	vsel vm5, $0x1C00, v14;
	v15 =	vsel vm5, $0x1C80, v15;
	[tilespmem:$0x1FF80] =	vst v0;
	v0 =	vsel vm1, $0x7380, v26  }
0x99: {  	s4 =	ssub.s32 $0x2, s4;
	s5 =	sor.u32 s6, s5;
	s25 =	sadd.s32 $0x400, s7;
	v16 =	vsel vm5, $0x1D00, v16;
	v27 =	vsel vm5, $0x5A80, v27;
	v28 =	vsel vm5, $0x5B00, v28;
	[tilespmem:$0x1FF90] =	vst v0  }
0x9a: {  	s26 =	sadd.s32 $0xC00, s7;
	v29 =	vsel vm5, $0x5B80, v29;
	v30 =	vsel vm5, $0x5C00, v30;
	v31 =	vsel vm5, $0x5C80, v31;
	_ =	strace $0x80000047;
	[dreg:$0x15] =	wrdreg s25  }
0x9b: {  	s5 =	sshrl.u32 s5, $0x3;
	s2 =	sadd.s32 s2, s23;
	v32 =	vsel vm5, $0x5D00, v32;
	v1 =	vsel vm3, $0x2600, v1;
	v2 =	vsel vm3, $0x2680, v2;
	[dreg:$0x16] =	wrdreg s26  }
0x9c: {  	s3 =	sadd.s32 s5, s3;
	s9 =	sadd.s32 $0x1E00, s7;
	v3 =	vsel vm3, $0x2700, v3;
	v4 =	vsel vm3, $0x2780, v4;
	v5 =	vsel vm3, $0x2000, v5;
	[dreg:$0x17] =	wrdreg s2  }
0x9d: {  	s24 =	sshrl.u32 s4, $0x1;
	s3 =	sadd.s32 $0x1C00, s3;
	v6 =	vsel vm3, $0x2080, v6;
	v7 =	vsel vm3, $0x2100, v7;
	v8 =	vsel vm3, $0x2180, v8;
	[dreg:$0x18] =	wrdreg s9  }
0x9e: {  	s10 =	simm.s32 $0x4500;
	s4 =	ssub.s32 s4, s24;
	v9 =	vsel vm3, $0x2200, v9;
	v10 =	vsel vm3, $0x2280, v10;
	v11 =	vsel vm3, $0x2300, v11;
	[dreg:$0x19] =	wrdreg s3  }
0x9f: {  	s12 =	smax.u32 s4, $0x1;
	v12 =	vsel vm3, $0x2380, v12;
	v13 =	vsel vm3, $0x2400, v13;
	v14 =	vsel vm3, $0x2480, v14;
	[dreg:$0x5] =	wrdreg s10  }
0xa0: {  	s11 =	simm.s32 $0xC500;
	s13 =	simm.s32 $0x4D00;
	v15 =	vsel vm3, $0x2500, v15;
	v16 =	vsel vm3, $0x2580, v16;
	v27 =	vsel vm3, $0x6300, v27;
	[dreg:$0x1a] =	wrdreg s12  }
0xa1: {  	s14 =	simm.s32 $0xCD00;
	s15 =	simm.s32 $0x5500;
	v28 =	vsel vm3, $0x6380, v28;
	v29 =	vsel vm3, $0x6400, v29;
	v30 =	vsel vm3, $0x6480, v30;
	[dreg:$0x6] =	wrdreg s11  }
0xa2: {  	s16 =	simm.s32 $0xD500;
	s17 =	simm.s32 $0x5D00;
	v31 =	vsel vm3, $0x6500, v31;
	v32 =	vsel vm3, $0x6580, v32;
	v1 =	vsel vm2, $0x2E80, v1;
	[dreg:$0x7] =	wrdreg s13  }
0xa3: {  	s18 =	simm.s32 $0xDD00;
	s19 =	simm.s32 $0x6500;
	v2 =	vsel vm2, $0x2F00, v2;
	v3 =	vsel vm2, $0x2F80, v3;
	v4 =	vsel vm2, $0x2800, v4;
	[dreg:$0x8] =	wrdreg s14  }
0xa4: {  	s20 =	simm.s32 $0xE500;
	s21 =	simm.s32 $0x6D00;
	v5 =	vsel vm2, $0x2880, v5;
	v6 =	vsel vm2, $0x2900, v6;
	v7 =	vsel vm2, $0x2980, v7;
	[dreg:$0x9] =	wrdreg s15  }
0xa5: {  	s28 =	simm.s32 $0x2D00;
	s29 =	simm.s32 $0xAD00;
	v8 =	vsel vm2, $0x2A00, v8;
	v9 =	vsel vm2, $0x2A80, v9;
	v10 =	vsel vm2, $0x2B00, v10;
	[dreg:$0xa] =	wrdreg s16  }
0xa6: {  	s30 =	simm.s32 $0x3500;
	s31 =	simm.s32 $0xB500;
	v11 =	vsel vm2, $0x2B80, v11;
	v12 =	vsel vm2, $0x2C00, v12;
	v13 =	vsel vm2, $0x2C80, v13;
	[dreg:$0xb] =	wrdreg s17  }
0xa7: {  	s6 =	simm.s32 $0x80;
	s22 =	simm.s32 $0xED00;
	v14 =	vsel vm2, $0x2D00, v14;
	v15 =	vsel vm2, $0x2D80, v15;
	v16 =	vsel vm2, $0x2E00, v16;
	[dreg:$0xc] =	wrdreg s18  }
0xa8: {  	s24 =	simm.s32 $0xF500;
	s4 =	simm.s32 $0x0;
	v27 =	vsel vm2, $0x6B80, v27;
	v28 =	vsel vm2, $0x6C00, v28;
	v29 =	vsel vm2, $0x6C80, v29;
	[dreg:$0xd] =	wrdreg s19  }
0xa9: {  	s23 =	simm.s32 $0x7500;
	s7 =	simm.s32 $0x3;
	v30 =	vsel vm2, $0x6D00, v30;
	v31 =	vsel vm2, $0x6D80, v31;
	v32 =	vsel vm2, $0x6E00, v32;
	[dreg:$0xe] =	wrdreg s20  }
0xaa: {  	v1 =	vsel vm1, $0x3700, v1;
	v2 =	vsel vm1, $0x3780, v2;
	v3 =	vsel vm1, $0x3000, v3;
	s12 =	simm.s32 $0x400;
	s16 =	simm.s32 $0x7A1400;
	[dreg:$0xf] =	wrdreg s21  }
0xab: {  	v4 =	vsel vm1, $0x3080, v4;
	v5 =	vsel vm1, $0x3100, v5;
	v0 =	vsel vm1, $0x7400, v27;
	s17 =	simm.s32 $0x500;
	s18 =	simm.s32 $0x8500;
	[dreg:$0x10] =	wrdreg s22  }
0xac: {  	v6 =	vsel vm1, $0x3180, v6;
	v7 =	vsel vm1, $0x3200, v7;
	[tilespmem:$0x1FFA0] =	vst v0;
	v0 =	vsel vm1, $0x7480, v28;
	s19 =	simm.s32 $0xD00;
	s20 =	simm.s32 $0x8D00;
	[dreg:$0x11] =	wrdreg s23  }
0xad: {  	v8 =	vsel vm1, $0x3280, v8;
	v9 =	vsel vm1, $0x3300, v9;
	s21 =	simm.s32 $0x1500;
	s22 =	simm.s32 $0x9500;
	[dreg:$0x12] =	wrdreg s24;
	[tilespmem:$0x1FFB0] =	vst v0;
	v0 =	vsel vm1, $0x7500, v29  }
0xae: {  	v10 =	vsel vm1, $0x3380, v10;
	s25 =	simm.s32 $0x7D00;
	s23 =	simm.s32 $0x1D00;
	s26 =	simm.s32 $0xFD00;
	[tilespmem:$0x1FFC0] =	vst v0;
	v0 =	vsel vm1, $0x7580, v30  }
0xaf: {  	vm0 =	vmmov $0xff;
	v11 =	vsel vm1, $0x3400, v11;
	s24 =	simm.s32 $0x9D00;
	s2 =	simm.s32 $0x3D00;
	s3 =	simm.s32 $0xBD00;
	[tilespmem:$0x1FFD0] =	vst v0;
	v0 =	vsel vm1, $0x7600, v31  }
0xb0: {  	v12 =	vsel vm1, $0x3480, v12;
	v13 =	vsel vm1, $0x3500, v13;
	s14 =	simm.s32 $0x1;
	s15 =	simm.s32 $0x2;
	[dreg:$0x13] =	wrdreg s25;
	[tilespmem:$0x1FFE0] =	vst v0;
	v0 =	vsel vm1, $0x7680, v32  }
0xb1: {  	v14 =	vsel vm1, $0x3580, v14;
	v15 =	vsel vm1, $0x3600, v15;
	v16 =	vsel vm1, $0x3680, v16;
	[dreg:$0x14] =	wrdreg s26;
	s25 =	simm.s32 $0x2500;
	s26 =	simm.s32 $0xA500;
	[tilespmem:$0x1FFF0] =	vst v0  }
.LBB2_1:
0xb2: {  	s5 =	rddreg [dreg:$0x15]  }
0xb3: {  	[tilespmem:s8], [sflag:$0x3] =	stream.strided.gather [hbm4b:s5+s6], $0x200, s12, s6, $0x38;
	[tilespmem:$0x10A80] =	vst v63  }
0xb4: {  	_ =	swait.ge [sflag:s7], $0x200  }
0xb5: {  	[sflag:s7] =	ssyncset.done $0x0  }
0xb6: {  	s13 =	simm.s32 $0x280;
	s11 =	rddreg [dreg:$0x16];
	[sflag:s7] =	ssyncadd.s32 $0xFFFFFE00  }
0xb7: {  	[tilespmem:s13], [sflag:$0x3] =	stream.strided.gather [hbm4b:s11+s6], $0x200, s12, s6, $0x38;
	[tilespmem:$0x10A80] =	vst v63  }
0xb8: {  	_ =	swait.ge [sflag:s7], $0x200  }
0xb9: {  	[sflag:s7] =	ssyncset.done $0x0  }
0xba: {  	s10 =	simm.s32 $0x10500;
	s9 =	rddreg [dreg:$0x17];
	[sflag:s7] =	ssyncadd.s32 $0xFFFFFE00  }
0xbb: {  	[tilespmem:s10], [sflag:$0x3] =	stream.strided.gather [hbm4b:s9+s6], $0x200, s12, s6, $0x38;
	[tilespmem:$0x10A80] =	vst v63  }
0xbc: {  	_ =	swait.ge [sflag:s7], $0x200  }
0xbd: {  	[sflag:s7] =	ssyncset.done $0x0  }
0xbe: {  	[sflag:s7] =	ssyncadd.s32 $0xFFFFFE00  }
0xbf: {  	v33 =	vld [tilespmem:$0x0];
	_ =	sdelay $0x1  }
0xc0: {  	v34 =	vld [tilespmem:$0x280];
	_ =	sdelay $0x2  }
0xc1: {  	v33 =	vand.u32 $0xFFFFFF80, v33  }
0xc2: {  	v33 =	vadd.s32 s0, v33  }
0xc3: {  	v34 =	vand.u32 $0xFFFFFF80, v34;
	(v2sf) =	vpush v33, $0x0  }
0xc4: {  	v34 =	vadd.s32 s1, v34  }
0xc5: {  	(v2sf) =	vpush v34, $0x0;
	_ =	sdelay $0x1  }
0xc6: {  	(v2sf) =	vpush v33, $0x1;
	_ =	sdelay $0x1  }
0xc7: {  	(v2sf) =	vpush v34, $0x1;
	_ =	sdelay $0x1  }
0xc8: {  	(v2sf) =	vpush v33, $0x2;
	_ =	sdelay $0x1  }
0xc9: {  	(v2sf) =	vpush v34, $0x2;
	_ =	sdelay $0x1  }
0xca: {  	(v2sf) =	vpush v33, $0x3;
	_ =	sdelay $0x1  }
0xcb: {  	v0 =	vimm.f32 $0.0e+00;
	(v2sf) =	vpush v34, $0x3  }
0xcc: {  	[tilespmem:$0x10A00] =	vst v0;
	s11 =	spop (v2sf)  }
0xcd: {  	(v2sf) =	vpush v33, $0x4;
	[tilespmem:s17], [sflag:$0x1] =	stream.strided.gather [hbm4b:s11+s12], $0x800, s16, s12, $0x38;
	[tilespmem:$0x10A80] =	vst v63  }
0xce: {  	s13 =	spop (v2sf)  }
0xcf: {  	(v2sf) =	vpush v34, $0x4;
	[tilespmem:s18], [sflag:$0x2] =	stream.strided.gather [hbm4b:s13+s12], $0x800, s16, s12, $0x38;
	[tilespmem:$0x10A80] =	vst v63  }
0xd0: {  	s6 =	spop (v2sf)  }
0xd1: {  	(v2sf) =	vpush v33, $0x5;
	[tilespmem:s19], [sflag:$0x1] =	stream.strided.gather [hbm4b:s6+s12], $0x800, s16, s12, $0x38;
	[tilespmem:$0x10A80] =	vst v63  }
0xd2: {  	s7 =	spop (v2sf)  }
0xd3: {  	(v2sf) =	vpush v34, $0x5;
	[tilespmem:s20], [sflag:$0x2] =	stream.strided.gather [hbm4b:s7+s12], $0x800, s16, s12, $0x38;
	[tilespmem:$0x10A80] =	vst v63  }
0xd4: {  	s8 =	spop (v2sf)  }
0xd5: {  	(v2sf) =	vpush v33, $0x6;
	[tilespmem:s21], [sflag:$0x1] =	stream.strided.gather [hbm4b:s8+s12], $0x800, s16, s12, $0x38;
	[tilespmem:$0x10A80] =	vst v63  }
0xd6: {  	s9 =	spop (v2sf)  }
0xd7: {  	(v2sf) =	vpush v34, $0x6;
	[tilespmem:s22], [sflag:$0x2] =	stream.strided.gather [hbm4b:s9+s12], $0x800, s16, s12, $0x38;
	[tilespmem:$0x10A80] =	vst v63  }
0xd8: {  	s10 =	spop (v2sf)  }
0xd9: {  	(v2sf) =	vpush v33, $0x7;
	[tilespmem:s23], [sflag:$0x1] =	stream.strided.gather [hbm4b:s10+s12], $0x800, s16, s12, $0x38;
	[tilespmem:$0x10A80] =	vst v63  }
0xda: {  	s11 =	spop (v2sf)  }
0xdb: {  	(v2sf) =	vpush v34, $0x7;
	[tilespmem:s24], [sflag:$0x2] =	stream.strided.gather [hbm4b:s11+s12], $0x800, s16, s12, $0x38;
	[tilespmem:$0x10A80] =	vst v63  }
0xdc: {  	s13 =	spop (v2sf)  }
0xdd: {  	[tilespmem:s25], [sflag:$0x1] =	stream.strided.gather [hbm4b:s13+s12], $0x800, s16, s12, $0x38;
	[tilespmem:$0x10A80] =	vst v63  }
0xde: {  	s6 =	spop (v2sf)  }
0xdf: {  	[tilespmem:s26], [sflag:$0x2] =	stream.strided.gather [hbm4b:s6+s12], $0x800, s16, s12, $0x38;
	[tilespmem:$0x10A80] =	vst v63  }
0xe0: {  	s7 =	spop (v2sf)  }
0xe1: {  	[tilespmem:s28], [sflag:$0x1] =	stream.strided.gather [hbm4b:s7+s12], $0x800, s16, s12, $0x38;
	[tilespmem:$0x10A80] =	vst v63  }
0xe2: {  	s8 =	spop (v2sf)  }
0xe3: {  	[tilespmem:s29], [sflag:$0x2] =	stream.strided.gather [hbm4b:s8+s12], $0x800, s16, s12, $0x38;
	[tilespmem:$0x10A80] =	vst v63  }
0xe4: {  	s9 =	spop (v2sf)  }
0xe5: {  	[tilespmem:s30], [sflag:$0x1] =	stream.strided.gather [hbm4b:s9+s12], $0x800, s16, s12, $0x38;
	[tilespmem:$0x10A80] =	vst v63  }
0xe6: {  	s5 =	simm.s32 $0x10508;
	s10 =	spop (v2sf)  }
0xe7: {  	[tilespmem:s31], [sflag:$0x2] =	stream.strided.gather [hbm4b:s10+s12], $0x800, s16, s12, $0x38;
	[tilespmem:$0x10A80] =	vst v63  }
0xe8: {  	s6 =	simm.s32 $0x10788;
	s11 =	spop (v2sf);
	s7 =	simm.s32 $0x288  }
0xe9: {  	[tilespmem:s2], [sflag:$0x1] =	stream.strided.gather [hbm4b:s11+s12], $0x800, s16, s12, $0x38;
	[tilespmem:$0x10A80] =	vst v63  }
0xea: {  	v31 =	vld [tilespmem:$0x1FFE0];
	s13 =	spop (v2sf);
	s8 =	simm.s32 $0x8;
	s9 =	simm.s32 $0x0  }
0xeb: {  	v32 =	vld [tilespmem:$0x1FFF0];
	[tilespmem:s3], [sflag:$0x2] =	stream.strided.gather [hbm4b:s13+s12], $0x800, s16, s12, $0x38  }
.LBB2_2:
0xec: {  	v33 =	vld [tilespmem:s8+$0x0];
	_ =	sdelay $0x1  }
0xed: {  	v34 =	vld [tilespmem:s7+$0x0];
	_ =	sdelay $0x2  }
0xee: {  	v33 =	vand.u32 $0xFFFFFF80, v33  }
0xef: {  	v33 =	vadd.s32 s0, v33  }
0xf0: {  	v34 =	vand.u32 $0xFFFFFF80, v34;
	(v2sf) =	vpush v33, $0x0  }
0xf1: {  	v34 =	vadd.s32 s1, v34  }
0xf2: {  	(v2sf) =	vpush v34, $0x0;
	_ =	sdelay $0x1  }
0xf3: {  	(v2sf) =	vpush v33, $0x1;
	_ =	sdelay $0x1  }
0xf4: {  	(v2sf) =	vpush v34, $0x1;
	_ =	sdelay $0x1  }
0xf5: {  	(v2sf) =	vpush v33, $0x2;
	_ =	sdelay $0x1  }
0xf6: {  	(v2sf) =	vpush v34, $0x2;
	_ =	sdelay $0x1  }
0xf7: {  	(v2sf) =	vpush v33, $0x3;
	_ =	sdelay $0x1  }
0xf8: {  	(v2sf) =	vpush v34, $0x3  }
0xf9: {  	s10 =	rddreg [dreg:$0x5];
	s11 =	spop (v2sf)  }
0xfa: {  	(v2sf) =	vpush v33, $0x4;
	[tilespmem:s10], [sflag:$0x1] =	stream.strided.gather [hbm4b:s11+s12], $0x800, s16, s12, $0x38;
	[tilespmem:$0x10A80] =	vst v63  }
0xfb: {  	s13 =	rddreg [dreg:$0x6];
	s10 =	spop (v2sf)  }
0xfc: {  	(v2sf) =	vpush v34, $0x4;
	[tilespmem:s13], [sflag:$0x2] =	stream.strided.gather [hbm4b:s10+s12], $0x800, s16, s12, $0x38;
	[tilespmem:$0x10A80] =	vst v63  }
0xfd: {  	s11 =	rddreg [dreg:$0x7];
	s10 =	spop (v2sf)  }
0xfe: {  	(v2sf) =	vpush v33, $0x5;
	[tilespmem:s11], [sflag:$0x1] =	stream.strided.gather [hbm4b:s10+s12], $0x800, s16, s12, $0x38;
	[tilespmem:$0x10A80] =	vst v63  }
0xff: {  	s13 =	rddreg [dreg:$0x8];
	s10 =	spop (v2sf)  }
0x100: {  	(v2sf) =	vpush v34, $0x5;
	[tilespmem:s13], [sflag:$0x2] =	stream.strided.gather [hbm4b:s10+s12], $0x800, s16, s12, $0x38;
	[tilespmem:$0x10A80] =	vst v63  }
0x101: {  	s11 =	rddreg [dreg:$0x9];
	s10 =	spop (v2sf)  }
0x102: {  	(v2sf) =	vpush v33, $0x6;
	[tilespmem:s11], [sflag:$0x1] =	stream.strided.gather [hbm4b:s10+s12], $0x800, s16, s12, $0x38;
	[tilespmem:$0x10A80] =	vst v63  }
0x103: {  	s13 =	rddreg [dreg:$0xa];
	s10 =	spop (v2sf)  }
0x104: {  	(v2sf) =	vpush v34, $0x6;
	[tilespmem:s13], [sflag:$0x2] =	stream.strided.gather [hbm4b:s10+s12], $0x800, s16, s12, $0x38;
	[tilespmem:$0x10A80] =	vst v63  }
0x105: {  	s11 =	rddreg [dreg:$0xb];
	s10 =	spop (v2sf)  }
0x106: {  	(v2sf) =	vpush v33, $0x7;
	[tilespmem:s11], [sflag:$0x1] =	stream.strided.gather [hbm4b:s10+s12], $0x800, s16, s12, $0x38;
	[tilespmem:$0x10A80] =	vst v63  }
0x107: {  	s13 =	rddreg [dreg:$0xc];
	s10 =	spop (v2sf)  }
0x108: {  	(v2sf) =	vpush v34, $0x7;
	[tilespmem:s13], [sflag:$0x2] =	stream.strided.gather [hbm4b:s10+s12], $0x800, s16, s12, $0x38;
	[tilespmem:$0x10A80] =	vst v63  }
0x109: {  	s11 =	rddreg [dreg:$0xd];
	s10 =	spop (v2sf)  }
0x10a: {  	[tilespmem:s11], [sflag:$0x1] =	stream.strided.gather [hbm4b:s10+s12], $0x800, s16, s12, $0x38;
	[tilespmem:$0x10A80] =	vst v63  }
0x10b: {  	s13 =	rddreg [dreg:$0xe];
	s10 =	spop (v2sf)  }
0x10c: {  	[tilespmem:s13], [sflag:$0x2] =	stream.strided.gather [hbm4b:s10+s12], $0x800, s16, s12, $0x38;
	[tilespmem:$0x10A80] =	vst v63  }
0x10d: {  	s11 =	rddreg [dreg:$0xf];
	s10 =	spop (v2sf)  }
0x10e: {  	[tilespmem:s11], [sflag:$0x1] =	stream.strided.gather [hbm4b:s10+s12], $0x800, s16, s12, $0x38;
	[tilespmem:$0x10A80] =	vst v63  }
0x10f: {  	s13 =	rddreg [dreg:$0x10];
	s10 =	spop (v2sf)  }
0x110: {  	[tilespmem:s13], [sflag:$0x2] =	stream.strided.gather [hbm4b:s10+s12], $0x800, s16, s12, $0x38;
	[tilespmem:$0x10A80] =	vst v63  }
0x111: {  	s11 =	rddreg [dreg:$0x11];
	s10 =	spop (v2sf)  }
0x112: {  	[tilespmem:s11], [sflag:$0x1] =	stream.strided.gather [hbm4b:s10+s12], $0x800, s16, s12, $0x38;
	[tilespmem:$0x10A80] =	vst v63  }
0x113: {  	s13 =	rddreg [dreg:$0x12];
	s10 =	spop (v2sf)  }
0x114: {  	[tilespmem:s13], [sflag:$0x2] =	stream.strided.gather [hbm4b:s10+s12], $0x800, s16, s12, $0x38;
	[tilespmem:$0x10A80] =	vst v63  }
0x115: {  	s11 =	rddreg [dreg:$0x13];
	s10 =	spop (v2sf)  }
0x116: {  	[tilespmem:s11], [sflag:$0x1] =	stream.strided.gather [hbm4b:s10+s12], $0x800, s16, s12, $0x38;
	[tilespmem:$0x10A80] =	vst v63  }
0x117: {  	s13 =	rddreg [dreg:$0x14];
	s11 =	spop (v2sf)  }
0x118: {  	[tilespmem:s13], [sflag:$0x2] =	stream.strided.gather [hbm4b:s11+s12], $0x800, s16, s12, $0x38;
	[tilespmem:$0x10A80] =	vst v63  }
0x119: {  	_ =	swait.ge [sflag:s14], $0x4000  }
0x11a: {  	[sflag:s14] =	ssyncset.done $0x0  }
0x11b: {  	[sflag:s14] =	ssyncadd.s32 $0xFFFFC000  }
0x11c: {  	_ =	swait.ge [sflag:s15], $0x4000  }
0x11d: {  	[sflag:s15] =	ssyncset.done $0x0  }
0x11e: {  	[sflag:s15] =	ssyncadd.s32 $0xFFFFC000  }
0x11f: {  	v20 =	vld [tilespmem:s8+$0xFFFFFFF8];
	_ =	sdelay $0x4  }
0x120: {  	v33 =	vand.u32 $0x7F, v20  }
0x121: {  	v21 =	vor.u32 v1, v33  }
0x122: {  	v35 =	vor.u32 v2, v33  }
0x123: {  	v36 =	vor.u32 v3, v33  }
0x124: {  	v37 =	vor.u32 v4, v33  }
0x125: {  	v38 =	vld [tilespmem:s7+$0xFFFFFFF8];
	v39 =	vor.u32 v5, v33  }
0x126: {  	v40 =	vor.u32 v6, v33;
	v34 =	vld.idx.msk [tilespmem:v21+s17+$0x0], $0xffff  }
0x127: {  	v41 =	vor.u32 v7, v33;
	v35 =	vld.idx.msk [tilespmem:v35+s17+$0x0], $0xffff  }
0x128: {  	v42 =	vor.u32 v8, v33;
	v36 =	vld.idx.msk [tilespmem:v36+s17+$0x0], $0xffff  }
0x129: {  	v43 =	vor.u32 v9, v33;
	v37 =	vld.idx.msk [tilespmem:v37+s17+$0x0], $0xffff  }
0x12a: {  	v44 =	vor.u32 v10, v33;
	v39 =	vld.idx.msk [tilespmem:v39+s17+$0x0], $0xffff  }
0x12b: {  	v45 =	vor.u32 v11, v33;
	v40 =	vld.idx.msk [tilespmem:v40+s17+$0x0], $0xffff  }
0x12c: {  	v22 =	vor.u32 v12, v33;
	v46 =	vld.idx.msk [tilespmem:v41+s17+$0x0], $0xffff  }
0x12d: {  	v47 =	vor.u32 v13, v33;
	v42 =	vld.idx.msk [tilespmem:v42+s17+$0x0], $0xffff  }
0x12e: {  	v48 =	vor.u32 v14, v33;
	v43 =	vld.idx.msk [tilespmem:v43+s17+$0x0], $0xffff  }
0x12f: {  	v49 =	vor.u32 v15, v33;
	v44 =	vld.idx.msk [tilespmem:v44+s17+$0x0], $0xffff  }
0x130: {  	v33 =	vor.u32 v16, v33;
	v45 =	vld.idx.msk [tilespmem:v45+s17+$0x0], $0xffff  }
0x131: {  	v50 =	vld.idx.msk [tilespmem:v22+s17+$0x0], $0xffff  }
0x132: {  	v51 =	vld.idx.msk [tilespmem:v47+s17+$0x0], $0xffff  }
0x133: {  	v52 =	vld.idx.msk [tilespmem:v48+s17+$0x0], $0xffff  }
0x134: {  	v56 =	vand.u32 $0x7F, v38;
	v49 =	vld.idx.msk [tilespmem:v49+s17+$0x0], $0xffff  }
0x135: {  	v63 =	vor.u32 v2, v56;
	v53 =	vld.idx.msk [tilespmem:v33+s17+$0x0], $0xffff  }
0x136: {  	v20 =	vor.u32 v3, v56;
	v58 =	vor.u32 v7, v56;
	v0 =	vor.u32 v10, v56  }
0x137: {  	v30 =	vmovc v2;
	v2 =	vor.u32 v11, v56;
	v23 =	vadd.f32 v35, v34;
	v24 =	vadd.f32 v37, v36  }
0x138: {  	v17 =	vmovc v3;
	v3 =	vor.u32 v12, v56;
	v25 =	vadd.f32 v40, v39;
	v26 =	vadd.f32 v42, v46  }
0x139: {  	v21 =	vor.u32 v4, v56;
	v54 =	vadd.f32 v44, v43;
	v55 =	vadd.f32 v50, v45  }
0x13a: {  	v18 =	vmovc v4;
	v22 =	vor.u32 v5, v56;
	v27 =	vadd.f32 v52, v51;
	v57 =	vadd.f32 v53, v49  }
0x13b: {  	v19 =	vmovc v5;
	v4 =	vor.u32 v13, v56;
	v33 =	vadd.f32 v24, v23;
	v60 =	vadd.f32 v26, v25  }
0x13c: {  	v58 =	vld.idx.msk [tilespmem:v58+s18+$0x0], $0xffff;
	v5 =	vor.u32 v14, v56;
	v62 =	vadd.f32 v55, v54;
	v38 =	vadd.f32 v57, v27  }
0x13d: {  	v61 =	vor.u32 v1, v56;
	v0 =	vld.idx.msk [tilespmem:v0+s18+$0x0], $0xffff  }
0x13e: {  	v2 =	vld.idx.msk [tilespmem:v2+s18+$0x0], $0xffff;
	v33 =	vadd.f32 v60, v33;
	v38 =	vadd.f32 v38, v62  }
0x13f: {  	v3 =	vld.idx.msk [tilespmem:v3+s18+$0x0], $0xffff  }
0x140: {  	v4 =	vld.idx.msk [tilespmem:v4+s18+$0x0], $0xffff;
	v33 =	vadd.f32 v38, v33  }
0x141: {  	v5 =	vld.idx.msk [tilespmem:v5+s18+$0x0], $0xffff  }
0x142: {  	v57 =	vld.idx.msk [tilespmem:v61+s18+$0x0], $0xffff;
	v59 =	vmul.f32 $6.250000000e-02, v33  }
0x143: {  	v54 =	vld.idx.msk [tilespmem:v63+s18+$0x0], $0xffff  }
0x144: {  	v23 =	vor.u32 v6, v56;
	v55 =	vld.idx.msk [tilespmem:v20+s18+$0x0], $0xffff;
	v47 =	vsub.f32 v34, v59;
	v48 =	vsub.f32 v35, v59  }
0x145: {  	v29 =	vmov v1;
	v61 =	vld.idx.msk [tilespmem:v21+s18+$0x0], $0xffff;
	v34 =	vsub.f32 v36, v59;
	v41 =	vsub.f32 v37, v59  }
0x146: {  	v63 =	vld.idx.msk [tilespmem:v22+s18+$0x0], $0xffff;
	v60 =	vor.u32 v8, v56;
	v33 =	vsub.f32 v39, v59;
	v35 =	vsub.f32 v40, v59  }
0x147: {  	v20 =	vmovc v6;
	v62 =	vor.u32 v9, v56;
	v36 =	vsub.f32 v46, v59;
	v37 =	vsub.f32 v42, v59  }
0x148: {  	v6 =	vor.u32 v15, v56;
	v21 =	vmovc v7;
	v38 =	vsub.f32 v43, v59;
	v43 =	vsub.f32 v44, v59  }
0x149: {  	v1 =	vld.idx.msk [tilespmem:v23+s18+$0x0], $0xffff;
	v39 =	vsub.f32 v45, v59;
	v44 =	vsub.f32 v50, v59;
	v50 =	vor.u32 v16, v56  }
0x14a: {  	v22 =	vmovc v8;
	v40 =	vsub.f32 v51, v59;
	v45 =	vsub.f32 v52, v59;
	v51 =	vmul.f32 v47, v47  }
0x14b: {  	v60 =	vld.idx.msk [tilespmem:v60+s18+$0x0], $0xffff;
	v46 =	vsub.f32 v49, v59;
	v52 =	vmul.f32 v48, v48;
	v24 =	vmul.f32 v34, v34  }
0x14c: {  	v62 =	vld.idx.msk [tilespmem:v62+s18+$0x0], $0xffff;
	v42 =	vsub.f32 v53, v59;
	v25 =	vmul.f32 v41, v41;
	v26 =	vmul.f32 v33, v33  }
0x14d: {  	v6 =	vld.idx.msk [tilespmem:v6+s18+$0x0], $0xffff;
	v53 =	vadd.f32 v61, v55;
	v27 =	vmul.f32 v35, v35;
	v7 =	vmul.f32 v36, v36  }
0x14e: {  	v8 =	vmul.f32 v37, v37;
	v56 =	vadd.f32 v1, v63;
	v51 =	vadd.f32 v52, v51;
	v50 =	vld.idx.msk [tilespmem:v50+s18+$0x0], $0xffff  }
0x14f: {  	v49 =	vadd.f32 v25, v24;
	v52 =	vadd.f32 v27, v26  }
0x150: {  	v23 =	vmov v9;
	v7 =	vadd.f32 v8, v7;
	v8 =	vadd.f32 v54, v57  }
0x151: {  	v59 =	vadd.f32 v60, v58;
	v9 =	vadd.f32 v0, v62;
	v24 =	vmovc v10;
	v10 =	vmul.f32 v38, v38  }
0x152: {  	v28 =	vmovc v14;
	v25 =	vmovc v11;
	v11 =	vadd.f32 v3, v2;
	v26 =	vmov v12;
	v12 =	vadd.f32 v5, v4  }
0x153: {  	v27 =	vmovc v13;
	v13 =	vmul.f32 v43, v43;
	v8 =	vadd.f32 v53, v8;
	v14 =	vadd.f32 v50, v6  }
0x154: {  	v53 =	vmul.f32 v39, v39;
	v56 =	vadd.f32 v59, v56;
	v9 =	vadd.f32 v11, v9  }
0x155: {  	v59 =	vmul.f32 v44, v44;
	v10 =	vadd.f32 v13, v10;
	v12 =	vadd.f32 v14, v12  }
0x156: {  	v13 =	vmul.f32 v46, v46;
	v8 =	vadd.f32 v56, v8;
	v56 =	vmul.f32 v42, v42  }
0x157: {  	v11 =	vmul.f32 v40, v40;
	v14 =	vmul.f32 v45, v45;
	v9 =	vadd.f32 v12, v9  }
0x158: {  	v13 =	vadd.f32 v56, v13;
	v12 =	vadd.f32 v59, v53  }
0x159: {  	v11 =	vadd.f32 v14, v11;
	v8 =	vadd.f32 v9, v8  }
0x15a: {  	v7 =	vadd.f32 v7, v52;
	v9 =	vadd.f32 v49, v51  }
0x15b: {  	v10 =	vadd.f32 v12, v10;
	v11 =	vadd.f32 v13, v11;
	v8 =	vmul.f32 $6.250000000e-02, v8  }
0x15c: {  	v7 =	vadd.f32 v7, v9  }
0x15d: {  	v9 =	vadd.f32 v11, v10;
	v10 =	vsub.f32 v57, v8  }
0x15e: {  	v11 =	vsub.f32 v54, v8;
	v12 =	vsub.f32 v55, v8  }
0x15f: {  	v13 =	vsub.f32 v61, v8;
	v14 =	vsub.f32 v63, v8  }
0x160: {  	v1 =	vsub.f32 v1, v8;
	v49 =	vsub.f32 v58, v8  }
0x161: {  	v51 =	vsub.f32 v60, v8;
	v52 =	vsub.f32 v62, v8  }
0x162: {  	v0 =	vsub.f32 v0, v8;
	v2 =	vsub.f32 v2, v8;
	v53 =	vmul.f32 v10, v10  }
0x163: {  	v3 =	vsub.f32 v3, v8;
	v54 =	vmul.f32 v11, v11;
	v55 =	vmul.f32 v12, v12  }
0x164: {  	v4 =	vsub.f32 v4, v8;
	v56 =	vmul.f32 v13, v13;
	v57 =	vmul.f32 v14, v14  }
0x165: {  	v5 =	vsub.f32 v5, v8;
	v58 =	vmul.f32 v1, v1;
	v59 =	vmul.f32 v49, v49  }
0x166: {  	v6 =	vsub.f32 v6, v8;
	v60 =	vmul.f32 v51, v51;
	v61 =	vmul.f32 v52, v52  }
0x167: {  	v8 =	vsub.f32 v50, v8;
	v50 =	vmul.f32 v0, v0;
	v62 =	vmul.f32 v2, v2  }
0x168: {  	v63 =	vmul.f32 v3, v3;
	v53 =	vadd.f32 v54, v53;
	v54 =	vmul.f32 v4, v4  }
0x169: {  	v55 =	vadd.f32 v56, v55;
	v56 =	vmul.f32 v5, v5;
	v57 =	vadd.f32 v58, v57  }
0x16a: {  	v58 =	vmul.f32 v6, v6;
	v59 =	vadd.f32 v60, v59;
	v60 =	vmul.f32 v8, v8  }
0x16b: {  	v50 =	vadd.f32 v50, v61;
	v61 =	vadd.f32 v63, v62  }
0x16c: {  	v54 =	vadd.f32 v56, v54;
	v62 =	vadd.f32 v60, v58  }
0x16d: {  	v53 =	vadd.f32 v55, v53;
	v63 =	vadd.f32 v59, v57  }
0x16e: {  	v50 =	vadd.f32 v61, v50;
	v54 =	vadd.f32 v62, v54  }
0x16f: {  	v7 =	vadd.f32 v9, v7  }
0x170: {  	v9 =	vadd.f32 v63, v53;
	v50 =	vadd.f32 v54, v50;
	_ =	sdelay $0x1  }
0x171: {  	v7 =	vmax.f32 v7, $1.000000020e-24;
	v9 =	vadd.f32 v50, v9  }
0x172: {  	v10 =	vmul.f32 v10, v47;
	v56 =	vshrl.u32 v7, $0x1;
	v7 =	vmul.f32 $5.000000000e-01, v7  }
0x173: {  	v11 =	vmul.f32 v11, v48;
	v47 =	vsub.s32 $0x5F3759DF, v56;
	v9 =	vmax.f32 v9, $1.000000020e-24  }
0x174: {  	v57 =	vmul.f32 v47, v7;
	v58 =	vshrl.u32 v9, $0x1;
	v9 =	vmul.f32 $5.000000000e-01, v9  }
0x175: {  	v12 =	vmul.f32 v12, v34;
	v13 =	vmul.f32 v13, v41;
	v59 =	vsub.s32 $0x5F3759DF, v58  }
0x176: {  	v60 =	vmul.f32 v47, v57;
	v61 =	vmul.f32 v59, v9  }
0x177: {  	v14 =	vmul.f32 v14, v33;
	v1 =	vmul.f32 v1, v35  }
0x178: {  	v37 =	vmul.f32 v51, v37;
	v63 =	vsub.f32 $1.500000000e+00, v60;
	v41 =	vmul.f32 v59, v61  }
0x179: {  	v38 =	vmul.f32 v52, v38;
	v0 =	vmul.f32 v0, v43  }
0x17a: {  	v62 =	vmul.f32 v49, v36;
	v35 =	vmul.f32 v47, v63;
	v36 =	vsub.f32 $1.500000000e+00, v41  }
0x17b: {  	v2 =	vmul.f32 v2, v39;
	v3 =	vmul.f32 v3, v44  }
0x17c: {  	v43 =	vmul.f32 v35, v7;
	v34 =	vmul.f32 v59, v36  }
0x17d: {  	v4 =	vmul.f32 v4, v40;
	v5 =	vmul.f32 v5, v45  }
0x17e: {  	v44 =	vmul.f32 v43, v35;
	v45 =	vmul.f32 v34, v9  }
0x17f: {  	v6 =	vmul.f32 v6, v46;
	v10 =	vadd.f32 v11, v10;
	v11 =	vadd.f32 v13, v12  }
0x180: {  	v1 =	vadd.f32 v1, v14;
	v12 =	vsub.f32 $1.500000000e+00, v44;
	v13 =	vmul.f32 v45, v34  }
0x181: {  	v8 =	vmul.f32 v8, v42;
	v0 =	vadd.f32 v0, v38;
	v2 =	vadd.f32 v3, v2  }
0x182: {  	v4 =	vadd.f32 v5, v4;
	v3 =	vmul.f32 v12, v35;
	v12 =	vsub.f32 $1.500000000e+00, v13  }
0x183: {  	v5 =	vadd.f32 v8, v6;
	v6 =	vadd.f32 v11, v10  }
0x184: {  	v14 =	vadd.f32 v37, v62;
	v7 =	vmul.f32 v3, v7;
	v8 =	vmul.f32 v12, v34  }
0x185: {  	v0 =	vadd.f32 v2, v0;
	v2 =	vadd.f32 v5, v4  }
0x186: {  	v1 =	vadd.f32 v14, v1;
	v4 =	vmul.f32 v7, v3;
	v5 =	vmul.f32 v8, v9  }
0x187: {  	v0 =	vadd.f32 v2, v0  }
0x188: {  	v1 =	vadd.f32 v1, v6;
	v2 =	vsub.f32 $1.500000000e+00, v4;
	v4 =	vmul.f32 v5, v8;
	_ =	sdelay $0x1  }
0x189: {  	v0 =	vadd.f32 v0, v1;
	v1 =	vmul.f32 v2, v3;
	v2 =	vsub.f32 $1.500000000e+00, v4;
	_ =	sdelay $0x1  }
0x18a: {  	v0 =	vmul.f32 v1, v0;
	v2 =	vmul.f32 v2, v8;
	_ =	sdelay $0x1  }
0x18b: {  	v0 =	vmul.f32 v2, v0  }
0x18c: {  	v1 =	vld [tilespmem:s6+$0xFFFFFFF8]  }
0x18d: {  	v2 =	vmul.f32 $4.000000000e+00, v0;
	_ =	sdelay $0x1  }
0x18e: {  	v2 =	vadd.f32 $1.000000000e+00, v2;
	_ =	sdelay $0x1  }
0x18f: {  	v1 =	vsel vm0, v2, v1  }
0x190: {  	[tilespmem:s6+$0xFFFFFFF8] =	vst v1  }
0x191: {  	v1 =	vld [tilespmem:s5+$0xFFFFFFF8];
	_ =	sdelay $0x4  }
0x192: {  	v1 =	vadd.f32 $-1.000000000e+00, v1;
	_ =	sdelay $0x1  }
0x193: {  	v1 =	vmul.f32 $2.500000000e-01, v1;
	_ =	sdelay $0x1  }
0x194: {  	v0 =	vsub.f32 v0, v1;
	v1 =	vld [tilespmem:$0x10A00];
	_ =	sdelay $0x1  }
0x195: {  	v0 =	vmul.f32 v0, v0;
	_ =	sdelay $0x1  }
0x196: {  	v0 =	vnsel vm0, $0x0, v0  }
0x197: {  	v0 =	vadd.f32 v0, v1;
	_ =	sdelay $0x1  }
0x198: {  	s13 =	smin.u32 s9, $0x1E8;
	[tilespmem:$0x10A00] =	vst v0  }
0x199: {  	v0 =	vld [tilespmem:s13+$0x10];
	_ =	sdelay $0x1  }
0x19a: {  	v1 =	vld [tilespmem:s13+$0x290];
	_ =	sdelay $0x2  }
0x19b: {  	v0 =	vand.u32 $0xFFFFFF80, v0  }
0x19c: {  	v0 =	vadd.s32 s0, v0  }
0x19d: {  	v1 =	vand.u32 $0xFFFFFF80, v1;
	(v2sf) =	vpush v0, $0x0  }
0x19e: {  	v1 =	vadd.s32 s1, v1  }
0x19f: {  	(v2sf) =	vpush v1, $0x0;
	_ =	sdelay $0x1  }
0x1a0: {  	(v2sf) =	vpush v0, $0x1;
	_ =	sdelay $0x1  }
0x1a1: {  	(v2sf) =	vpush v1, $0x1;
	_ =	sdelay $0x1  }
0x1a2: {  	(v2sf) =	vpush v0, $0x2;
	_ =	sdelay $0x1  }
0x1a3: {  	(v2sf) =	vpush v1, $0x2;
	_ =	sdelay $0x1  }
0x1a4: {  	(v2sf) =	vpush v0, $0x3;
	_ =	sdelay $0x1  }
0x1a5: {  	(v2sf) =	vpush v1, $0x3  }
0x1a6: {  	s11 =	spop (v2sf)  }
0x1a7: {  	(v2sf) =	vpush v0, $0x4;
	[tilespmem:s17], [sflag:$0x1] =	stream.strided.gather [hbm4b:s11+s12], $0x800, s16, s12, $0x38;
	[tilespmem:$0x10A80] =	vst v63  }
0x1a8: {  	s13 =	spop (v2sf)  }
0x1a9: {  	(v2sf) =	vpush v1, $0x4;
	[tilespmem:s18], [sflag:$0x2] =	stream.strided.gather [hbm4b:s13+s12], $0x800, s16, s12, $0x38;
	[tilespmem:$0x10A80] =	vst v63  }
0x1aa: {  	s11 =	spop (v2sf)  }
0x1ab: {  	(v2sf) =	vpush v0, $0x5;
	[tilespmem:s19], [sflag:$0x1] =	stream.strided.gather [hbm4b:s11+s12], $0x800, s16, s12, $0x38;
	[tilespmem:$0x10A80] =	vst v63  }
0x1ac: {  	s13 =	spop (v2sf)  }
0x1ad: {  	(v2sf) =	vpush v1, $0x5;
	[tilespmem:s20], [sflag:$0x2] =	stream.strided.gather [hbm4b:s13+s12], $0x800, s16, s12, $0x38;
	[tilespmem:$0x10A80] =	vst v63  }
0x1ae: {  	s11 =	spop (v2sf)  }
0x1af: {  	(v2sf) =	vpush v0, $0x6;
	[tilespmem:s21], [sflag:$0x1] =	stream.strided.gather [hbm4b:s11+s12], $0x800, s16, s12, $0x38;
	[tilespmem:$0x10A80] =	vst v63  }
0x1b0: {  	s13 =	spop (v2sf)  }
0x1b1: {  	(v2sf) =	vpush v1, $0x6;
	[tilespmem:s22], [sflag:$0x2] =	stream.strided.gather [hbm4b:s13+s12], $0x800, s16, s12, $0x38;
	[tilespmem:$0x10A80] =	vst v63  }
0x1b2: {  	s11 =	spop (v2sf)  }
0x1b3: {  	(v2sf) =	vpush v0, $0x7;
	[tilespmem:s23], [sflag:$0x1] =	stream.strided.gather [hbm4b:s11+s12], $0x800, s16, s12, $0x38;
	[tilespmem:$0x10A80] =	vst v63  }
0x1b4: {  	s13 =	spop (v2sf)  }
0x1b5: {  	(v2sf) =	vpush v1, $0x7;
	[tilespmem:s24], [sflag:$0x2] =	stream.strided.gather [hbm4b:s13+s12], $0x800, s16, s12, $0x38;
	[tilespmem:$0x10A80] =	vst v63  }
0x1b6: {  	s11 =	spop (v2sf)  }
0x1b7: {  	[tilespmem:s25], [sflag:$0x1] =	stream.strided.gather [hbm4b:s11+s12], $0x800, s16, s12, $0x38;
	[tilespmem:$0x10A80] =	vst v63  }
0x1b8: {  	s13 =	spop (v2sf)  }
0x1b9: {  	[tilespmem:s26], [sflag:$0x2] =	stream.strided.gather [hbm4b:s13+s12], $0x800, s16, s12, $0x38;
	[tilespmem:$0x10A80] =	vst v63  }
0x1ba: {  	s11 =	spop (v2sf)  }
0x1bb: {  	[tilespmem:s28], [sflag:$0x1] =	stream.strided.gather [hbm4b:s11+s12], $0x800, s16, s12, $0x38;
	[tilespmem:$0x10A80] =	vst v63  }
0x1bc: {  	s13 =	spop (v2sf)  }
0x1bd: {  	[tilespmem:s29], [sflag:$0x2] =	stream.strided.gather [hbm4b:s13+s12], $0x800, s16, s12, $0x38;
	[tilespmem:$0x10A80] =	vst v63  }
0x1be: {  	s11 =	spop (v2sf)  }
0x1bf: {  	[tilespmem:s30], [sflag:$0x1] =	stream.strided.gather [hbm4b:s11+s12], $0x800, s16, s12, $0x38;
	[tilespmem:$0x10A80] =	vst v63  }
0x1c0: {  	s13 =	spop (v2sf)  }
0x1c1: {  	[tilespmem:s31], [sflag:$0x2] =	stream.strided.gather [hbm4b:s13+s12], $0x800, s16, s12, $0x38;
	[tilespmem:$0x10A80] =	vst v63  }
0x1c2: {  	s11 =	spop (v2sf)  }
0x1c3: {  	[tilespmem:s2], [sflag:$0x1] =	stream.strided.gather [hbm4b:s11+s12], $0x800, s16, s12, $0x38;
	[tilespmem:$0x10A80] =	vst v63  }
0x1c4: {  	s13 =	spop (v2sf)  }
0x1c5: {  	[tilespmem:s3], [sflag:$0x2] =	stream.strided.gather [hbm4b:s13+s12], $0x800, s16, s12, $0x38;
	[tilespmem:$0x10A80] =	vst v63  }
0x1c6: {  	_ =	swait.ge [sflag:s14], $0x4000  }
0x1c7: {  	[sflag:s14] =	ssyncset.done $0x0  }
0x1c8: {  	[sflag:s14] =	ssyncadd.s32 $0xFFFFC000  }
0x1c9: {  	_ =	swait.ge [sflag:s15], $0x4000  }
0x1ca: {  	v41 =	vld [tilespmem:$0x1FF00]  }
0x1cb: {  	v43 =	vld [tilespmem:$0x1FF10]  }
0x1cc: {  	v44 =	vld [tilespmem:$0x1FF20]  }
0x1cd: {  	[sflag:s15] =	ssyncset.done $0x0;
	v45 =	vld [tilespmem:$0x1FF30]  }
0x1ce: {  	v47 =	vld [tilespmem:$0x1FF40];
	[sflag:s15] =	ssyncadd.s32 $0xFFFFC000  }
0x1cf: {  	v0 =	vld [tilespmem:s8+$0x0]  }
0x1d0: {  	v48 =	vld [tilespmem:$0x1FF50]  }
0x1d1: {  	v51 =	vld [tilespmem:$0x1FF60]  }
0x1d2: {  	v53 =	vld [tilespmem:$0x1FF70]  }
0x1d3: {  	v54 =	vld [tilespmem:$0x1FF80]  }
0x1d4: {  	v55 =	vld [tilespmem:$0x1FF90];
	v0 =	vand.u32 $0x7F, v0  }
0x1d5: {  	v56 =	vld [tilespmem:$0x1FFA0];
	v1 =	vor.u32 v41, v0  }
0x1d6: {  	v57 =	vld [tilespmem:$0x1FFB0];
	v2 =	vor.u32 v43, v0  }
0x1d7: {  	v58 =	vld [tilespmem:$0x1FFC0];
	v3 =	vor.u32 v44, v0  }
0x1d8: {  	v59 =	vld [tilespmem:$0x1FFD0];
	v4 =	vor.u32 v45, v0  }
0x1d9: {  	v5 =	vld [tilespmem:s7+$0x0];
	v6 =	vor.u32 v47, v0  }
0x1da: {  	v7 =	vor.u32 v48, v0;
	v1 =	vld.idx.msk [tilespmem:v1+s17+$0x0], $0xffff  }
0x1db: {  	v8 =	vor.u32 v51, v0;
	v2 =	vld.idx.msk [tilespmem:v2+s17+$0x0], $0xffff  }
0x1dc: {  	v9 =	vor.u32 v53, v0;
	v3 =	vld.idx.msk [tilespmem:v3+s17+$0x0], $0xffff  }
0x1dd: {  	v10 =	vor.u32 v54, v0;
	v4 =	vld.idx.msk [tilespmem:v4+s17+$0x0], $0xffff  }
0x1de: {  	v11 =	vor.u32 v55, v0;
	v6 =	vld.idx.msk [tilespmem:v6+s17+$0x0], $0xffff  }
0x1df: {  	v12 =	vor.u32 v56, v0;
	v7 =	vld.idx.msk [tilespmem:v7+s17+$0x0], $0xffff  }
0x1e0: {  	v13 =	vor.u32 v57, v0;
	v8 =	vld.idx.msk [tilespmem:v8+s17+$0x0], $0xffff  }
0x1e1: {  	v14 =	vor.u32 v58, v0;
	v9 =	vld.idx.msk [tilespmem:v9+s17+$0x0], $0xffff  }
0x1e2: {  	v46 =	vor.u32 v59, v0;
	v10 =	vld.idx.msk [tilespmem:v10+s17+$0x0], $0xffff  }
0x1e3: {  	v49 =	vor.u32 v31, v0;
	v11 =	vld.idx.msk [tilespmem:v11+s17+$0x0], $0xffff  }
0x1e4: {  	v0 =	vor.u32 v32, v0;
	v12 =	vld.idx.msk [tilespmem:v12+s17+$0x0], $0xffff  }
0x1e5: {  	v13 =	vld.idx.msk [tilespmem:v13+s17+$0x0], $0xffff  }
0x1e6: {  	v14 =	vld.idx.msk [tilespmem:v14+s17+$0x0], $0xffff  }
0x1e7: {  	v42 =	vld.idx.msk [tilespmem:v46+s17+$0x0], $0xffff  }
0x1e8: {  	v46 =	vld.idx.msk [tilespmem:v49+s17+$0x0], $0xffff  }
0x1e9: {  	v0 =	vld.idx.msk [tilespmem:v0+s17+$0x0], $0xffff;
	_ =	sdelay $0x1  }
0x1ea: {  	v33 =	vadd.f32 v2, v1;
	v50 =	vadd.f32 v4, v3  }
0x1eb: {  	v52 =	vadd.f32 v7, v6;
	v60 =	vadd.f32 v9, v8  }
0x1ec: {  	v61 =	vadd.f32 v11, v10;
	v62 =	vadd.f32 v13, v12  }
0x1ed: {  	v5 =	vand.u32 $0x7F, v5;
	v63 =	vadd.f32 v42, v14;
	v49 =	vadd.f32 v0, v46  }
0x1ee: {  	v33 =	vadd.f32 v50, v33;
	v50 =	vadd.f32 v60, v52;
	v52 =	vor.u32 v41, v5  }
0x1ef: {  	v61 =	vadd.f32 v62, v61;
	v62 =	vadd.f32 v49, v63;
	v63 =	vor.u32 v43, v5  }
0x1f0: {  	v43 =	vor.u32 v44, v5  }
0x1f1: {  	v45 =	vor.u32 v45, v5;
	v33 =	vadd.f32 v50, v33;
	v44 =	vadd.f32 v62, v61  }
0x1f2: {  	v60 =	vor.u32 v47, v5  }
0x1f3: {  	v35 =	vor.u32 v48, v5;
	v33 =	vadd.f32 v44, v33;
	v49 =	vld.idx.msk [tilespmem:v52+s18+$0x0], $0xffff  }
0x1f4: {  	v61 =	vor.u32 v51, v5;
	v50 =	vld.idx.msk [tilespmem:v63+s18+$0x0], $0xffff  }
0x1f5: {  	v54 =	vor.u32 v54, v5;
	v52 =	vld.idx.msk [tilespmem:v43+s18+$0x0], $0xffff;
	v62 =	vmul.f32 $6.250000000e-02, v33  }
0x1f6: {  	v63 =	vor.u32 v53, v5;
	v53 =	vld.idx.msk [tilespmem:v45+s18+$0x0], $0xffff  }
0x1f7: {  	v47 =	vsub.f32 v1, v62;
	v1 =	vld.idx.msk [tilespmem:v60+s18+$0x0], $0xffff;
	v60 =	vor.u32 v55, v5  }
0x1f8: {  	v48 =	vsub.f32 v2, v62;
	v34 =	vsub.f32 v3, v62;
	v2 =	vld.idx.msk [tilespmem:v35+s18+$0x0], $0xffff;
	v3 =	vor.u32 v56, v5  }
0x1f9: {  	v41 =	vsub.f32 v4, v62;
	v33 =	vsub.f32 v6, v62;
	v4 =	vld.idx.msk [tilespmem:v61+s18+$0x0], $0xffff;
	v6 =	vor.u32 v57, v5  }
0x1fa: {  	v36 =	vsub.f32 v8, v62;
	v8 =	vor.u32 v58, v5;
	v37 =	vsub.f32 v9, v62;
	v9 =	vld.idx.msk [tilespmem:v54+s18+$0x0], $0xffff  }
0x1fb: {  	v35 =	vsub.f32 v7, v62;
	v38 =	vsub.f32 v10, v62;
	v10 =	vor.u32 v59, v5;
	v7 =	vld.idx.msk [tilespmem:v63+s18+$0x0], $0xffff  }
0x1fc: {  	v43 =	vsub.f32 v11, v62;
	v39 =	vsub.f32 v12, v62;
	v12 =	vor.u32 v31, v5;
	v11 =	vld.idx.msk [tilespmem:v60+s18+$0x0], $0xffff  }
0x1fd: {  	v44 =	vsub.f32 v13, v62;
	v5 =	vor.u32 v32, v5;
	v3 =	vld.idx.msk [tilespmem:v3+s18+$0x0], $0xffff  }
0x1fe: {  	v40 =	vsub.f32 v14, v62;
	v45 =	vsub.f32 v42, v62;
	v13 =	vmul.f32 v47, v47;
	v6 =	vld.idx.msk [tilespmem:v6+s18+$0x0], $0xffff  }
0x1ff: {  	v46 =	vsub.f32 v46, v62;
	v14 =	vmul.f32 v48, v48;
	v54 =	vmul.f32 v34, v34;
	v8 =	vld.idx.msk [tilespmem:v8+s18+$0x0], $0xffff  }
0x200: {  	v42 =	vsub.f32 v0, v62;
	v61 =	vmul.f32 v41, v41;
	v0 =	vmul.f32 v33, v33;
	v10 =	vld.idx.msk [tilespmem:v10+s18+$0x0], $0xffff  }
0x201: {  	v62 =	vmul.f32 v35, v35;
	v55 =	vadd.f32 v53, v52;
	v13 =	vadd.f32 v14, v13;
	v12 =	vld.idx.msk [tilespmem:v12+s18+$0x0], $0xffff  }
0x202: {  	v14 =	vadd.f32 v61, v54;
	v54 =	vadd.f32 v50, v49;
	v5 =	vld.idx.msk [tilespmem:v5+s18+$0x0], $0xffff  }
0x203: {  	v63 =	vmul.f32 v36, v36;
	v0 =	vadd.f32 v62, v0;
	v60 =	vmul.f32 v37, v37  }
0x204: {  	v56 =	vadd.f32 v2, v1;
	v54 =	vadd.f32 v55, v54  }
0x205: {  	v59 =	vmul.f32 v38, v38;
	v51 =	vadd.f32 v60, v63;
	v57 =	vadd.f32 v7, v4  }
0x206: {  	v62 =	vmul.f32 v43, v43;
	v58 =	vadd.f32 v11, v9;
	v60 =	vadd.f32 v6, v3  }
0x207: {  	v61 =	vadd.f32 v10, v8;
	v63 =	vadd.f32 v5, v12  }
0x208: {  	v55 =	vmul.f32 v39, v39;
	v59 =	vadd.f32 v62, v59;
	v56 =	vadd.f32 v57, v56  }
0x209: {  	v62 =	vmul.f32 v46, v46;
	v58 =	vadd.f32 v60, v58;
	v61 =	vadd.f32 v63, v61  }
0x20a: {  	v57 =	vmul.f32 v44, v44;
	v54 =	vadd.f32 v56, v54;
	v56 =	vmul.f32 v42, v42  }
0x20b: {  	v60 =	vmul.f32 v40, v40;
	v63 =	vmul.f32 v45, v45;
	v58 =	vadd.f32 v61, v58  }
0x20c: {  	v55 =	vadd.f32 v57, v55;
	v56 =	vadd.f32 v56, v62  }
0x20d: {  	v61 =	vadd.f32 v63, v60;
	v54 =	vadd.f32 v58, v54  }
0x20e: {  	v13 =	vadd.f32 v14, v13;
	v0 =	vadd.f32 v51, v0  }
0x20f: {  	v14 =	vadd.f32 v55, v59;
	v62 =	vadd.f32 v56, v61;
	v54 =	vmul.f32 $6.250000000e-02, v54  }
0x210: {  	v0 =	vadd.f32 v0, v13  }
0x211: {  	v13 =	vadd.f32 v62, v14;
	v14 =	vsub.f32 v49, v54  }
0x212: {  	v49 =	vsub.f32 v50, v54;
	v50 =	vsub.f32 v52, v54  }
0x213: {  	v51 =	vsub.f32 v53, v54;
	v1 =	vsub.f32 v1, v54  }
0x214: {  	v2 =	vsub.f32 v2, v54;
	v4 =	vsub.f32 v4, v54  }
0x215: {  	v7 =	vsub.f32 v7, v54;
	v9 =	vsub.f32 v9, v54  }
0x216: {  	v11 =	vsub.f32 v11, v54;
	v3 =	vsub.f32 v3, v54;
	v52 =	vmul.f32 v14, v14  }
0x217: {  	v6 =	vsub.f32 v6, v54;
	v53 =	vmul.f32 v49, v49;
	v55 =	vmul.f32 v50, v50  }
0x218: {  	v8 =	vsub.f32 v8, v54;
	v56 =	vmul.f32 v51, v51;
	v57 =	vmul.f32 v1, v1  }
0x219: {  	v10 =	vsub.f32 v10, v54;
	v58 =	vmul.f32 v2, v2;
	v59 =	vmul.f32 v4, v4  }
0x21a: {  	v12 =	vsub.f32 v12, v54;
	v60 =	vmul.f32 v7, v7;
	v61 =	vmul.f32 v9, v9  }
0x21b: {  	v5 =	vsub.f32 v5, v54;
	v54 =	vmul.f32 v11, v11;
	v62 =	vmul.f32 v3, v3  }
0x21c: {  	v63 =	vmul.f32 v6, v6;
	v52 =	vadd.f32 v53, v52;
	v53 =	vmul.f32 v8, v8  }
0x21d: {  	v55 =	vadd.f32 v56, v55;
	v56 =	vmul.f32 v10, v10;
	v57 =	vadd.f32 v58, v57  }
0x21e: {  	v58 =	vmul.f32 v12, v12;
	v59 =	vadd.f32 v60, v59;
	v60 =	vmul.f32 v5, v5  }
0x21f: {  	v54 =	vadd.f32 v54, v61;
	v61 =	vadd.f32 v63, v62  }
0x220: {  	v53 =	vadd.f32 v56, v53;
	v63 =	vadd.f32 v60, v58  }
0x221: {  	v52 =	vadd.f32 v55, v52;
	v60 =	vadd.f32 v59, v57  }
0x222: {  	v54 =	vadd.f32 v61, v54;
	v53 =	vadd.f32 v63, v53  }
0x223: {  	v0 =	vadd.f32 v13, v0  }
0x224: {  	v13 =	vadd.f32 v60, v52;
	v61 =	vadd.f32 v53, v54;
	_ =	sdelay $0x1  }
0x225: {  	v0 =	vmax.f32 v0, $1.000000020e-24;
	v13 =	vadd.f32 v61, v13  }
0x226: {  	v14 =	vmul.f32 v14, v47;
	v62 =	vshrl.u32 v0, $0x1;
	v0 =	vmul.f32 $5.000000000e-01, v0  }
0x227: {  	v48 =	vmul.f32 v49, v48;
	v47 =	vsub.s32 $0x5F3759DF, v62;
	v13 =	vmax.f32 v13, $1.000000020e-24  }
0x228: {  	v63 =	vmul.f32 v47, v0;
	v56 =	vshrl.u32 v13, $0x1;
	v13 =	vmul.f32 $5.000000000e-01, v13  }
0x229: {  	v34 =	vmul.f32 v50, v34;
	v41 =	vmul.f32 v51, v41;
	v57 =	vsub.s32 $0x5F3759DF, v56  }
0x22a: {  	v49 =	vmul.f32 v47, v63;
	v58 =	vmul.f32 v57, v13  }
0x22b: {  	v1 =	vmul.f32 v1, v33;
	v2 =	vmul.f32 v2, v35  }
0x22c: {  	v4 =	vmul.f32 v4, v36;
	v59 =	vsub.f32 $1.500000000e+00, v49;
	v60 =	vmul.f32 v57, v58  }
0x22d: {  	v7 =	vmul.f32 v7, v37;
	v9 =	vmul.f32 v9, v38  }
0x22e: {  	v11 =	vmul.f32 v11, v43;
	v33 =	vmul.f32 v47, v59;
	v35 =	vsub.f32 $1.500000000e+00, v60  }
0x22f: {  	v3 =	vmul.f32 v3, v39;
	v6 =	vmul.f32 v6, v44  }
0x230: {  	v61 =	vmul.f32 v33, v0;
	v35 =	vmul.f32 v57, v35  }
0x231: {  	v8 =	vmul.f32 v8, v40;
	v10 =	vmul.f32 v10, v45  }
0x232: {  	v36 =	vmul.f32 v61, v33;
	v62 =	vmul.f32 v35, v13  }
0x233: {  	v12 =	vmul.f32 v12, v46;
	v14 =	vadd.f32 v48, v14;
	v34 =	vadd.f32 v41, v34  }
0x234: {  	v1 =	vadd.f32 v2, v1;
	v2 =	vsub.f32 $1.500000000e+00, v36;
	v63 =	vmul.f32 v62, v35  }
0x235: {  	v5 =	vmul.f32 v5, v42;
	v4 =	vadd.f32 v7, v4;
	v7 =	vadd.f32 v11, v9  }
0x236: {  	v3 =	vadd.f32 v6, v3;
	v2 =	vmul.f32 v2, v33;
	v6 =	vsub.f32 $1.500000000e+00, v63  }
0x237: {  	v8 =	vadd.f32 v10, v8;
	v5 =	vadd.f32 v5, v12  }
0x238: {  	v9 =	vadd.f32 v34, v14;
	v0 =	vmul.f32 v2, v0;
	v6 =	vmul.f32 v6, v35  }
0x239: {  	v1 =	vadd.f32 v4, v1;
	v3 =	vadd.f32 v3, v7  }
0x23a: {  	v4 =	vadd.f32 v5, v8;
	v0 =	vmul.f32 v0, v2;
	v5 =	vmul.f32 v6, v13  }
0x23b: {  	v1 =	vadd.f32 v1, v9  }
0x23c: {  	v3 =	vadd.f32 v4, v3;
	v0 =	vsub.f32 $1.500000000e+00, v0;
	v4 =	vmul.f32 v5, v6;
	_ =	sdelay $0x1  }
0x23d: {  	v1 =	vadd.f32 v3, v1;
	v0 =	vmul.f32 v0, v2;
	v2 =	vsub.f32 $1.500000000e+00, v4;
	_ =	sdelay $0x1  }
0x23e: {  	v0 =	vmul.f32 v0, v1;
	v2 =	vmul.f32 v2, v6;
	_ =	sdelay $0x1  }
0x23f: {  	v0 =	vmul.f32 v2, v0  }
0x240: {  	v1 =	vld [tilespmem:s6+$0x0]  }
0x241: {  	v2 =	vmul.f32 $4.000000000e+00, v0;
	_ =	sdelay $0x1  }
0x242: {  	v2 =	vadd.f32 $1.000000000e+00, v2;
	_ =	sdelay $0x1  }
0x243: {  	v1 =	vsel vm0, v2, v1  }
0x244: {  	[tilespmem:s6+$0x0] =	vst v1  }
0x245: {  	v1 =	vld [tilespmem:s5+$0x0];
	_ =	sdelay $0x4  }
0x246: {  	v1 =	vadd.f32 $-1.000000000e+00, v1;
	_ =	sdelay $0x1  }
0x247: {  	v1 =	vmul.f32 $2.500000000e-01, v1;
	_ =	sdelay $0x1  }
0x248: {  	v0 =	vsub.f32 v0, v1;
	v1 =	vld [tilespmem:$0x10A00];
	_ =	sdelay $0x1  }
0x249: {  	p0 =	sne.s32 s9, $0x1F0;
	v0 =	vmul.f32 v0, v0  }
.Ltmp0:
0x24a: {  	_ = 	snop;
	(pc) =	sbr.rel @p0 .LBB2_2-.Ltmp0, $4  }
0x24b: {  	v0 =	vnsel vm0, $0x0, v0  }
0x24c: {  	v11 =	vmovc v25;
	v10 =	vmovc v24;
	v12 =	vmov v26;
	v14 =	vmov v28;
	v0 =	vadd.f32 v0, v1  }
0x24d: {  	s9 =	sadd.s32 $0x10, s9;
	s7 =	sadd.s32 $0x10, s7;
	v7 =	vmovc v21;
	v8 =	vmovc v22;
	v9 =	vmov v23;
	v3 =	vmov v17;
	v13 =	vmov v27  }
0x24e: {  	s8 =	sadd.s32 $0x10, s8;
	v5 =	vmovc v19;
	v4 =	vmovc v18;
	v6 =	vmov v20;
	s6 =	sadd.s32 $0x10, s6;
	v2 =	vmov v30;
	s5 =	sadd.s32 $0x10, s5;
	v1 =	vmov v29;
	[tilespmem:$0x10A00] =	vst v0  }
0x24f: {  	_ =	swait.ge [sflag:s14], $0x4000  }
0x250: {  	[sflag:s14] =	ssyncset.done $0x0  }
0x251: {  	[sflag:s14] =	ssyncadd.s32 $0xFFFFC000  }
0x252: {  	_ =	swait.ge [sflag:s15], $0x4000  }
0x253: {  	s6 =	simm.s32 $0x80;
	[sflag:s15] =	ssyncset.done $0x0  }
0x254: {  	s7 =	simm.s32 $0x10780;
	s5 =	rddreg [dreg:$0x18];
	[sflag:s15] =	ssyncadd.s32 $0xFFFFC000  }
0x255: {  	[hbm4b:s5+s6] =	stream.strided.scatter [tilespmem:s7], [sflag:$0x3], $0x200, s12, s6, $0x38;
	[tilespmem:$0x10A80] =	vst v63  }
0x256: {  	s7 =	simm.s32 $0x3  }
0x257: {  	_ =	swait.ge [sflag:s7], $0x200  }
0x258: {  	s8 =	simm.s32 $0x0;
	[sflag:s7] =	ssyncset.done $0x0  }
0x259: {  	s9 =	simm.s32 $0x10A00;
	s11 =	rddreg [dreg:$0x19];
	[sflag:s7] =	ssyncadd.s32 $0xFFFFFE00  }
0x25a: {  	[hbm4b:s11+s8] =	stream.linear.scatter [tilespmem:s9], [sflag:$0x3], $0x80, $0x38;
	[tilespmem:$0x10A80] =	vst v63  }
0x25b: {  	_ =	swait.ge [sflag:s7], $0x80  }
0x25c: {  	s4 =	sadd.s32 $0x1, s4;
	s13 =	rddreg [dreg:$0x1a]  }
0x25d: {  	p0 =	sne.s32 s4, s13  }
.Ltmp1:
0x25e: {  	_ = 	snop;
	(pc) =	sbr.rel @p0 .LBB2_1-.Ltmp1, $3  }
0x25f: {  	_ =	sdelay $0x1  }
0x260: {  	[sflag:s7] =	ssyncset.done $0x0  }
0x261: {  	[sflag:s7] =	ssyncadd.s32 $0xFFFFFF80  }
0x262: {  	_ =	sfence.sel $0x180000  }
0x263: {  	[bflag:$0x0] =	sbarrier.arrive $0xFFFF  }
0x264: {  	_ =	strace $0x90000047  }
0x265: {  	s0 =	stileid.u32;
	[bflag:$0x2] =	sbarrier.arrive $0xFFFF  }
0x266: {  	p0 =	sne.s32 s0, $0x0;
	s0 =	rddreg [dreg:$0x4]  }
0x267: {  	s0 =	sadd.s32 @!p0 $0x100000, s0  }
0x268: {  	[sflag:s0] =	ssyncadd.tile.s32 @!p0 $0x1;
	_ =	shalt  }
.Lfunc_end2:
_tile_overlayer_lowered:
.L_overlay_start_2:
0x269: {  	(tag) =	ssettag $0x2  }
0x26a: {  	s0 =	rddreg [dreg:$0x0];
	s2 =	stileid.u32  }
0x26b: {  	s1 =	rddreg [dreg:$0x1];
	p0 =	sne.s32 s2, $0x0  }
0x26c: {  	s3 =	rddreg [dreg:$0x2];
	[bflag:$0x3] =	sbarrier.arrive $0xFFFF;
	s2 =	simm.s32 @!p0 $0x1C03  }
0x26d: {  	[timem:s3], [sflag:s2] =	dma.local @!p0 [hbm:s0], s1  }
0x26e: {  	s0 =	simm.s32 @!p0 $0x3  }
0x26f: {  	_ =	swait.ge @!p0 [sflag:s0], s1  }
0x270: {  	s1 =	ssub.s32 @!p0 $0x0, s1;
	[sflag:s0] =	ssyncset.done @!p0 $0x0  }
0x271: {  	[sflag:s0] =	ssyncadd.s32 @!p0 s1  }
0x272: {  	[bflag:$0x3] =	sbarrier.arrive $0xFFFF  }
0x273: {  	_ =	shalt  }

</sc_bundles>
